<compile_context>
chip_gen: v7x
topology: tpu7x:2x2x1
jax: 0.10.2.dev20260603
libtpu: 0.0.44.dev20260713+nightly
codegen_flags: <defaults>
</compile_context>

<pallas_src>
import functools

import jax
import jax.numpy as jnp
from jax import lax
from jax.experimental import pallas as pl
from jax.experimental.pallas import tpu as pltpu
from jax.experimental.pallas import tpu_sc as plsc


def _sc_gather(tab_src, tab_dst, src, dst, ch):
    n, d2 = tab_src.shape
    e = src.shape[0]
    info = plsc.get_sparse_core_info()
    nw = info.num_cores * info.num_subcores
    per_w = e // nw
    n_ch = per_w // ch
    assert per_w * nw == e and n_ch * ch == per_w and ch % 8 == 0

    mesh = plsc.VectorSubcoreMesh(core_axis_name="c", subcore_axis_name="s")

    @functools.partial(
        pl.kernel,
        out_type=jax.ShapeDtypeStruct((e, d2), jnp.int32),
        mesh=mesh,
        scratch_types=[
            pltpu.VMEM((per_w,), jnp.int32),
            pltpu.VMEM((per_w,), jnp.int32),
            pltpu.VMEM((ch, d2), jnp.int32),
            pltpu.VMEM((ch, d2), jnp.int32),
            pltpu.SemaphoreType.DMA,
            pltpu.SemaphoreType.DMA,
        ],
    )
    def gather_kernel(tabs_hbm, tabd_hbm, src_hbm, dst_hbm, g_hbm,
                      src_v, dst_v, rows_a, rows_b, sem_a, sem_b):
        wid = lax.axis_index("s") * info.num_cores + lax.axis_index("c")
        base = pl.multiple_of(wid * per_w, ch)
        pltpu.sync_copy(src_hbm.at[pl.ds(base, per_w)], src_v)
        pltpu.sync_copy(dst_hbm.at[pl.ds(base, per_w)], dst_v)

        def chunk(j, rows, sem):
            off = pl.multiple_of(j * ch, ch)
            pltpu.async_copy(
                tabs_hbm.at[src_v.at[pl.ds(off, ch)]], rows, sem).wait()
            pltpu.async_copy(
                tabd_hbm.at[dst_v.at[pl.ds(off, ch)]], rows, sem,
                add=True).wait()
            pltpu.sync_copy(rows, g_hbm.at[pl.ds(base + off, ch)])

        def body(j2, carry):
            chunk(j2 * 2, rows_a, sem_a)
            chunk(j2 * 2 + 1, rows_b, sem_b)
            return carry

        assert n_ch % 2 == 0
        lax.fori_loop(0, n_ch // 2, body, 0)

    return gather_kernel(tab_src, tab_dst, src, dst)


def _tc_body(e_ref, g_ref, wsd_ref, bin_ref,
             wo_ref, bo_ref, gam_ref, bet_ref, *rest):
    o_ref = rest[-1]
    bf = jnp.bfloat16
    f32 = jnp.float32
    w = g_ref[...].astype(jnp.uint32)
    a = lax.bitcast_convert_type(w << 16, f32).astype(bf)
    b = lax.bitcast_convert_type(w & jnp.uint32(0xFFFF0000), f32).astype(bf)
    xin = jnp.concatenate([e_ref[...].astype(bf), a, b], axis=1)
    x = (jnp.dot(xin, wsd_ref[...], preferred_element_type=f32)
         + bin_ref[...])
    h = x / (1.0 + jnp.exp(-x))
    out = jnp.dot(h.astype(bf), wo_ref[...],
                  preferred_element_type=f32) + bo_ref[...]
    mean = jnp.mean(out, axis=-1, keepdims=True)
    var = jnp.mean((out - mean) ** 2, axis=-1, keepdims=True)
    o_ref[...] = ((out - mean) * lax.rsqrt(var + 1e-5) * gam_ref[...]
                  + bet_ref[...])


def _tc_chunk(y_prev, efeat, g_k, wsd, b_in, wo_t,
              b_out, ln_gamma, ln_beta, block_e, base_blk):
    e, d = efeat.shape
    h = wsd.shape[1]
    o = wo_t.shape[1]
    ce = g_k.shape[0]
    d2 = g_k.shape[1]
    grid = (ce // block_e,)
    edge_spec = pl.BlockSpec((block_e, d), lambda j: (base_blk + j, 0))
    chunk_spec = pl.BlockSpec((block_e, d2), lambda j: (j, 0))
    full = lambda r, c: pl.BlockSpec((r, c), lambda j: (0, 0))
    in_specs = [
        edge_spec, chunk_spec,
        full(d + 2 * d2, h), full(1, h),
        full(h, o), full(1, o), full(1, o), full(1, o),
    ]
    args = [efeat, g_k, wsd, b_in, wo_t, b_out, ln_gamma, ln_beta]
    aliases = {}
    if y_prev is not None:
        in_specs.append(pl.BlockSpec(memory_space=pl.ANY))
        args.append(y_prev)
        aliases = {len(args) - 1: 0}
    return pl.pallas_call(
        _tc_body,
        grid=grid,
        in_specs=in_specs,
        out_specs=pl.BlockSpec((block_e, o), lambda j: (base_blk + j, 0)),
        out_shape=jax.ShapeDtypeStruct((e, o), jnp.float32),
        input_output_aliases=aliases,
        compiler_params=pltpu.CompilerParams(
            dimension_semantics=("arbitrary",)),
    )(*args)


def kernel(efeat, nfeat, edge_index, W_efeat, W_src, W_dst, b_in, W_out,
           b_out, ln_gamma, ln_beta):
    n, d = nfeat.shape
    e = efeat.shape[0]
    h = W_efeat.shape[0]
    o = W_out.shape[0]
    block_e = 2560
    sizes = [12800, 76800, 76800, 76800, 76800]
    assert sum(sizes) == e and all(s % block_e == 0 for s in sizes)
    bounds = [0]
    for s in sizes:
        bounds.append(bounds[-1] + s)

    packed = lax.bitcast_convert_type(
        nfeat.astype(jnp.bfloat16).reshape(n, d // 2, 2), jnp.int32)
    zeros = jnp.zeros_like(packed)
    tab_src = jnp.concatenate([packed, zeros], axis=1)
    tab_dst = jnp.concatenate([zeros, packed], axis=1)

    src = edge_index[0]
    dst = edge_index[1]
    gathered = [
        _sc_gather(tab_src, tab_dst, src[bounds[k]:bounds[k + 1]],
                   dst[bounds[k]:bounds[k + 1]], ch=200)
        for k in range(len(sizes))
    ]

    bf = jnp.bfloat16
    ws_t = W_src.T
    wd_t = W_dst.T
    wsd = jnp.concatenate(
        [W_efeat.T, ws_t[0::2], wd_t[0::2], ws_t[1::2], wd_t[1::2]],
        axis=0).astype(bf)
    wo_t = W_out.T.astype(bf)
    b_in2 = b_in.reshape(1, h)
    b_out2 = b_out.reshape(1, o)
    g2 = ln_gamma.reshape(1, o)
    be2 = ln_beta.reshape(1, o)

    y = None
    for k in range(len(sizes)):
        y = _tc_chunk(y, efeat, gathered[k], wsd, b_in2,
                      wo_t, b_out2, g2, be2, block_e,
                      base_blk=bounds[k] // block_e)
    return y

# --- scband reference (transcript-rebuilt; emitter-appended) ---
"""Pipeline reference for scband-mesh-graph-edge-mlpsum-4552665334035 (READ-ONLY COPY).

The authoritative reference and input builder live on the scoring server;
editing this copy changes nothing except your own understanding.
"""

import jax, jax.numpy as jnp
import numpy as np

E = 320000
N = 10000
D = 128
H = 512
O = 512


def setup_inputs(seed: int = 0) -> dict:
    key = jax.random.key(seed)
    ks = jax.random.split(key, 11)
    efeat = jax.random.normal(ks[0], (E, D), dtype=jnp.float32)
    nfeat = jax.random.normal(ks[1], (N, D), dtype=jnp.float32)
    edge_index = jax.random.randint(ks[2], (2, E), 0, N, dtype=jnp.int32)
    s_in = 1.0 / np.sqrt(3 * D)
    W_efeat = jax.random.uniform(ks[3], (H, D), dtype=jnp.float32, minval=-s_in, maxval=s_in)
    W_src = jax.random.uniform(ks[4], (H, D), dtype=jnp.float32, minval=-s_in, maxval=s_in)
    W_dst = jax.random.uniform(ks[5], (H, D), dtype=jnp.float32, minval=-s_in, maxval=s_in)
    b_in = jax.random.uniform(ks[6], (H,), dtype=jnp.float32, minval=-s_in, maxval=s_in)
    s_out = 1.0 / np.sqrt(H)
    W_out = jax.random.uniform(ks[7], (O, H), dtype=jnp.float32, minval=-s_out, maxval=s_out)
    b_out = jax.random.uniform(ks[8], (O,), dtype=jnp.float32, minval=-s_out, maxval=s_out)
    ln_gamma = jnp.ones((O,), dtype=jnp.float32)
    ln_beta = jnp.zeros((O,), dtype=jnp.float32)
    return {"efeat": efeat, "nfeat": nfeat, "edge_index": edge_index,
            "W_efeat": W_efeat, "W_src": W_src, "W_dst": W_dst, "b_in": b_in,
            "W_out": W_out, "b_out": b_out, "ln_gamma": ln_gamma, "ln_beta": ln_beta}


def reference(efeat, nfeat, edge_index, W_efeat, W_src, W_dst, b_in, W_out, b_out, ln_gamma, ln_beta):
    # truncated sum: per-feature linear projections without bias (bias only on dst)
    mlp_efeat = efeat @ W_efeat.T
    mlp_src = nfeat @ W_src.T
    mlp_dst = nfeat @ W_dst.T + b_in
    src = edge_index[0]
    dst = edge_index[1]
    # sum_efeat: gather per-edge src/dst projections and add to edge projection
    mlp_sum = mlp_efeat + jnp.take(mlp_src, src, axis=0) + jnp.take(mlp_dst, dst, axis=0)
    # remaining model: SiLU -> Linear(hidden, output) -> LayerNorm
    h = mlp_sum * jax.nn.sigmoid(mlp_sum)
    out = h @ W_out.T + b_out
    mean = jnp.mean(out, axis=-1, keepdims=True)
    var = jnp.var(out, axis=-1, keepdims=True)
    y = (out - mean) / jnp.sqrt(var + 1e-5) * ln_gamma + ln_beta
    return y

if __name__ == "__main__":
    import jax
    _d = setup_inputs()
    print(jax.jit(kernel)(*tuple(_d.values())))

</pallas_src>

<mosaic_0001>
#map = affine_map<(d0, d1) -> (0, 0)>
#map1 = affine_map<(d0, d1) -> (0)>
module attributes {stable_mosaic.version = 14 : i64} {
  func.func @gather_kernel(%arg0: i32, %arg1: i32, %arg2: memref<10000x128xi32, #tpu.memory_space<hbm>>, %arg3: memref<10000x128xi32, #tpu.memory_space<hbm>>, %arg4: memref<12800xi32, #tpu.memory_space<hbm>>, %arg5: memref<12800xi32, #tpu.memory_space<hbm>>, %arg6: memref<12800x128xi32, #tpu.memory_space<hbm>>, %arg7: memref<400xi32, #tpu.memory_space<vmem>>, %arg8: memref<400xi32, #tpu.memory_space<vmem>>, %arg9: memref<200x128xi32, #tpu.memory_space<vmem>>, %arg10: memref<200x128xi32, #tpu.memory_space<vmem>>, %arg11: memref<!tpu.dma_semaphore, #tpu.memory_space<semaphore_mem>>, %arg12: memref<!tpu.dma_semaphore, #tpu.memory_space<semaphore_mem>>) attributes {dimension_semantics = [#tpu.dimension_semantics<core_parallel>, #tpu.dimension_semantics<subcore_parallel>], iteration_bounds = array<i64: 2, 16>, scalar_prefetch = 0 : i64, scratch_operands = 6 : i64, tpu.core_type = #tpu.core_type<sc_vector_subcore>, window_params = [{transform_indices = #map}, {transform_indices = #map}, {transform_indices = #map1}, {transform_indices = #map1}, {transform_indices = #map}]} {
    %mul3A = arith.constant 2 : i32
    %mul3A_0 = arith.muli %arg1, %mul3A : i32
    %add3A = arith.addi %mul3A_0, %arg0 : i32
    %mul3A_1 = arith.constant 400 : i32
    %mul3A_2 = arith.muli %add3A, %mul3A_1 : i32
    %multiple_of3A = tpu.assume_multiple %mul3A_2, 200 : i32
    "tpu.region"() ({
      %run_scoped3A = tpu.sem_alloc : memref<!tpu.dma_semaphore, #tpu.memory_space<semaphore_mem>>
      %dma_start3A_49 = tpu.memref_slice %arg4[%multiple_of3A] : memref<12800xi32, #tpu.memory_space<hbm>> -> memref<400xi32, #tpu.memory_space<hbm>>
      %dma_start3A_50 = tpu.memref_slice %arg4[%multiple_of3A] : memref<12800xi32, #tpu.memory_space<hbm>> -> memref<400xi32, #tpu.memory_space<hbm>>
      tpu.enqueue_dma source(%dma_start3A_50 : memref<400xi32, #tpu.memory_space<hbm>>) target(%arg7 : memref<400xi32, #tpu.memory_space<vmem>>) target_semaphore(%run_scoped3A : memref<!tpu.dma_semaphore, #tpu.memory_space<semaphore_mem>>)
      %dma_wait3A_51 = tpu.memref_slice %arg4[%multiple_of3A] : memref<12800xi32, #tpu.memory_space<hbm>> -> memref<400xi32, #tpu.memory_space<hbm>>
      %dma_wait3A_52 = tpu.memref_slice %arg4[%multiple_of3A] : memref<12800xi32, #tpu.memory_space<hbm>> -> memref<400xi32, #tpu.memory_space<hbm>>
      tpu.wait_dma2 semaphore(%run_scoped3A : memref<!tpu.dma_semaphore, #tpu.memory_space<semaphore_mem>>) src(%dma_wait3A_52 : memref<400xi32, #tpu.memory_space<hbm>>) dst(%arg7 : memref<400xi32, #tpu.memory_space<vmem>>)
      tpu.yield
    }) : () -> ()
    "tpu.region"() ({
      %run_scoped3A = tpu.sem_alloc : memref<!tpu.dma_semaphore, #tpu.memory_space<semaphore_mem>>
      %dma_start3A_49 = tpu.memref_slice %arg5[%multiple_of3A] : memref<12800xi32, #tpu.memory_space<hbm>> -> memref<400xi32, #tpu.memory_space<hbm>>
      %dma_start3A_50 = tpu.memref_slice %arg5[%multiple_of3A] : memref<12800xi32, #tpu.memory_space<hbm>> -> memref<400xi32, #tpu.memory_space<hbm>>
      tpu.enqueue_dma source(%dma_start3A_50 : memref<400xi32, #tpu.memory_space<hbm>>) target(%arg8 : memref<400xi32, #tpu.memory_space<vmem>>) target_semaphore(%run_scoped3A : memref<!tpu.dma_semaphore, #tpu.memory_space<semaphore_mem>>)
      %dma_wait3A_51 = tpu.memref_slice %arg5[%multiple_of3A] : memref<12800xi32, #tpu.memory_space<hbm>> -> memref<400xi32, #tpu.memory_space<hbm>>
      %dma_wait3A_52 = tpu.memref_slice %arg5[%multiple_of3A] : memref<12800xi32, #tpu.memory_space<hbm>> -> memref<400xi32, #tpu.memory_space<hbm>>
      tpu.wait_dma2 semaphore(%run_scoped3A : memref<!tpu.dma_semaphore, #tpu.memory_space<semaphore_mem>>) src(%dma_wait3A_52 : memref<400xi32, #tpu.memory_space<hbm>>) dst(%arg8 : memref<400xi32, #tpu.memory_space<vmem>>)
      tpu.yield
    }) : () -> ()
    %scan3A = arith.constant 0 : i32
    %scan3A_3 = arith.constant 0 : i32
    %mul3A_4 = arith.constant 2 : i32
    %mul3A_5 = arith.muli %scan3A_3, %mul3A_4 : i32
    %mul3A_6 = arith.constant 200 : i32
    %mul3A_7 = arith.muli %mul3A_5, %mul3A_6 : i32
    %multiple_of3A_8 = tpu.assume_multiple %mul3A_7, 200 : i32
    %dma_start3A = tpu.memref_slice %arg7[%multiple_of3A_8] : memref<400xi32, #tpu.memory_space<vmem>> -> memref<200xi32, #tpu.memory_space<vmem>>
    %dma_start3A_9 = arith.constant 0 : i32
    %dma_start3A_10 = arith.constant 0 : i32
    %dma_start3A_11 = tpu.memref_slice %arg2[%dma_start3A_9, %dma_start3A_10] : memref<10000x128xi32, #tpu.memory_space<hbm>> -> memref<10000x128xi32, #tpu.memory_space<hbm>>
    tpu.enqueue_indirect_dma source(%dma_start3A_11 : memref<10000x128xi32, #tpu.memory_space<hbm>>) target(%arg9 : memref<200x128xi32, #tpu.memory_space<vmem>>) offsets(%dma_start3A : memref<200xi32, #tpu.memory_space<vmem>>) semaphore(%arg11 : memref<!tpu.dma_semaphore, #tpu.memory_space<semaphore_mem>>)
    %dma_wait3A = tpu.memref_slice %arg7[%multiple_of3A_8] : memref<400xi32, #tpu.memory_space<vmem>> -> memref<200xi32, #tpu.memory_space<vmem>>
    %dma_wait3A_12 = arith.constant 0 : i32
    %dma_wait3A_13 = arith.constant 0 : i32
    %dma_wait3A_14 = tpu.memref_slice %arg2[%dma_wait3A_12, %dma_wait3A_13] : memref<10000x128xi32, #tpu.memory_space<hbm>> -> memref<10000x128xi32, #tpu.memory_space<hbm>>
    tpu.wait_indirect_dma semaphore(%arg11 : memref<!tpu.dma_semaphore, #tpu.memory_space<semaphore_mem>>) src(%dma_wait3A_14 : memref<10000x128xi32, #tpu.memory_space<hbm>>) dst(%arg9 : memref<200x128xi32, #tpu.memory_space<vmem>>)
    %dma_start3A_15 = tpu.memref_slice %arg8[%multiple_of3A_8] : memref<400xi32, #tpu.memory_space<vmem>> -> memref<200xi32, #tpu.memory_space<vmem>>
    %dma_start3A_16 = arith.constant 0 : i32
    %dma_start3A_17 = arith.constant 0 : i32
    %dma_start3A_18 = tpu.memref_slice %arg3[%dma_start3A_16, %dma_start3A_17] : memref<10000x128xi32, #tpu.memory_space<hbm>> -> memref<10000x128xi32, #tpu.memory_space<hbm>>
    tpu.enqueue_indirect_dma source(%dma_start3A_18 : memref<10000x128xi32, #tpu.memory_space<hbm>>) target(%arg9 : memref<200x128xi32, #tpu.memory_space<vmem>>) offsets(%dma_start3A_15 : memref<200xi32, #tpu.memory_space<vmem>>) semaphore(%arg11 : memref<!tpu.dma_semaphore, #tpu.memory_space<semaphore_mem>>) {add = true}
    %dma_wait3A_19 = tpu.memref_slice %arg8[%multiple_of3A_8] : memref<400xi32, #tpu.memory_space<vmem>> -> memref<200xi32, #tpu.memory_space<vmem>>
    %dma_wait3A_20 = arith.constant 0 : i32
    %dma_wait3A_21 = arith.constant 0 : i32
    %dma_wait3A_22 = tpu.memref_slice %arg3[%dma_wait3A_20, %dma_wait3A_21] : memref<10000x128xi32, #tpu.memory_space<hbm>> -> memref<10000x128xi32, #tpu.memory_space<hbm>>
    tpu.wait_indirect_dma semaphore(%arg11 : memref<!tpu.dma_semaphore, #tpu.memory_space<semaphore_mem>>) src(%dma_wait3A_22 : memref<10000x128xi32, #tpu.memory_space<hbm>>) dst(%arg9 : memref<200x128xi32, #tpu.memory_space<vmem>>)
    %add3A_23 = arith.addi %multiple_of3A, %multiple_of3A_8 : i32
    "tpu.region"() ({
      %run_scoped3A = tpu.sem_alloc : memref<!tpu.dma_semaphore, #tpu.memory_space<semaphore_mem>>
      %dma_start3A_49 = arith.constant 0 : i32
      %dma_start3A_50 = tpu.memref_slice %arg6[%add3A_23, %dma_start3A_49] : memref<12800x128xi32, #tpu.memory_space<hbm>> -> memref<200x128xi32, #tpu.memory_space<hbm>>
      %dma_start3A_51 = arith.constant 0 : i32
      %dma_start3A_52 = tpu.memref_slice %arg6[%add3A_23, %dma_start3A_51] : memref<12800x128xi32, #tpu.memory_space<hbm>> -> memref<200x128xi32, #tpu.memory_space<hbm>>
      tpu.enqueue_dma source(%arg9 : memref<200x128xi32, #tpu.memory_space<vmem>>) target(%dma_start3A_52 : memref<200x128xi32, #tpu.memory_space<hbm>>) target_semaphore(%run_scoped3A : memref<!tpu.dma_semaphore, #tpu.memory_space<semaphore_mem>>)
      %dma_wait3A_53 = arith.constant 0 : i32
      %dma_wait3A_54 = tpu.memref_slice %arg6[%add3A_23, %dma_wait3A_53] : memref<12800x128xi32, #tpu.memory_space<hbm>> -> memref<200x128xi32, #tpu.memory_space<hbm>>
      %dma_wait3A_55 = arith.constant 0 : i32
      %dma_wait3A_56 = tpu.memref_slice %arg6[%add3A_23, %dma_wait3A_55] : memref<12800x128xi32, #tpu.memory_space<hbm>> -> memref<200x128xi32, #tpu.memory_space<hbm>>
      tpu.wait_dma2 semaphore(%run_scoped3A : memref<!tpu.dma_semaphore, #tpu.memory_space<semaphore_mem>>) src(%arg9 : memref<200x128xi32, #tpu.memory_space<vmem>>) dst(%dma_wait3A_56 : memref<200x128xi32, #tpu.memory_space<hbm>>)
      tpu.yield
    }) : () -> ()
    %mul3A_24 = arith.constant 2 : i32
    %mul3A_25 = arith.muli %scan3A_3, %mul3A_24 : i32
    %add3A_26 = arith.constant 1 : i32
    %add3A_27 = arith.addi %mul3A_25, %add3A_26 : i32
    %mul3A_28 = arith.constant 200 : i32
    %mul3A_29 = arith.muli %add3A_27, %mul3A_28 : i32
    %multiple_of3A_30 = tpu.assume_multiple %mul3A_29, 200 : i32
    %dma_start3A_31 = tpu.memref_slice %arg7[%multiple_of3A_30] : memref<400xi32, #tpu.memory_space<vmem>> -> memref<200xi32, #tpu.memory_space<vmem>>
    %dma_start3A_32 = arith.constant 0 : i32
    %dma_start3A_33 = arith.constant 0 : i32
    %dma_start3A_34 = tpu.memref_slice %arg2[%dma_start3A_32, %dma_start3A_33] : memref<10000x128xi32, #tpu.memory_space<hbm>> -> memref<10000x128xi32, #tpu.memory_space<hbm>>
    tpu.enqueue_indirect_dma source(%dma_start3A_34 : memref<10000x128xi32, #tpu.memory_space<hbm>>) target(%arg10 : memref<200x128xi32, #tpu.memory_space<vmem>>) offsets(%dma_start3A_31 : memref<200xi32, #tpu.memory_space<vmem>>) semaphore(%arg12 : memref<!tpu.dma_semaphore, #tpu.memory_space<semaphore_mem>>)
    %dma_wait3A_35 = tpu.memref_slice %arg7[%multiple_of3A_30] : memref<400xi32, #tpu.memory_space<vmem>> -> memref<200xi32, #tpu.memory_space<vmem>>
    %dma_wait3A_36 = arith.constant 0 : i32
    %dma_wait3A_37 = arith.constant 0 : i32
    %dma_wait3A_38 = tpu.memref_slice %arg2[%dma_wait3A_36, %dma_wait3A_37] : memref<10000x128xi32, #tpu.memory_space<hbm>> -> memref<10000x128xi32, #tpu.memory_space<hbm>>
    tpu.wait_indirect_dma semaphore(%arg12 : memref<!tpu.dma_semaphore, #tpu.memory_space<semaphore_mem>>) src(%dma_wait3A_38 : memref<10000x128xi32, #tpu.memory_space<hbm>>) dst(%arg10 : memref<200x128xi32, #tpu.memory_space<vmem>>)
    %dma_start3A_39 = tpu.memref_slice %arg8[%multiple_of3A_30] : memref<400xi32, #tpu.memory_space<vmem>> -> memref<200xi32, #tpu.memory_space<vmem>>
    %dma_start3A_40 = arith.constant 0 : i32
    %dma_start3A_41 = arith.constant 0 : i32
    %dma_start3A_42 = tpu.memref_slice %arg3[%dma_start3A_40, %dma_start3A_41] : memref<10000x128xi32, #tpu.memory_space<hbm>> -> memref<10000x128xi32, #tpu.memory_space<hbm>>
    tpu.enqueue_indirect_dma source(%dma_start3A_42 : memref<10000x128xi32, #tpu.memory_space<hbm>>) target(%arg10 : memref<200x128xi32, #tpu.memory_space<vmem>>) offsets(%dma_start3A_39 : memref<200xi32, #tpu.memory_space<vmem>>) semaphore(%arg12 : memref<!tpu.dma_semaphore, #tpu.memory_space<semaphore_mem>>) {add = true}
    %dma_wait3A_43 = tpu.memref_slice %arg8[%multiple_of3A_30] : memref<400xi32, #tpu.memory_space<vmem>> -> memref<200xi32, #tpu.memory_space<vmem>>
    %dma_wait3A_44 = arith.constant 0 : i32
    %dma_wait3A_45 = arith.constant 0 : i32
    %dma_wait3A_46 = tpu.memref_slice %arg3[%dma_wait3A_44, %dma_wait3A_45] : memref<10000x128xi32, #tpu.memory_space<hbm>> -> memref<10000x128xi32, #tpu.memory_space<hbm>>
    tpu.wait_indirect_dma semaphore(%arg12 : memref<!tpu.dma_semaphore, #tpu.memory_space<semaphore_mem>>) src(%dma_wait3A_46 : memref<10000x128xi32, #tpu.memory_space<hbm>>) dst(%arg10 : memref<200x128xi32, #tpu.memory_space<vmem>>)
    %add3A_47 = arith.addi %multiple_of3A, %multiple_of3A_30 : i32
    "tpu.region"() ({
      %run_scoped3A = tpu.sem_alloc : memref<!tpu.dma_semaphore, #tpu.memory_space<semaphore_mem>>
      %dma_start3A_49 = arith.constant 0 : i32
      %dma_start3A_50 = tpu.memref_slice %arg6[%add3A_47, %dma_start3A_49] : memref<12800x128xi32, #tpu.memory_space<hbm>> -> memref<200x128xi32, #tpu.memory_space<hbm>>
      %dma_start3A_51 = arith.constant 0 : i32
      %dma_start3A_52 = tpu.memref_slice %arg6[%add3A_47, %dma_start3A_51] : memref<12800x128xi32, #tpu.memory_space<hbm>> -> memref<200x128xi32, #tpu.memory_space<hbm>>
      tpu.enqueue_dma source(%arg10 : memref<200x128xi32, #tpu.memory_space<vmem>>) target(%dma_start3A_52 : memref<200x128xi32, #tpu.memory_space<hbm>>) target_semaphore(%run_scoped3A : memref<!tpu.dma_semaphore, #tpu.memory_space<semaphore_mem>>)
      %dma_wait3A_53 = arith.constant 0 : i32
      %dma_wait3A_54 = tpu.memref_slice %arg6[%add3A_47, %dma_wait3A_53] : memref<12800x128xi32, #tpu.memory_space<hbm>> -> memref<200x128xi32, #tpu.memory_space<hbm>>
      %dma_wait3A_55 = arith.constant 0 : i32
      %dma_wait3A_56 = tpu.memref_slice %arg6[%add3A_47, %dma_wait3A_55] : memref<12800x128xi32, #tpu.memory_space<hbm>> -> memref<200x128xi32, #tpu.memory_space<hbm>>
      tpu.wait_dma2 semaphore(%run_scoped3A : memref<!tpu.dma_semaphore, #tpu.memory_space<semaphore_mem>>) src(%arg10 : memref<200x128xi32, #tpu.memory_space<vmem>>) dst(%dma_wait3A_56 : memref<200x128xi32, #tpu.memory_space<hbm>>)
      tpu.yield
    }) : () -> ()
    %scan3A_48 = arith.constant 1 : i32
    return
  }
}

#map = affine_map<(d0, d1) -> (0, 0)>
#map1 = affine_map<(d0, d1) -> (0)>
module attributes {stable_mosaic.version = 14 : i64} {
  func.func @gather_kernel(%arg0: i32, %arg1: i32, %arg2: memref<10000x128xi32, #tpu.memory_space<hbm>>, %arg3: memref<10000x128xi32, #tpu.memory_space<hbm>>, %arg4: memref<76800xi32, #tpu.memory_space<hbm>>, %arg5: memref<76800xi32, #tpu.memory_space<hbm>>, %arg6: memref<76800x128xi32, #tpu.memory_space<hbm>>, %arg7: memref<2400xi32, #tpu.memory_space<vmem>>, %arg8: memref<2400xi32, #tpu.memory_space<vmem>>, %arg9: memref<200x128xi32, #tpu.memory_space<vmem>>, %arg10: memref<200x128xi32, #tpu.memory_space<vmem>>, %arg11: memref<!tpu.dma_semaphore, #tpu.memory_space<semaphore_mem>>, %arg12: memref<!tpu.dma_semaphore, #tpu.memory_space<semaphore_mem>>) attributes {dimension_semantics = [#tpu.dimension_semantics<core_parallel>, #tpu.dimension_semantics<subcore_parallel>], iteration_bounds = array<i64: 2, 16>, scalar_prefetch = 0 : i64, scratch_operands = 6 : i64, tpu.core_type = #tpu.core_type<sc_vector_subcore>, window_params = [{transform_indices = #map}, {transform_indices = #map}, {transform_indices = #map1}, {transform_indices = #map1}, {transform_indices = #map}]} {
    %mul3A = arith.constant 2 : i32
    %mul3A_0 = arith.muli %arg1, %mul3A : i32
    %add3A = arith.addi %mul3A_0, %arg0 : i32
    %mul3A_1 = arith.constant 2400 : i32
    %mul3A_2 = arith.muli %add3A, %mul3A_1 : i32
    %multiple_of3A = tpu.assume_multiple %mul3A_2, 200 : i32
    "tpu.region"() ({
      %run_scoped3A = tpu.sem_alloc : memref<!tpu.dma_semaphore, #tpu.memory_space<semaphore_mem>>
      %dma_start3A = tpu.memref_slice %arg4[%multiple_of3A] : memref<76800xi32, #tpu.memory_space<hbm>> -> memref<2400xi32, #tpu.memory_space<hbm>>
      %dma_start3A_8 = tpu.memref_slice %arg4[%multiple_of3A] : memref<76800xi32, #tpu.memory_space<hbm>> -> memref<2400xi32, #tpu.memory_space<hbm>>
      tpu.enqueue_dma source(%dma_start3A_8 : memref<2400xi32, #tpu.memory_space<hbm>>) target(%arg7 : memref<2400xi32, #tpu.memory_space<vmem>>) target_semaphore(%run_scoped3A : memref<!tpu.dma_semaphore, #tpu.memory_space<semaphore_mem>>)
      %dma_wait3A = tpu.memref_slice %arg4[%multiple_of3A] : memref<76800xi32, #tpu.memory_space<hbm>> -> memref<2400xi32, #tpu.memory_space<hbm>>
      %dma_wait3A_9 = tpu.memref_slice %arg4[%multiple_of3A] : memref<76800xi32, #tpu.memory_space<hbm>> -> memref<2400xi32, #tpu.memory_space<hbm>>
      tpu.wait_dma2 semaphore(%run_scoped3A : memref<!tpu.dma_semaphore, #tpu.memory_space<semaphore_mem>>) src(%dma_wait3A_9 : memref<2400xi32, #tpu.memory_space<hbm>>) dst(%arg7 : memref<2400xi32, #tpu.memory_space<vmem>>)
      tpu.yield
    }) : () -> ()
    "tpu.region"() ({
      %run_scoped3A = tpu.sem_alloc : memref<!tpu.dma_semaphore, #tpu.memory_space<semaphore_mem>>
      %dma_start3A = tpu.memref_slice %arg5[%multiple_of3A] : memref<76800xi32, #tpu.memory_space<hbm>> -> memref<2400xi32, #tpu.memory_space<hbm>>
      %dma_start3A_8 = tpu.memref_slice %arg5[%multiple_of3A] : memref<76800xi32, #tpu.memory_space<hbm>> -> memref<2400xi32, #tpu.memory_space<hbm>>
      tpu.enqueue_dma source(%dma_start3A_8 : memref<2400xi32, #tpu.memory_space<hbm>>) target(%arg8 : memref<2400xi32, #tpu.memory_space<vmem>>) target_semaphore(%run_scoped3A : memref<!tpu.dma_semaphore, #tpu.memory_space<semaphore_mem>>)
      %dma_wait3A = tpu.memref_slice %arg5[%multiple_of3A] : memref<76800xi32, #tpu.memory_space<hbm>> -> memref<2400xi32, #tpu.memory_space<hbm>>
      %dma_wait3A_9 = tpu.memref_slice %arg5[%multiple_of3A] : memref<76800xi32, #tpu.memory_space<hbm>> -> memref<2400xi32, #tpu.memory_space<hbm>>
      tpu.wait_dma2 semaphore(%run_scoped3A : memref<!tpu.dma_semaphore, #tpu.memory_space<semaphore_mem>>) src(%dma_wait3A_9 : memref<2400xi32, #tpu.memory_space<hbm>>) dst(%arg8 : memref<2400xi32, #tpu.memory_space<vmem>>)
      tpu.yield
    }) : () -> ()
    %scan3A = arith.constant 0 : i32
    %scan3A_3 = arith.constant 0 : i32
    %scan3A_4 = arith.constant 6 : i32
    %scan3A_5 = arith.addi %scan3A_3, %scan3A_4 : i32
    %scan3A_6 = arith.constant 1 : i32
    scf.for %scan3A_8 = %scan3A_3 to %scan3A_5 step %scan3A_6  : i32 {
      %mul3A_9 = arith.constant 2 : i32
      %mul3A_10 = arith.muli %scan3A_8, %mul3A_9 : i32
      %mul3A_11 = arith.constant 200 : i32
      %mul3A_12 = arith.muli %mul3A_10, %mul3A_11 : i32
      %multiple_of3A_13 = tpu.assume_multiple %mul3A_12, 200 : i32
      %dma_start3A = tpu.memref_slice %arg7[%multiple_of3A_13] : memref<2400xi32, #tpu.memory_space<vmem>> -> memref<200xi32, #tpu.memory_space<vmem>>
      %dma_start3A_14 = arith.constant 0 : i32
      %dma_start3A_15 = arith.constant 0 : i32
      %dma_start3A_16 = tpu.memref_slice %arg2[%dma_start3A_14, %dma_start3A_15] : memref<10000x128xi32, #tpu.memory_space<hbm>> -> memref<10000x128xi32, #tpu.memory_space<hbm>>
      tpu.enqueue_indirect_dma source(%dma_start3A_16 : memref<10000x128xi32, #tpu.memory_space<hbm>>) target(%arg9 : memref<200x128xi32, #tpu.memory_space<vmem>>) offsets(%dma_start3A : memref<200xi32, #tpu.memory_space<vmem>>) semaphore(%arg11 : memref<!tpu.dma_semaphore, #tpu.memory_space<semaphore_mem>>)
      %dma_wait3A = tpu.memref_slice %arg7[%multiple_of3A_13] : memref<2400xi32, #tpu.memory_space<vmem>> -> memref<200xi32, #tpu.memory_space<vmem>>
      %dma_wait3A_17 = arith.constant 0 : i32
      %dma_wait3A_18 = arith.constant 0 : i32
      %dma_wait3A_19 = tpu.memref_slice %arg2[%dma_wait3A_17, %dma_wait3A_18] : memref<10000x128xi32, #tpu.memory_space<hbm>> -> memref<10000x128xi32, #tpu.memory_space<hbm>>
      tpu.wait_indirect_dma semaphore(%arg11 : memref<!tpu.dma_semaphore, #tpu.memory_space<semaphore_mem>>) src(%dma_wait3A_19 : memref<10000x128xi32, #tpu.memory_space<hbm>>) dst(%arg9 : memref<200x128xi32, #tpu.memory_space<vmem>>)
      %dma_start3A_20 = tpu.memref_slice %arg8[%multiple_of3A_13] : memref<2400xi32, #tpu.memory_space<vmem>> -> memref<200xi32, #tpu.memory_space<vmem>>
      %dma_start3A_21 = arith.constant 0 : i32
      %dma_start3A_22 = arith.constant 0 : i32
      %dma_start3A_23 = tpu.memref_slice %arg3[%dma_start3A_21, %dma_start3A_22] : memref<10000x128xi32, #tpu.memory_space<hbm>> -> memref<10000x128xi32, #tpu.memory_space<hbm>>
      tpu.enqueue_indirect_dma source(%dma_start3A_23 : memref<10000x128xi32, #tpu.memory_space<hbm>>) target(%arg9 : memref<200x128xi32, #tpu.memory_space<vmem>>) offsets(%dma_start3A_20 : memref<200xi32, #tpu.memory_space<vmem>>) semaphore(%arg11 : memref<!tpu.dma_semaphore, #tpu.memory_space<semaphore_mem>>) {add = true}
      %dma_wait3A_24 = tpu.memref_slice %arg8[%multiple_of3A_13] : memref<2400xi32, #tpu.memory_space<vmem>> -> memref<200xi32, #tpu.memory_space<vmem>>
      %dma_wait3A_25 = arith.constant 0 : i32
      %dma_wait3A_26 = arith.constant 0 : i32
      %dma_wait3A_27 = tpu.memref_slice %arg3[%dma_wait3A_25, %dma_wait3A_26] : memref<10000x128xi32, #tpu.memory_space<hbm>> -> memref<10000x128xi32, #tpu.memory_space<hbm>>
      tpu.wait_indirect_dma semaphore(%arg11 : memref<!tpu.dma_semaphore, #tpu.memory_space<semaphore_mem>>) src(%dma_wait3A_27 : memref<10000x128xi32, #tpu.memory_space<hbm>>) dst(%arg9 : memref<200x128xi32, #tpu.memory_space<vmem>>)
      %add3A_28 = arith.addi %multiple_of3A, %multiple_of3A_13 : i32
      "tpu.region"() ({
        %run_scoped3A = tpu.sem_alloc : memref<!tpu.dma_semaphore, #tpu.memory_space<semaphore_mem>>
        %dma_start3A_53 = arith.constant 0 : i32
        %dma_start3A_54 = tpu.memref_slice %arg6[%add3A_28, %dma_start3A_53] : memref<76800x128xi32, #tpu.memory_space<hbm>> -> memref<200x128xi32, #tpu.memory_space<hbm>>
        %dma_start3A_55 = arith.constant 0 : i32
        %dma_start3A_56 = tpu.memref_slice %arg6[%add3A_28, %dma_start3A_55] : memref<76800x128xi32, #tpu.memory_space<hbm>> -> memref<200x128xi32, #tpu.memory_space<hbm>>
        tpu.enqueue_dma source(%arg9 : memref<200x128xi32, #tpu.memory_space<vmem>>) target(%dma_start3A_56 : memref<200x128xi32, #tpu.memory_space<hbm>>) target_semaphore(%run_scoped3A : memref<!tpu.dma_semaphore, #tpu.memory_space<semaphore_mem>>)
        %dma_wait3A_57 = arith.constant 0 : i32
        %dma_wait3A_58 = tpu.memref_slice %arg6[%add3A_28, %dma_wait3A_57] : memref<76800x128xi32, #tpu.memory_space<hbm>> -> memref<200x128xi32, #tpu.memory_space<hbm>>
        %dma_wait3A_59 = arith.constant 0 : i32
        %dma_wait3A_60 = tpu.memref_slice %arg6[%add3A_28, %dma_wait3A_59] : memref<76800x128xi32, #tpu.memory_space<hbm>> -> memref<200x128xi32, #tpu.memory_space<hbm>>
        tpu.wait_dma2 semaphore(%run_scoped3A : memref<!tpu.dma_semaphore, #tpu.memory_space<semaphore_mem>>) src(%arg9 : memref<200x128xi32, #tpu.memory_space<vmem>>) dst(%dma_wait3A_60 : memref<200x128xi32, #tpu.memory_space<hbm>>)
        tpu.yield
      }) : () -> ()
      %mul3A_29 = arith.constant 2 : i32
      %mul3A_30 = arith.muli %scan3A_8, %mul3A_29 : i32
      %add3A_31 = arith.constant 1 : i32
      %add3A_32 = arith.addi %mul3A_30, %add3A_31 : i32
      %mul3A_33 = arith.constant 200 : i32
      %mul3A_34 = arith.muli %add3A_32, %mul3A_33 : i32
      %multiple_of3A_35 = tpu.assume_multiple %mul3A_34, 200 : i32
      %dma_start3A_36 = tpu.memref_slice %arg7[%multiple_of3A_35] : memref<2400xi32, #tpu.memory_space<vmem>> -> memref<200xi32, #tpu.memory_space<vmem>>
      %dma_start3A_37 = arith.constant 0 : i32
      %dma_start3A_38 = arith.constant 0 : i32
      %dma_start3A_39 = tpu.memref_slice %arg2[%dma_start3A_37, %dma_start3A_38] : memref<10000x128xi32, #tpu.memory_space<hbm>> -> memref<10000x128xi32, #tpu.memory_space<hbm>>
      tpu.enqueue_indirect_dma source(%dma_start3A_39 : memref<10000x128xi32, #tpu.memory_space<hbm>>) target(%arg10 : memref<200x128xi32, #tpu.memory_space<vmem>>) offsets(%dma_start3A_36 : memref<200xi32, #tpu.memory_space<vmem>>) semaphore(%arg12 : memref<!tpu.dma_semaphore, #tpu.memory_space<semaphore_mem>>)
      %dma_wait3A_40 = tpu.memref_slice %arg7[%multiple_of3A_35] : memref<2400xi32, #tpu.memory_space<vmem>> -> memref<200xi32, #tpu.memory_space<vmem>>
      %dma_wait3A_41 = arith.constant 0 : i32
      %dma_wait3A_42 = arith.constant 0 : i32
      %dma_wait3A_43 = tpu.memref_slice %arg2[%dma_wait3A_41, %dma_wait3A_42] : memref<10000x128xi32, #tpu.memory_space<hbm>> -> memref<10000x128xi32, #tpu.memory_space<hbm>>
      tpu.wait_indirect_dma semaphore(%arg12 : memref<!tpu.dma_semaphore, #tpu.memory_space<semaphore_mem>>) src(%dma_wait3A_43 : memref<10000x128xi32, #tpu.memory_space<hbm>>) dst(%arg10 : memref<200x128xi32, #tpu.memory_space<vmem>>)
      %dma_start3A_44 = tpu.memref_slice %arg8[%multiple_of3A_35] : memref<2400xi32, #tpu.memory_space<vmem>> -> memref<200xi32, #tpu.memory_space<vmem>>
      %dma_start3A_45 = arith.constant 0 : i32
      %dma_start3A_46 = arith.constant 0 : i32
      %dma_start3A_47 = tpu.memref_slice %arg3[%dma_start3A_45, %dma_start3A_46] : memref<10000x128xi32, #tpu.memory_space<hbm>> -> memref<10000x128xi32, #tpu.memory_space<hbm>>
      tpu.enqueue_indirect_dma source(%dma_start3A_47 : memref<10000x128xi32, #tpu.memory_space<hbm>>) target(%arg10 : memref<200x128xi32, #tpu.memory_space<vmem>>) offsets(%dma_start3A_44 : memref<200xi32, #tpu.memory_space<vmem>>) semaphore(%arg12 : memref<!tpu.dma_semaphore, #tpu.memory_space<semaphore_mem>>) {add = true}
      %dma_wait3A_48 = tpu.memref_slice %arg8[%multiple_of3A_35] : memref<2400xi32, #tpu.memory_space<vmem>> -> memref<200xi32, #tpu.memory_space<vmem>>
      %dma_wait3A_49 = arith.constant 0 : i32
      %dma_wait3A_50 = arith.constant 0 : i32
      %dma_wait3A_51 = tpu.memref_slice %arg3[%dma_wait3A_49, %dma_wait3A_50] : memref<10000x128xi32, #tpu.memory_space<hbm>> -> memref<10000x128xi32, #tpu.memory_space<hbm>>
      tpu.wait_indirect_dma semaphore(%arg12 : memref<!tpu.dma_semaphore, #tpu.memory_space<semaphore_mem>>) src(%dma_wait3A_51 : memref<10000x128xi32, #tpu.memory_space<hbm>>) dst(%arg10 : memref<200x128xi32, #tpu.memory_space<vmem>>)
      %add3A_52 = arith.addi %multiple_of3A, %multiple_of3A_35 : i32
      "tpu.region"() ({
        %run_scoped3A = tpu.sem_alloc : memref<!tpu.dma_semaphore, #tpu.memory_space<semaphore_mem>>
        %dma_start3A_53 = arith.constant 0 : i32
        %dma_start3A_54 = tpu.memref_slice %arg6[%add3A_52, %dma_start3A_53] : memref<76800x128xi32, #tpu.memory_space<hbm>> -> memref<200x128xi32, #tpu.memory_space<hbm>>
        %dma_start3A_55 = arith.constant 0 : i32
        %dma_start3A_56 = tpu.memref_slice %arg6[%add3A_52, %dma_start3A_55] : memref<76800x128xi32, #tpu.memory_space<hbm>> -> memref<200x128xi32, #tpu.memory_space<hbm>>
        tpu.enqueue_dma source(%arg10 : memref<200x128xi32, #tpu.memory_space<vmem>>) target(%dma_start3A_56 : memref<200x128xi32, #tpu.memory_space<hbm>>) target_semaphore(%run_scoped3A : memref<!tpu.dma_semaphore, #tpu.memory_space<semaphore_mem>>)
        %dma_wait3A_57 = arith.constant 0 : i32
        %dma_wait3A_58 = tpu.memref_slice %arg6[%add3A_52, %dma_wait3A_57] : memref<76800x128xi32, #tpu.memory_space<hbm>> -> memref<200x128xi32, #tpu.memory_space<hbm>>
        %dma_wait3A_59 = arith.constant 0 : i32
        %dma_wait3A_60 = tpu.memref_slice %arg6[%add3A_52, %dma_wait3A_59] : memref<76800x128xi32, #tpu.memory_space<hbm>> -> memref<200x128xi32, #tpu.memory_space<hbm>>
        tpu.wait_dma2 semaphore(%run_scoped3A : memref<!tpu.dma_semaphore, #tpu.memory_space<semaphore_mem>>) src(%arg10 : memref<200x128xi32, #tpu.memory_space<vmem>>) dst(%dma_wait3A_60 : memref<200x128xi32, #tpu.memory_space<hbm>>)
        tpu.yield
      }) : () -> ()
    }
    %scan3A_7 = arith.constant 6 : i32
    return
  }
}

#map = affine_map<(d0, d1) -> (0, 0)>
#map1 = affine_map<(d0, d1) -> (0)>
module attributes {stable_mosaic.version = 14 : i64} {
  func.func @gather_kernel(%arg0: i32, %arg1: i32, %arg2: memref<10000x128xi32, #tpu.memory_space<hbm>>, %arg3: memref<10000x128xi32, #tpu.memory_space<hbm>>, %arg4: memref<76800xi32, #tpu.memory_space<hbm>>, %arg5: memref<76800xi32, #tpu.memory_space<hbm>>, %arg6: memref<76800x128xi32, #tpu.memory_space<hbm>>, %arg7: memref<2400xi32, #tpu.memory_space<vmem>>, %arg8: memref<2400xi32, #tpu.memory_space<vmem>>, %arg9: memref<200x128xi32, #tpu.memory_space<vmem>>, %arg10: memref<200x128xi32, #tpu.memory_space<vmem>>, %arg11: memref<!tpu.dma_semaphore, #tpu.memory_space<semaphore_mem>>, %arg12: memref<!tpu.dma_semaphore, #tpu.memory_space<semaphore_mem>>) attributes {dimension_semantics = [#tpu.dimension_semantics<core_parallel>, #tpu.dimension_semantics<subcore_parallel>], iteration_bounds = array<i64: 2, 16>, scalar_prefetch = 0 : i64, scratch_operands = 6 : i64, tpu.core_type = #tpu.core_type<sc_vector_subcore>, window_params = [{transform_indices = #map}, {transform_indices = #map}, {transform_indices = #map1}, {transform_indices = #map1}, {transform_indices = #map}]} {
    %mul3A = arith.constant 2 : i32
    %mul3A_0 = arith.muli %arg1, %mul3A : i32
    %add3A = arith.addi %mul3A_0, %arg0 : i32
    %mul3A_1 = arith.constant 2400 : i32
    %mul3A_2 = arith.muli %add3A, %mul3A_1 : i32
    %multiple_of3A = tpu.assume_multiple %mul3A_2, 200 : i32
    "tpu.region"() ({
      %run_scoped3A = tpu.sem_alloc : memref<!tpu.dma_semaphore, #tpu.memory_space<semaphore_mem>>
      %dma_start3A = tpu.memref_slice %arg4[%multiple_of3A] : memref<76800xi32, #tpu.memory_space<hbm>> -> memref<2400xi32, #tpu.memory_space<hbm>>
      %dma_start3A_8 = tpu.memref_slice %arg4[%multiple_of3A] : memref<76800xi32, #tpu.memory_space<hbm>> -> memref<2400xi32, #tpu.memory_space<hbm>>
      tpu.enqueue_dma source(%dma_start3A_8 : memref<2400xi32, #tpu.memory_space<hbm>>) target(%arg7 : memref<2400xi32, #tpu.memory_space<vmem>>) target_semaphore(%run_scoped3A : memref<!tpu.dma_semaphore, #tpu.memory_space<semaphore_mem>>)
      %dma_wait3A = tpu.memref_slice %arg4[%multiple_of3A] : memref<76800xi32, #tpu.memory_space<hbm>> -> memref<2400xi32, #tpu.memory_space<hbm>>
      %dma_wait3A_9 = tpu.memref_slice %arg4[%multiple_of3A] : memref<76800xi32, #tpu.memory_space<hbm>> -> memref<2400xi32, #tpu.memory_space<hbm>>
      tpu.wait_dma2 semaphore(%run_scoped3A : memref<!tpu.dma_semaphore, #tpu.memory_space<semaphore_mem>>) src(%dma_wait3A_9 : memref<2400xi32, #tpu.memory_space<hbm>>) dst(%arg7 : memref<2400xi32, #tpu.memory_space<vmem>>)
      tpu.yield
    }) : () -> ()
    "tpu.region"() ({
      %run_scoped3A = tpu.sem_alloc : memref<!tpu.dma_semaphore, #tpu.memory_space<semaphore_mem>>
      %dma_start3A = tpu.memref_slice %arg5[%multiple_of3A] : memref<76800xi32, #tpu.memory_space<hbm>> -> memref<2400xi32, #tpu.memory_space<hbm>>
      %dma_start3A_8 = tpu.memref_slice %arg5[%multiple_of3A] : memref<76800xi32, #tpu.memory_space<hbm>> -> memref<2400xi32, #tpu.memory_space<hbm>>
      tpu.enqueue_dma source(%dma_start3A_8 : memref<2400xi32, #tpu.memory_space<hbm>>) target(%arg8 : memref<2400xi32, #tpu.memory_space<vmem>>) target_semaphore(%run_scoped3A : memref<!tpu.dma_semaphore, #tpu.memory_space<semaphore_mem>>)
      %dma_wait3A = tpu.memref_slice %arg5[%multiple_of3A] : memref<76800xi32, #tpu.memory_space<hbm>> -> memref<2400xi32, #tpu.memory_space<hbm>>
      %dma_wait3A_9 = tpu.memref_slice %arg5[%multiple_of3A] : memref<76800xi32, #tpu.memory_space<hbm>> -> memref<2400xi32, #tpu.memory_space<hbm>>
      tpu.wait_dma2 semaphore(%run_scoped3A : memref<!tpu.dma_semaphore, #tpu.memory_space<semaphore_mem>>) src(%dma_wait3A_9 : memref<2400xi32, #tpu.memory_space<hbm>>) dst(%arg8 : memref<2400xi32, #tpu.memory_space<vmem>>)
      tpu.yield
    }) : () -> ()
    %scan3A = arith.constant 0 : i32
    %scan3A_3 = arith.constant 0 : i32
    %scan3A_4 = arith.constant 6 : i32
    %scan3A_5 = arith.addi %scan3A_3, %scan3A_4 : i32
    %scan3A_6 = arith.constant 1 : i32
    scf.for %scan3A_8 = %scan3A_3 to %scan3A_5 step %scan3A_6  : i32 {
      %mul3A_9 = arith.constant 2 : i32
      %mul3A_10 = arith.muli %scan3A_8, %mul3A_9 : i32
      %mul3A_11 = arith.constant 200 : i32
      %mul3A_12 = arith.muli %mul3A_10, %mul3A_11 : i32
      %multiple_of3A_13 = tpu.assume_multiple %mul3A_12, 200 : i32
      %dma_start3A = tpu.memref_slice %arg7[%multiple_of3A_13] : memref<2400xi32, #tpu.memory_space<vmem>> -> memref<200xi32, #tpu.memory_space<vmem>>
      %dma_start3A_14 = arith.constant 0 : i32
      %dma_start3A_15 = arith.constant 0 : i32
      %dma_start3A_16 = tpu.memref_slice %arg2[%dma_start3A_14, %dma_start3A_15] : memref<10000x128xi32, #tpu.memory_space<hbm>> -> memref<10000x128xi32, #tpu.memory_space<hbm>>
      tpu.enqueue_indirect_dma source(%dma_start3A_16 : memref<10000x128xi32, #tpu.memory_space<hbm>>) target(%arg9 : memref<200x128xi32, #tpu.memory_space<vmem>>) offsets(%dma_start3A : memref<200xi32, #tpu.memory_space<vmem>>) semaphore(%arg11 : memref<!tpu.dma_semaphore, #tpu.memory_space<semaphore_mem>>)
      %dma_wait3A = tpu.memref_slice %arg7[%multiple_of3A_13] : memref<2400xi32, #tpu.memory_space<vmem>> -> memref<200xi32, #tpu.memory_space<vmem>>
      %dma_wait3A_17 = arith.constant 0 : i32
      %dma_wait3A_18 = arith.constant 0 : i32
      %dma_wait3A_19 = tpu.memref_slice %arg2[%dma_wait3A_17, %dma_wait3A_18] : memref<10000x128xi32, #tpu.memory_space<hbm>> -> memref<10000x128xi32, #tpu.memory_space<hbm>>
      tpu.wait_indirect_dma semaphore(%arg11 : memref<!tpu.dma_semaphore, #tpu.memory_space<semaphore_mem>>) src(%dma_wait3A_19 : memref<10000x128xi32, #tpu.memory_space<hbm>>) dst(%arg9 : memref<200x128xi32, #tpu.memory_space<vmem>>)
      %dma_start3A_20 = tpu.memref_slice %arg8[%multiple_of3A_13] : memref<2400xi32, #tpu.memory_space<vmem>> -> memref<200xi32, #tpu.memory_space<vmem>>
      %dma_start3A_21 = arith.constant 0 : i32
      %dma_start3A_22 = arith.constant 0 : i32
      %dma_start3A_23 = tpu.memref_slice %arg3[%dma_start3A_21, %dma_start3A_22] : memref<10000x128xi32, #tpu.memory_space<hbm>> -> memref<10000x128xi32, #tpu.memory_space<hbm>>
      tpu.enqueue_indirect_dma source(%dma_start3A_23 : memref<10000x128xi32, #tpu.memory_space<hbm>>) target(%arg9 : memref<200x128xi32, #tpu.memory_space<vmem>>) offsets(%dma_start3A_20 : memref<200xi32, #tpu.memory_space<vmem>>) semaphore(%arg11 : memref<!tpu.dma_semaphore, #tpu.memory_space<semaphore_mem>>) {add = true}
      %dma_wait3A_24 = tpu.memref_slice %arg8[%multiple_of3A_13] : memref<2400xi32, #tpu.memory_space<vmem>> -> memref<200xi32, #tpu.memory_space<vmem>>
      %dma_wait3A_25 = arith.constant 0 : i32
      %dma_wait3A_26 = arith.constant 0 : i32
      %dma_wait3A_27 = tpu.memref_slice %arg3[%dma_wait3A_25, %dma_wait3A_26] : memref<10000x128xi32, #tpu.memory_space<hbm>> -> memref<10000x128xi32, #tpu.memory_space<hbm>>
      tpu.wait_indirect_dma semaphore(%arg11 : memref<!tpu.dma_semaphore, #tpu.memory_space<semaphore_mem>>) src(%dma_wait3A_27 : memref<10000x128xi32, #tpu.memory_space<hbm>>) dst(%arg9 : memref<200x128xi32, #tpu.memory_space<vmem>>)
      %add3A_28 = arith.addi %multiple_of3A, %multiple_of3A_13 : i32
      "tpu.region"() ({
        %run_scoped3A = tpu.sem_alloc : memref<!tpu.dma_semaphore, #tpu.memory_space<semaphore_mem>>
        %dma_start3A_53 = arith.constant 0 : i32
        %dma_start3A_54 = tpu.memref_slice %arg6[%add3A_28, %dma_start3A_53] : memref<76800x128xi32, #tpu.memory_space<hbm>> -> memref<200x128xi32, #tpu.memory_space<hbm>>
        %dma_start3A_55 = arith.constant 0 : i32
        %dma_start3A_56 = tpu.memref_slice %arg6[%add3A_28, %dma_start3A_55] : memref<76800x128xi32, #tpu.memory_space<hbm>> -> memref<200x128xi32, #tpu.memory_space<hbm>>
        tpu.enqueue_dma source(%arg9 : memref<200x128xi32, #tpu.memory_space<vmem>>) target(%dma_start3A_56 : memref<200x128xi32, #tpu.memory_space<hbm>>) target_semaphore(%run_scoped3A : memref<!tpu.dma_semaphore, #tpu.memory_space<semaphore_mem>>)
        %dma_wait3A_57 = arith.constant 0 : i32
        %dma_wait3A_58 = tpu.memref_slice %arg6[%add3A_28, %dma_wait3A_57] : memref<76800x128xi32, #tpu.memory_space<hbm>> -> memref<200x128xi32, #tpu.memory_space<hbm>>
        %dma_wait3A_59 = arith.constant 0 : i32
        %dma_wait3A_60 = tpu.memref_slice %arg6[%add3A_28, %dma_wait3A_59] : memref<76800x128xi32, #tpu.memory_space<hbm>> -> memref<200x128xi32, #tpu.memory_space<hbm>>
        tpu.wait_dma2 semaphore(%run_scoped3A : memref<!tpu.dma_semaphore, #tpu.memory_space<semaphore_mem>>) src(%arg9 : memref<200x128xi32, #tpu.memory_space<vmem>>) dst(%dma_wait3A_60 : memref<200x128xi32, #tpu.memory_space<hbm>>)
        tpu.yield
      }) : () -> ()
      %mul3A_29 = arith.constant 2 : i32
      %mul3A_30 = arith.muli %scan3A_8, %mul3A_29 : i32
      %add3A_31 = arith.constant 1 : i32
      %add3A_32 = arith.addi %mul3A_30, %add3A_31 : i32
      %mul3A_33 = arith.constant 200 : i32
      %mul3A_34 = arith.muli %add3A_32, %mul3A_33 : i32
      %multiple_of3A_35 = tpu.assume_multiple %mul3A_34, 200 : i32
      %dma_start3A_36 = tpu.memref_slice %arg7[%multiple_of3A_35] : memref<2400xi32, #tpu.memory_space<vmem>> -> memref<200xi32, #tpu.memory_space<vmem>>
      %dma_start3A_37 = arith.constant 0 : i32
      %dma_start3A_38 = arith.constant 0 : i32
      %dma_start3A_39 = tpu.memref_slice %arg2[%dma_start3A_37, %dma_start3A_38] : memref<10000x128xi32, #tpu.memory_space<hbm>> -> memref<10000x128xi32, #tpu.memory_space<hbm>>
      tpu.enqueue_indirect_dma source(%dma_start3A_39 : memref<10000x128xi32, #tpu.memory_space<hbm>>) target(%arg10 : memref<200x128xi32, #tpu.memory_space<vmem>>) offsets(%dma_start3A_36 : memref<200xi32, #tpu.memory_space<vmem>>) semaphore(%arg12 : memref<!tpu.dma_semaphore, #tpu.memory_space<semaphore_mem>>)
      %dma_wait3A_40 = tpu.memref_slice %arg7[%multiple_of3A_35] : memref<2400xi32, #tpu.memory_space<vmem>> -> memref<200xi32, #tpu.memory_space<vmem>>
      %dma_wait3A_41 = arith.constant 0 : i32
      %dma_wait3A_42 = arith.constant 0 : i32
      %dma_wait3A_43 = tpu.memref_slice %arg2[%dma_wait3A_41, %dma_wait3A_42] : memref<10000x128xi32, #tpu.memory_space<hbm>> -> memref<10000x128xi32, #tpu.memory_space<hbm>>
      tpu.wait_indirect_dma semaphore(%arg12 : memref<!tpu.dma_semaphore, #tpu.memory_space<semaphore_mem>>) src(%dma_wait3A_43 : memref<10000x128xi32, #tpu.memory_space<hbm>>) dst(%arg10 : memref<200x128xi32, #tpu.memory_space<vmem>>)
      %dma_start3A_44 = tpu.memref_slice %arg8[%multiple_of3A_35] : memref<2400xi32, #tpu.memory_space<vmem>> -> memref<200xi32, #tpu.memory_space<vmem>>
      %dma_start3A_45 = arith.constant 0 : i32
      %dma_start3A_46 = arith.constant 0 : i32
      %dma_start3A_47 = tpu.memref_slice %arg3[%dma_start3A_45, %dma_start3A_46] : memref<10000x128xi32, #tpu.memory_space<hbm>> -> memref<10000x128xi32, #tpu.memory_space<hbm>>
      tpu.enqueue_indirect_dma source(%dma_start3A_47 : memref<10000x128xi32, #tpu.memory_space<hbm>>) target(%arg10 : memref<200x128xi32, #tpu.memory_space<vmem>>) offsets(%dma_start3A_44 : memref<200xi32, #tpu.memory_space<vmem>>) semaphore(%arg12 : memref<!tpu.dma_semaphore, #tpu.memory_space<semaphore_mem>>) {add = true}
      %dma_wait3A_48 = tpu.memref_slice %arg8[%multiple_of3A_35] : memref<2400xi32, #tpu.memory_space<vmem>> -> memref<200xi32, #tpu.memory_space<vmem>>
      %dma_wait3A_49 = arith.constant 0 : i32
      %dma_wait3A_50 = arith.constant 0 : i32
      %dma_wait3A_51 = tpu.memref_slice %arg3[%dma_wait3A_49, %dma_wait3A_50] : memref<10000x128xi32, #tpu.memory_space<hbm>> -> memref<10000x128xi32, #tpu.memory_space<hbm>>
      tpu.wait_indirect_dma semaphore(%arg12 : memref<!tpu.dma_semaphore, #tpu.memory_space<semaphore_mem>>) src(%dma_wait3A_51 : memref<10000x128xi32, #tpu.memory_space<hbm>>) dst(%arg10 : memref<200x128xi32, #tpu.memory_space<vmem>>)
      %add3A_52 = arith.addi %multiple_of3A, %multiple_of3A_35 : i32
      "tpu.region"() ({
        %run_scoped3A = tpu.sem_alloc : memref<!tpu.dma_semaphore, #tpu.memory_space<semaphore_mem>>
        %dma_start3A_53 = arith.constant 0 : i32
        %dma_start3A_54 = tpu.memref_slice %arg6[%add3A_52, %dma_start3A_53] : memref<76800x128xi32, #tpu.memory_space<hbm>> -> memref<200x128xi32, #tpu.memory_space<hbm>>
        %dma_start3A_55 = arith.constant 0 : i32
        %dma_start3A_56 = tpu.memref_slice %arg6[%add3A_52, %dma_start3A_55] : memref<76800x128xi32, #tpu.memory_space<hbm>> -> memref<200x128xi32, #tpu.memory_space<hbm>>
        tpu.enqueue_dma source(%arg10 : memref<200x128xi32, #tpu.memory_space<vmem>>) target(%dma_start3A_56 : memref<200x128xi32, #tpu.memory_space<hbm>>) target_semaphore(%run_scoped3A : memref<!tpu.dma_semaphore, #tpu.memory_space<semaphore_mem>>)
        %dma_wait3A_57 = arith.constant 0 : i32
        %dma_wait3A_58 = tpu.memref_slice %arg6[%add3A_52, %dma_wait3A_57] : memref<76800x128xi32, #tpu.memory_space<hbm>> -> memref<200x128xi32, #tpu.memory_space<hbm>>
        %dma_wait3A_59 = arith.constant 0 : i32
        %dma_wait3A_60 = tpu.memref_slice %arg6[%add3A_52, %dma_wait3A_59] : memref<76800x128xi32, #tpu.memory_space<hbm>> -> memref<200x128xi32, #tpu.memory_space<hbm>>
        tpu.wait_dma2 semaphore(%run_scoped3A : memref<!tpu.dma_semaphore, #tpu.memory_space<semaphore_mem>>) src(%arg10 : memref<200x128xi32, #tpu.memory_space<vmem>>) dst(%dma_wait3A_60 : memref<200x128xi32, #tpu.memory_space<hbm>>)
        tpu.yield
      }) : () -> ()
    }
    %scan3A_7 = arith.constant 6 : i32
    return
  }
}

#map = affine_map<(d0, d1) -> (0, 0)>
#map1 = affine_map<(d0, d1) -> (0)>
module attributes {stable_mosaic.version = 14 : i64} {
  func.func @gather_kernel(%arg0: i32, %arg1: i32, %arg2: memref<10000x128xi32, #tpu.memory_space<hbm>>, %arg3: memref<10000x128xi32, #tpu.memory_space<hbm>>, %arg4: memref<76800xi32, #tpu.memory_space<hbm>>, %arg5: memref<76800xi32, #tpu.memory_space<hbm>>, %arg6: memref<76800x128xi32, #tpu.memory_space<hbm>>, %arg7: memref<2400xi32, #tpu.memory_space<vmem>>, %arg8: memref<2400xi32, #tpu.memory_space<vmem>>, %arg9: memref<200x128xi32, #tpu.memory_space<vmem>>, %arg10: memref<200x128xi32, #tpu.memory_space<vmem>>, %arg11: memref<!tpu.dma_semaphore, #tpu.memory_space<semaphore_mem>>, %arg12: memref<!tpu.dma_semaphore, #tpu.memory_space<semaphore_mem>>) attributes {dimension_semantics = [#tpu.dimension_semantics<core_parallel>, #tpu.dimension_semantics<subcore_parallel>], iteration_bounds = array<i64: 2, 16>, scalar_prefetch = 0 : i64, scratch_operands = 6 : i64, tpu.core_type = #tpu.core_type<sc_vector_subcore>, window_params = [{transform_indices = #map}, {transform_indices = #map}, {transform_indices = #map1}, {transform_indices = #map1}, {transform_indices = #map}]} {
    %mul3A = arith.constant 2 : i32
    %mul3A_0 = arith.muli %arg1, %mul3A : i32
    %add3A = arith.addi %mul3A_0, %arg0 : i32
    %mul3A_1 = arith.constant 2400 : i32
    %mul3A_2 = arith.muli %add3A, %mul3A_1 : i32
    %multiple_of3A = tpu.assume_multiple %mul3A_2, 200 : i32
    "tpu.region"() ({
      %run_scoped3A = tpu.sem_alloc : memref<!tpu.dma_semaphore, #tpu.memory_space<semaphore_mem>>
      %dma_start3A = tpu.memref_slice %arg4[%multiple_of3A] : memref<76800xi32, #tpu.memory_space<hbm>> -> memref<2400xi32, #tpu.memory_space<hbm>>
      %dma_start3A_8 = tpu.memref_slice %arg4[%multiple_of3A] : memref<76800xi32, #tpu.memory_space<hbm>> -> memref<2400xi32, #tpu.memory_space<hbm>>
      tpu.enqueue_dma source(%dma_start3A_8 : memref<2400xi32, #tpu.memory_space<hbm>>) target(%arg7 : memref<2400xi32, #tpu.memory_space<vmem>>) target_semaphore(%run_scoped3A : memref<!tpu.dma_semaphore, #tpu.memory_space<semaphore_mem>>)
      %dma_wait3A = tpu.memref_slice %arg4[%multiple_of3A] : memref<76800xi32, #tpu.memory_space<hbm>> -> memref<2400xi32, #tpu.memory_space<hbm>>
      %dma_wait3A_9 = tpu.memref_slice %arg4[%multiple_of3A] : memref<76800xi32, #tpu.memory_space<hbm>> -> memref<2400xi32, #tpu.memory_space<hbm>>
      tpu.wait_dma2 semaphore(%run_scoped3A : memref<!tpu.dma_semaphore, #tpu.memory_space<semaphore_mem>>) src(%dma_wait3A_9 : memref<2400xi32, #tpu.memory_space<hbm>>) dst(%arg7 : memref<2400xi32, #tpu.memory_space<vmem>>)
      tpu.yield
    }) : () -> ()
    "tpu.region"() ({
      %run_scoped3A = tpu.sem_alloc : memref<!tpu.dma_semaphore, #tpu.memory_space<semaphore_mem>>
      %dma_start3A = tpu.memref_slice %arg5[%multiple_of3A] : memref<76800xi32, #tpu.memory_space<hbm>> -> memref<2400xi32, #tpu.memory_space<hbm>>
      %dma_start3A_8 = tpu.memref_slice %arg5[%multiple_of3A] : memref<76800xi32, #tpu.memory_space<hbm>> -> memref<2400xi32, #tpu.memory_space<hbm>>
      tpu.enqueue_dma source(%dma_start3A_8 : memref<2400xi32, #tpu.memory_space<hbm>>) target(%arg8 : memref<2400xi32, #tpu.memory_space<vmem>>) target_semaphore(%run_scoped3A : memref<!tpu.dma_semaphore, #tpu.memory_space<semaphore_mem>>)
      %dma_wait3A = tpu.memref_slice %arg5[%multiple_of3A] : memref<76800xi32, #tpu.memory_space<hbm>> -> memref<2400xi32, #tpu.memory_space<hbm>>
      %dma_wait3A_9 = tpu.memref_slice %arg5[%multiple_of3A] : memref<76800xi32, #tpu.memory_space<hbm>> -> memref<2400xi32, #tpu.memory_space<hbm>>
      tpu.wait_dma2 semaphore(%run_scoped3A : memref<!tpu.dma_semaphore, #tpu.memory_space<semaphore_mem>>) src(%dma_wait3A_9 : memref<2400xi32, #tpu.memory_space<hbm>>) dst(%arg8 : memref<2400xi32, #tpu.memory_space<vmem>>)
      tpu.yield
    }) : () -> ()
    %scan3A = arith.constant 0 : i32
    %scan3A_3 = arith.constant 0 : i32
    %scan3A_4 = arith.constant 6 : i32
    %scan3A_5 = arith.addi %scan3A_3, %scan3A_4 : i32
    %scan3A_6 = arith.constant 1 : i32
    scf.for %scan3A_8 = %scan3A_3 to %scan3A_5 step %scan3A_6  : i32 {
      %mul3A_9 = arith.constant 2 : i32
      %mul3A_10 = arith.muli %scan3A_8, %mul3A_9 : i32
      %mul3A_11 = arith.constant 200 : i32
      %mul3A_12 = arith.muli %mul3A_10, %mul3A_11 : i32
      %multiple_of3A_13 = tpu.assume_multiple %mul3A_12, 200 : i32
      %dma_start3A = tpu.memref_slice %arg7[%multiple_of3A_13] : memref<2400xi32, #tpu.memory_space<vmem>> -> memref<200xi32, #tpu.memory_space<vmem>>
      %dma_start3A_14 = arith.constant 0 : i32
      %dma_start3A_15 = arith.constant 0 : i32
      %dma_start3A_16 = tpu.memref_slice %arg2[%dma_start3A_14, %dma_start3A_15] : memref<10000x128xi32, #tpu.memory_space<hbm>> -> memref<10000x128xi32, #tpu.memory_space<hbm>>
      tpu.enqueue_indirect_dma source(%dma_start3A_16 : memref<10000x128xi32, #tpu.memory_space<hbm>>) target(%arg9 : memref<200x128xi32, #tpu.memory_space<vmem>>) offsets(%dma_start3A : memref<200xi32, #tpu.memory_space<vmem>>) semaphore(%arg11 : memref<!tpu.dma_semaphore, #tpu.memory_space<semaphore_mem>>)
      %dma_wait3A = tpu.memref_slice %arg7[%multiple_of3A_13] : memref<2400xi32, #tpu.memory_space<vmem>> -> memref<200xi32, #tpu.memory_space<vmem>>
      %dma_wait3A_17 = arith.constant 0 : i32
      %dma_wait3A_18 = arith.constant 0 : i32
      %dma_wait3A_19 = tpu.memref_slice %arg2[%dma_wait3A_17, %dma_wait3A_18] : memref<10000x128xi32, #tpu.memory_space<hbm>> -> memref<10000x128xi32, #tpu.memory_space<hbm>>
      tpu.wait_indirect_dma semaphore(%arg11 : memref<!tpu.dma_semaphore, #tpu.memory_space<semaphore_mem>>) src(%dma_wait3A_19 : memref<10000x128xi32, #tpu.memory_space<hbm>>) dst(%arg9 : memref<200x128xi32, #tpu.memory_space<vmem>>)
      %dma_start3A_20 = tpu.memref_slice %arg8[%multiple_of3A_13] : memref<2400xi32, #tpu.memory_space<vmem>> -> memref<200xi32, #tpu.memory_space<vmem>>
      %dma_start3A_21 = arith.constant 0 : i32
      %dma_start3A_22 = arith.constant 0 : i32
      %dma_start3A_23 = tpu.memref_slice %arg3[%dma_start3A_21, %dma_start3A_22] : memref<10000x128xi32, #tpu.memory_space<hbm>> -> memref<10000x128xi32, #tpu.memory_space<hbm>>
      tpu.enqueue_indirect_dma source(%dma_start3A_23 : memref<10000x128xi32, #tpu.memory_space<hbm>>) target(%arg9 : memref<200x128xi32, #tpu.memory_space<vmem>>) offsets(%dma_start3A_20 : memref<200xi32, #tpu.memory_space<vmem>>) semaphore(%arg11 : memref<!tpu.dma_semaphore, #tpu.memory_space<semaphore_mem>>) {add = true}
      %dma_wait3A_24 = tpu.memref_slice %arg8[%multiple_of3A_13] : memref<2400xi32, #tpu.memory_space<vmem>> -> memref<200xi32, #tpu.memory_space<vmem>>
      %dma_wait3A_25 = arith.constant 0 : i32
      %dma_wait3A_26 = arith.constant 0 : i32
      %dma_wait3A_27 = tpu.memref_slice %arg3[%dma_wait3A_25, %dma_wait3A_26] : memref<10000x128xi32, #tpu.memory_space<hbm>> -> memref<10000x128xi32, #tpu.memory_space<hbm>>
      tpu.wait_indirect_dma semaphore(%arg11 : memref<!tpu.dma_semaphore, #tpu.memory_space<semaphore_mem>>) src(%dma_wait3A_27 : memref<10000x128xi32, #tpu.memory_space<hbm>>) dst(%arg9 : memref<200x128xi32, #tpu.memory_space<vmem>>)
      %add3A_28 = arith.addi %multiple_of3A, %multiple_of3A_13 : i32
      "tpu.region"() ({
        %run_scoped3A = tpu.sem_alloc : memref<!tpu.dma_semaphore, #tpu.memory_space<semaphore_mem>>
        %dma_start3A_53 = arith.constant 0 : i32
        %dma_start3A_54 = tpu.memref_slice %arg6[%add3A_28, %dma_start3A_53] : memref<76800x128xi32, #tpu.memory_space<hbm>> -> memref<200x128xi32, #tpu.memory_space<hbm>>
        %dma_start3A_55 = arith.constant 0 : i32
        %dma_start3A_56 = tpu.memref_slice %arg6[%add3A_28, %dma_start3A_55] : memref<76800x128xi32, #tpu.memory_space<hbm>> -> memref<200x128xi32, #tpu.memory_space<hbm>>
        tpu.enqueue_dma source(%arg9 : memref<200x128xi32, #tpu.memory_space<vmem>>) target(%dma_start3A_56 : memref<200x128xi32, #tpu.memory_space<hbm>>) target_semaphore(%run_scoped3A : memref<!tpu.dma_semaphore, #tpu.memory_space<semaphore_mem>>)
        %dma_wait3A_57 = arith.constant 0 : i32
        %dma_wait3A_58 = tpu.memref_slice %arg6[%add3A_28, %dma_wait3A_57] : memref<76800x128xi32, #tpu.memory_space<hbm>> -> memref<200x128xi32, #tpu.memory_space<hbm>>
        %dma_wait3A_59 = arith.constant 0 : i32
        %dma_wait3A_60 = tpu.memref_slice %arg6[%add3A_28, %dma_wait3A_59] : memref<76800x128xi32, #tpu.memory_space<hbm>> -> memref<200x128xi32, #tpu.memory_space<hbm>>
        tpu.wait_dma2 semaphore(%run_scoped3A : memref<!tpu.dma_semaphore, #tpu.memory_space<semaphore_mem>>) src(%arg9 : memref<200x128xi32, #tpu.memory_space<vmem>>) dst(%dma_wait3A_60 : memref<200x128xi32, #tpu.memory_space<hbm>>)
        tpu.yield
      }) : () -> ()
      %mul3A_29 = arith.constant 2 : i32
      %mul3A_30 = arith.muli %scan3A_8, %mul3A_29 : i32
      %add3A_31 = arith.constant 1 : i32
      %add3A_32 = arith.addi %mul3A_30, %add3A_31 : i32
      %mul3A_33 = arith.constant 200 : i32
      %mul3A_34 = arith.muli %add3A_32, %mul3A_33 : i32
      %multiple_of3A_35 = tpu.assume_multiple %mul3A_34, 200 : i32
      %dma_start3A_36 = tpu.memref_slice %arg7[%multiple_of3A_35] : memref<2400xi32, #tpu.memory_space<vmem>> -> memref<200xi32, #tpu.memory_space<vmem>>
      %dma_start3A_37 = arith.constant 0 : i32
      %dma_start3A_38 = arith.constant 0 : i32
      %dma_start3A_39 = tpu.memref_slice %arg2[%dma_start3A_37, %dma_start3A_38] : memref<10000x128xi32, #tpu.memory_space<hbm>> -> memref<10000x128xi32, #tpu.memory_space<hbm>>
      tpu.enqueue_indirect_dma source(%dma_start3A_39 : memref<10000x128xi32, #tpu.memory_space<hbm>>) target(%arg10 : memref<200x128xi32, #tpu.memory_space<vmem>>) offsets(%dma_start3A_36 : memref<200xi32, #tpu.memory_space<vmem>>) semaphore(%arg12 : memref<!tpu.dma_semaphore, #tpu.memory_space<semaphore_mem>>)
      %dma_wait3A_40 = tpu.memref_slice %arg7[%multiple_of3A_35] : memref<2400xi32, #tpu.memory_space<vmem>> -> memref<200xi32, #tpu.memory_space<vmem>>
      %dma_wait3A_41 = arith.constant 0 : i32
      %dma_wait3A_42 = arith.constant 0 : i32
      %dma_wait3A_43 = tpu.memref_slice %arg2[%dma_wait3A_41, %dma_wait3A_42] : memref<10000x128xi32, #tpu.memory_space<hbm>> -> memref<10000x128xi32, #tpu.memory_space<hbm>>
      tpu.wait_indirect_dma semaphore(%arg12 : memref<!tpu.dma_semaphore, #tpu.memory_space<semaphore_mem>>) src(%dma_wait3A_43 : memref<10000x128xi32, #tpu.memory_space<hbm>>) dst(%arg10 : memref<200x128xi32, #tpu.memory_space<vmem>>)
      %dma_start3A_44 = tpu.memref_slice %arg8[%multiple_of3A_35] : memref<2400xi32, #tpu.memory_space<vmem>> -> memref<200xi32, #tpu.memory_space<vmem>>
      %dma_start3A_45 = arith.constant 0 : i32
      %dma_start3A_46 = arith.constant 0 : i32
      %dma_start3A_47 = tpu.memref_slice %arg3[%dma_start3A_45, %dma_start3A_46] : memref<10000x128xi32, #tpu.memory_space<hbm>> -> memref<10000x128xi32, #tpu.memory_space<hbm>>
      tpu.enqueue_indirect_dma source(%dma_start3A_47 : memref<10000x128xi32, #tpu.memory_space<hbm>>) target(%arg10 : memref<200x128xi32, #tpu.memory_space<vmem>>) offsets(%dma_start3A_44 : memref<200xi32, #tpu.memory_space<vmem>>) semaphore(%arg12 : memref<!tpu.dma_semaphore, #tpu.memory_space<semaphore_mem>>) {add = true}
      %dma_wait3A_48 = tpu.memref_slice %arg8[%multiple_of3A_35] : memref<2400xi32, #tpu.memory_space<vmem>> -> memref<200xi32, #tpu.memory_space<vmem>>
      %dma_wait3A_49 = arith.constant 0 : i32
      %dma_wait3A_50 = arith.constant 0 : i32
      %dma_wait3A_51 = tpu.memref_slice %arg3[%dma_wait3A_49, %dma_wait3A_50] : memref<10000x128xi32, #tpu.memory_space<hbm>> -> memref<10000x128xi32, #tpu.memory_space<hbm>>
      tpu.wait_indirect_dma semaphore(%arg12 : memref<!tpu.dma_semaphore, #tpu.memory_space<semaphore_mem>>) src(%dma_wait3A_51 : memref<10000x128xi32, #tpu.memory_space<hbm>>) dst(%arg10 : memref<200x128xi32, #tpu.memory_space<vmem>>)
      %add3A_52 = arith.addi %multiple_of3A, %multiple_of3A_35 : i32
      "tpu.region"() ({
        %run_scoped3A = tpu.sem_alloc : memref<!tpu.dma_semaphore, #tpu.memory_space<semaphore_mem>>
        %dma_start3A_53 = arith.constant 0 : i32
        %dma_start3A_54 = tpu.memref_slice %arg6[%add3A_52, %dma_start3A_53] : memref<76800x128xi32, #tpu.memory_space<hbm>> -> memref<200x128xi32, #tpu.memory_space<hbm>>
        %dma_start3A_55 = arith.constant 0 : i32
        %dma_start3A_56 = tpu.memref_slice %arg6[%add3A_52, %dma_start3A_55] : memref<76800x128xi32, #tpu.memory_space<hbm>> -> memref<200x128xi32, #tpu.memory_space<hbm>>
        tpu.enqueue_dma source(%arg10 : memref<200x128xi32, #tpu.memory_space<vmem>>) target(%dma_start3A_56 : memref<200x128xi32, #tpu.memory_space<hbm>>) target_semaphore(%run_scoped3A : memref<!tpu.dma_semaphore, #tpu.memory_space<semaphore_mem>>)
        %dma_wait3A_57 = arith.constant 0 : i32
        %dma_wait3A_58 = tpu.memref_slice %arg6[%add3A_52, %dma_wait3A_57] : memref<76800x128xi32, #tpu.memory_space<hbm>> -> memref<200x128xi32, #tpu.memory_space<hbm>>
        %dma_wait3A_59 = arith.constant 0 : i32
        %dma_wait3A_60 = tpu.memref_slice %arg6[%add3A_52, %dma_wait3A_59] : memref<76800x128xi32, #tpu.memory_space<hbm>> -> memref<200x128xi32, #tpu.memory_space<hbm>>
        tpu.wait_dma2 semaphore(%run_scoped3A : memref<!tpu.dma_semaphore, #tpu.memory_space<semaphore_mem>>) src(%arg10 : memref<200x128xi32, #tpu.memory_space<vmem>>) dst(%dma_wait3A_60 : memref<200x128xi32, #tpu.memory_space<hbm>>)
        tpu.yield
      }) : () -> ()
    }
    %scan3A_7 = arith.constant 6 : i32
    return
  }
}

#map = affine_map<(d0, d1) -> (0, 0)>
#map1 = affine_map<(d0, d1) -> (0)>
module attributes {stable_mosaic.version = 14 : i64} {
  func.func @gather_kernel(%arg0: i32, %arg1: i32, %arg2: memref<10000x128xi32, #tpu.memory_space<hbm>>, %arg3: memref<10000x128xi32, #tpu.memory_space<hbm>>, %arg4: memref<76800xi32, #tpu.memory_space<hbm>>, %arg5: memref<76800xi32, #tpu.memory_space<hbm>>, %arg6: memref<76800x128xi32, #tpu.memory_space<hbm>>, %arg7: memref<2400xi32, #tpu.memory_space<vmem>>, %arg8: memref<2400xi32, #tpu.memory_space<vmem>>, %arg9: memref<200x128xi32, #tpu.memory_space<vmem>>, %arg10: memref<200x128xi32, #tpu.memory_space<vmem>>, %arg11: memref<!tpu.dma_semaphore, #tpu.memory_space<semaphore_mem>>, %arg12: memref<!tpu.dma_semaphore, #tpu.memory_space<semaphore_mem>>) attributes {dimension_semantics = [#tpu.dimension_semantics<core_parallel>, #tpu.dimension_semantics<subcore_parallel>], iteration_bounds = array<i64: 2, 16>, scalar_prefetch = 0 : i64, scratch_operands = 6 : i64, tpu.core_type = #tpu.core_type<sc_vector_subcore>, window_params = [{transform_indices = #map}, {transform_indices = #map}, {transform_indices = #map1}, {transform_indices = #map1}, {transform_indices = #map}]} {
    %mul3A = arith.constant 2 : i32
    %mul3A_0 = arith.muli %arg1, %mul3A : i32
    %add3A = arith.addi %mul3A_0, %arg0 : i32
    %mul3A_1 = arith.constant 2400 : i32
    %mul3A_2 = arith.muli %add3A, %mul3A_1 : i32
    %multiple_of3A = tpu.assume_multiple %mul3A_2, 200 : i32
    "tpu.region"() ({
      %run_scoped3A = tpu.sem_alloc : memref<!tpu.dma_semaphore, #tpu.memory_space<semaphore_mem>>
      %dma_start3A = tpu.memref_slice %arg4[%multiple_of3A] : memref<76800xi32, #tpu.memory_space<hbm>> -> memref<2400xi32, #tpu.memory_space<hbm>>
      %dma_start3A_8 = tpu.memref_slice %arg4[%multiple_of3A] : memref<76800xi32, #tpu.memory_space<hbm>> -> memref<2400xi32, #tpu.memory_space<hbm>>
      tpu.enqueue_dma source(%dma_start3A_8 : memref<2400xi32, #tpu.memory_space<hbm>>) target(%arg7 : memref<2400xi32, #tpu.memory_space<vmem>>) target_semaphore(%run_scoped3A : memref<!tpu.dma_semaphore, #tpu.memory_space<semaphore_mem>>)
      %dma_wait3A = tpu.memref_slice %arg4[%multiple_of3A] : memref<76800xi32, #tpu.memory_space<hbm>> -> memref<2400xi32, #tpu.memory_space<hbm>>
      %dma_wait3A_9 = tpu.memref_slice %arg4[%multiple_of3A] : memref<76800xi32, #tpu.memory_space<hbm>> -> memref<2400xi32, #tpu.memory_space<hbm>>
      tpu.wait_dma2 semaphore(%run_scoped3A : memref<!tpu.dma_semaphore, #tpu.memory_space<semaphore_mem>>) src(%dma_wait3A_9 : memref<2400xi32, #tpu.memory_space<hbm>>) dst(%arg7 : memref<2400xi32, #tpu.memory_space<vmem>>)
      tpu.yield
    }) : () -> ()
    "tpu.region"() ({
      %run_scoped3A = tpu.sem_alloc : memref<!tpu.dma_semaphore, #tpu.memory_space<semaphore_mem>>
      %dma_start3A = tpu.memref_slice %arg5[%multiple_of3A] : memref<76800xi32, #tpu.memory_space<hbm>> -> memref<2400xi32, #tpu.memory_space<hbm>>
      %dma_start3A_8 = tpu.memref_slice %arg5[%multiple_of3A] : memref<76800xi32, #tpu.memory_space<hbm>> -> memref<2400xi32, #tpu.memory_space<hbm>>
      tpu.enqueue_dma source(%dma_start3A_8 : memref<2400xi32, #tpu.memory_space<hbm>>) target(%arg8 : memref<2400xi32, #tpu.memory_space<vmem>>) target_semaphore(%run_scoped3A : memref<!tpu.dma_semaphore, #tpu.memory_space<semaphore_mem>>)
      %dma_wait3A = tpu.memref_slice %arg5[%multiple_of3A] : memref<76800xi32, #tpu.memory_space<hbm>> -> memref<2400xi32, #tpu.memory_space<hbm>>
      %dma_wait3A_9 = tpu.memref_slice %arg5[%multiple_of3A] : memref<76800xi32, #tpu.memory_space<hbm>> -> memref<2400xi32, #tpu.memory_space<hbm>>
      tpu.wait_dma2 semaphore(%run_scoped3A : memref<!tpu.dma_semaphore, #tpu.memory_space<semaphore_mem>>) src(%dma_wait3A_9 : memref<2400xi32, #tpu.memory_space<hbm>>) dst(%arg8 : memref<2400xi32, #tpu.memory_space<vmem>>)
      tpu.yield
    }) : () -> ()
    %scan3A = arith.constant 0 : i32
    %scan3A_3 = arith.constant 0 : i32
    %scan3A_4 = arith.constant 6 : i32
    %scan3A_5 = arith.addi %scan3A_3, %scan3A_4 : i32
    %scan3A_6 = arith.constant 1 : i32
    scf.for %scan3A_8 = %scan3A_3 to %scan3A_5 step %scan3A_6  : i32 {
      %mul3A_9 = arith.constant 2 : i32
      %mul3A_10 = arith.muli %scan3A_8, %mul3A_9 : i32
      %mul3A_11 = arith.constant 200 : i32
      %mul3A_12 = arith.muli %mul3A_10, %mul3A_11 : i32
      %multiple_of3A_13 = tpu.assume_multiple %mul3A_12, 200 : i32
      %dma_start3A = tpu.memref_slice %arg7[%multiple_of3A_13] : memref<2400xi32, #tpu.memory_space<vmem>> -> memref<200xi32, #tpu.memory_space<vmem>>
      %dma_start3A_14 = arith.constant 0 : i32
      %dma_start3A_15 = arith.constant 0 : i32
      %dma_start3A_16 = tpu.memref_slice %arg2[%dma_start3A_14, %dma_start3A_15] : memref<10000x128xi32, #tpu.memory_space<hbm>> -> memref<10000x128xi32, #tpu.memory_space<hbm>>
      tpu.enqueue_indirect_dma source(%dma_start3A_16 : memref<10000x128xi32, #tpu.memory_space<hbm>>) target(%arg9 : memref<200x128xi32, #tpu.memory_space<vmem>>) offsets(%dma_start3A : memref<200xi32, #tpu.memory_space<vmem>>) semaphore(%arg11 : memref<!tpu.dma_semaphore, #tpu.memory_space<semaphore_mem>>)
      %dma_wait3A = tpu.memref_slice %arg7[%multiple_of3A_13] : memref<2400xi32, #tpu.memory_space<vmem>> -> memref<200xi32, #tpu.memory_space<vmem>>
      %dma_wait3A_17 = arith.constant 0 : i32
      %dma_wait3A_18 = arith.constant 0 : i32
      %dma_wait3A_19 = tpu.memref_slice %arg2[%dma_wait3A_17, %dma_wait3A_18] : memref<10000x128xi32, #tpu.memory_space<hbm>> -> memref<10000x128xi32, #tpu.memory_space<hbm>>
      tpu.wait_indirect_dma semaphore(%arg11 : memref<!tpu.dma_semaphore, #tpu.memory_space<semaphore_mem>>) src(%dma_wait3A_19 : memref<10000x128xi32, #tpu.memory_space<hbm>>) dst(%arg9 : memref<200x128xi32, #tpu.memory_space<vmem>>)
      %dma_start3A_20 = tpu.memref_slice %arg8[%multiple_of3A_13] : memref<2400xi32, #tpu.memory_space<vmem>> -> memref<200xi32, #tpu.memory_space<vmem>>
      %dma_start3A_21 = arith.constant 0 : i32
      %dma_start3A_22 = arith.constant 0 : i32
      %dma_start3A_23 = tpu.memref_slice %arg3[%dma_start3A_21, %dma_start3A_22] : memref<10000x128xi32, #tpu.memory_space<hbm>> -> memref<10000x128xi32, #tpu.memory_space<hbm>>
      tpu.enqueue_indirect_dma source(%dma_start3A_23 : memref<10000x128xi32, #tpu.memory_space<hbm>>) target(%arg9 : memref<200x128xi32, #tpu.memory_space<vmem>>) offsets(%dma_start3A_20 : memref<200xi32, #tpu.memory_space<vmem>>) semaphore(%arg11 : memref<!tpu.dma_semaphore, #tpu.memory_space<semaphore_mem>>) {add = true}
      %dma_wait3A_24 = tpu.memref_slice %arg8[%multiple_of3A_13] : memref<2400xi32, #tpu.memory_space<vmem>> -> memref<200xi32, #tpu.memory_space<vmem>>
      %dma_wait3A_25 = arith.constant 0 : i32
      %dma_wait3A_26 = arith.constant 0 : i32
      %dma_wait3A_27 = tpu.memref_slice %arg3[%dma_wait3A_25, %dma_wait3A_26] : memref<10000x128xi32, #tpu.memory_space<hbm>> -> memref<10000x128xi32, #tpu.memory_space<hbm>>
      tpu.wait_indirect_dma semaphore(%arg11 : memref<!tpu.dma_semaphore, #tpu.memory_space<semaphore_mem>>) src(%dma_wait3A_27 : memref<10000x128xi32, #tpu.memory_space<hbm>>) dst(%arg9 : memref<200x128xi32, #tpu.memory_space<vmem>>)
      %add3A_28 = arith.addi %multiple_of3A, %multiple_of3A_13 : i32
      "tpu.region"() ({
        %run_scoped3A = tpu.sem_alloc : memref<!tpu.dma_semaphore, #tpu.memory_space<semaphore_mem>>
        %dma_start3A_53 = arith.constant 0 : i32
        %dma_start3A_54 = tpu.memref_slice %arg6[%add3A_28, %dma_start3A_53] : memref<76800x128xi32, #tpu.memory_space<hbm>> -> memref<200x128xi32, #tpu.memory_space<hbm>>
        %dma_start3A_55 = arith.constant 0 : i32
        %dma_start3A_56 = tpu.memref_slice %arg6[%add3A_28, %dma_start3A_55] : memref<76800x128xi32, #tpu.memory_space<hbm>> -> memref<200x128xi32, #tpu.memory_space<hbm>>
        tpu.enqueue_dma source(%arg9 : memref<200x128xi32, #tpu.memory_space<vmem>>) target(%dma_start3A_56 : memref<200x128xi32, #tpu.memory_space<hbm>>) target_semaphore(%run_scoped3A : memref<!tpu.dma_semaphore, #tpu.memory_space<semaphore_mem>>)
        %dma_wait3A_57 = arith.constant 0 : i32
        %dma_wait3A_58 = tpu.memref_slice %arg6[%add3A_28, %dma_wait3A_57] : memref<76800x128xi32, #tpu.memory_space<hbm>> -> memref<200x128xi32, #tpu.memory_space<hbm>>
        %dma_wait3A_59 = arith.constant 0 : i32
        %dma_wait3A_60 = tpu.memref_slice %arg6[%add3A_28, %dma_wait3A_59] : memref<76800x128xi32, #tpu.memory_space<hbm>> -> memref<200x128xi32, #tpu.memory_space<hbm>>
        tpu.wait_dma2 semaphore(%run_scoped3A : memref<!tpu.dma_semaphore, #tpu.memory_space<semaphore_mem>>) src(%arg9 : memref<200x128xi32, #tpu.memory_space<vmem>>) dst(%dma_wait3A_60 : memref<200x128xi32, #tpu.memory_space<hbm>>)
        tpu.yield
      }) : () -> ()
      %mul3A_29 = arith.constant 2 : i32
      %mul3A_30 = arith.muli %scan3A_8, %mul3A_29 : i32
      %add3A_31 = arith.constant 1 : i32
      %add3A_32 = arith.addi %mul3A_30, %add3A_31 : i32
      %mul3A_33 = arith.constant 200 : i32
      %mul3A_34 = arith.muli %add3A_32, %mul3A_33 : i32
      %multiple_of3A_35 = tpu.assume_multiple %mul3A_34, 200 : i32
      %dma_start3A_36 = tpu.memref_slice %arg7[%multiple_of3A_35] : memref<2400xi32, #tpu.memory_space<vmem>> -> memref<200xi32, #tpu.memory_space<vmem>>
      %dma_start3A_37 = arith.constant 0 : i32
      %dma_start3A_38 = arith.constant 0 : i32
      %dma_start3A_39 = tpu.memref_slice %arg2[%dma_start3A_37, %dma_start3A_38] : memref<10000x128xi32, #tpu.memory_space<hbm>> -> memref<10000x128xi32, #tpu.memory_space<hbm>>
      tpu.enqueue_indirect_dma source(%dma_start3A_39 : memref<10000x128xi32, #tpu.memory_space<hbm>>) target(%arg10 : memref<200x128xi32, #tpu.memory_space<vmem>>) offsets(%dma_start3A_36 : memref<200xi32, #tpu.memory_space<vmem>>) semaphore(%arg12 : memref<!tpu.dma_semaphore, #tpu.memory_space<semaphore_mem>>)
      %dma_wait3A_40 = tpu.memref_slice %arg7[%multiple_of3A_35] : memref<2400xi32, #tpu.memory_space<vmem>> -> memref<200xi32, #tpu.memory_space<vmem>>
      %dma_wait3A_41 = arith.constant 0 : i32
      %dma_wait3A_42 = arith.constant 0 : i32
      %dma_wait3A_43 = tpu.memref_slice %arg2[%dma_wait3A_41, %dma_wait3A_42] : memref<10000x128xi32, #tpu.memory_space<hbm>> -> memref<10000x128xi32, #tpu.memory_space<hbm>>
      tpu.wait_indirect_dma semaphore(%arg12 : memref<!tpu.dma_semaphore, #tpu.memory_space<semaphore_mem>>) src(%dma_wait3A_43 : memref<10000x128xi32, #tpu.memory_space<hbm>>) dst(%arg10 : memref<200x128xi32, #tpu.memory_space<vmem>>)
      %dma_start3A_44 = tpu.memref_slice %arg8[%multiple_of3A_35] : memref<2400xi32, #tpu.memory_space<vmem>> -> memref<200xi32, #tpu.memory_space<vmem>>
      %dma_start3A_45 = arith.constant 0 : i32
      %dma_start3A_46 = arith.constant 0 : i32
      %dma_start3A_47 = tpu.memref_slice %arg3[%dma_start3A_45, %dma_start3A_46] : memref<10000x128xi32, #tpu.memory_space<hbm>> -> memref<10000x128xi32, #tpu.memory_space<hbm>>
      tpu.enqueue_indirect_dma source(%dma_start3A_47 : memref<10000x128xi32, #tpu.memory_space<hbm>>) target(%arg10 : memref<200x128xi32, #tpu.memory_space<vmem>>) offsets(%dma_start3A_44 : memref<200xi32, #tpu.memory_space<vmem>>) semaphore(%arg12 : memref<!tpu.dma_semaphore, #tpu.memory_space<semaphore_mem>>) {add = true}
      %dma_wait3A_48 = tpu.memref_slice %arg8[%multiple_of3A_35] : memref<2400xi32, #tpu.memory_space<vmem>> -> memref<200xi32, #tpu.memory_space<vmem>>
      %dma_wait3A_49 = arith.constant 0 : i32
      %dma_wait3A_50 = arith.constant 0 : i32
      %dma_wait3A_51 = tpu.memref_slice %arg3[%dma_wait3A_49, %dma_wait3A_50] : memref<10000x128xi32, #tpu.memory_space<hbm>> -> memref<10000x128xi32, #tpu.memory_space<hbm>>
      tpu.wait_indirect_dma semaphore(%arg12 : memref<!tpu.dma_semaphore, #tpu.memory_space<semaphore_mem>>) src(%dma_wait3A_51 : memref<10000x128xi32, #tpu.memory_space<hbm>>) dst(%arg10 : memref<200x128xi32, #tpu.memory_space<vmem>>)
      %add3A_52 = arith.addi %multiple_of3A, %multiple_of3A_35 : i32
      "tpu.region"() ({
        %run_scoped3A = tpu.sem_alloc : memref<!tpu.dma_semaphore, #tpu.memory_space<semaphore_mem>>
        %dma_start3A_53 = arith.constant 0 : i32
        %dma_start3A_54 = tpu.memref_slice %arg6[%add3A_52, %dma_start3A_53] : memref<76800x128xi32, #tpu.memory_space<hbm>> -> memref<200x128xi32, #tpu.memory_space<hbm>>
        %dma_start3A_55 = arith.constant 0 : i32
        %dma_start3A_56 = tpu.memref_slice %arg6[%add3A_52, %dma_start3A_55] : memref<76800x128xi32, #tpu.memory_space<hbm>> -> memref<200x128xi32, #tpu.memory_space<hbm>>
        tpu.enqueue_dma source(%arg10 : memref<200x128xi32, #tpu.memory_space<vmem>>) target(%dma_start3A_56 : memref<200x128xi32, #tpu.memory_space<hbm>>) target_semaphore(%run_scoped3A : memref<!tpu.dma_semaphore, #tpu.memory_space<semaphore_mem>>)
        %dma_wait3A_57 = arith.constant 0 : i32
        %dma_wait3A_58 = tpu.memref_slice %arg6[%add3A_52, %dma_wait3A_57] : memref<76800x128xi32, #tpu.memory_space<hbm>> -> memref<200x128xi32, #tpu.memory_space<hbm>>
        %dma_wait3A_59 = arith.constant 0 : i32
        %dma_wait3A_60 = tpu.memref_slice %arg6[%add3A_52, %dma_wait3A_59] : memref<76800x128xi32, #tpu.memory_space<hbm>> -> memref<200x128xi32, #tpu.memory_space<hbm>>
        tpu.wait_dma2 semaphore(%run_scoped3A : memref<!tpu.dma_semaphore, #tpu.memory_space<semaphore_mem>>) src(%arg10 : memref<200x128xi32, #tpu.memory_space<vmem>>) dst(%dma_wait3A_60 : memref<200x128xi32, #tpu.memory_space<hbm>>)
        tpu.yield
      }) : () -> ()
    }
    %scan3A_7 = arith.constant 6 : i32
    return
  }
}

module attributes {stable_mosaic.version = 14 : i64} {
  func.func @_tc_body(%arg0: i32, %arg1: memref<2560x128xf32, #tpu.memory_space<vmem>>, %arg2: memref<2560x128xi32, #tpu.memory_space<vmem>>, %arg3: memref<384x512xbf16, #tpu.memory_space<vmem>>, %arg4: memref<1x512xf32, #tpu.memory_space<vmem>>, %arg5: memref<512x512xbf16, #tpu.memory_space<vmem>>, %arg6: memref<1x512xf32, #tpu.memory_space<vmem>>, %arg7: memref<1x512xf32, #tpu.memory_space<vmem>>, %arg8: memref<1x512xf32, #tpu.memory_space<vmem>>, %arg9: memref<2560x512xf32, #tpu.memory_space<vmem>>) attributes {dimension_semantics = [#tpu.dimension_semantics<arbitrary>], iteration_bounds = array<i64: 5>, scalar_prefetch = 0 : i64, scratch_operands = 0 : i64, tpu.core_type = #tpu.core_type<tc>, window_params = [{transform_indices = @transform_0, window_bounds = array<i64: 2560, 128>}, {transform_indices = @transform_1, window_bounds = array<i64: 2560, 128>}, {pipeline_mode = #tpu.pipeline_mode<synchronous>, transform_indices = @transform_2, window_bounds = array<i64: 384, 512>}, {pipeline_mode = #tpu.pipeline_mode<synchronous>, transform_indices = @transform_3, window_bounds = array<i64: 1, 512>}, {pipeline_mode = #tpu.pipeline_mode<synchronous>, transform_indices = @transform_4, window_bounds = array<i64: 512, 512>}, {pipeline_mode = #tpu.pipeline_mode<synchronous>, transform_indices = @transform_5, window_bounds = array<i64: 1, 512>}, {pipeline_mode = #tpu.pipeline_mode<synchronous>, transform_indices = @transform_6, window_bounds = array<i64: 1, 512>}, {pipeline_mode = #tpu.pipeline_mode<synchronous>, transform_indices = @transform_7, window_bounds = array<i64: 1, 512>}, {transform_indices = @transform_8, window_bounds = array<i64: 2560, 512>}]} {
    %get3A = arith.constant 0 : index
    %get3A_0 = arith.constant 0 : index
    %get3A_1 = vector.load %arg2[%get3A, %get3A_0] : memref<2560x128xi32, #tpu.memory_space<vmem>>, vector<2560x128xi32>
    %shift_left3A = arith.constant 16 : i32
    %shift_left3A_2 = vector.broadcast %shift_left3A : i32 to vector<2560x128xi32>
    %shift_left3A_3 = arith.shli %get3A_1, %shift_left3A_2 : vector<2560x128xi32>
    %bitcast_convert_type3A = tpu.bitcast %shift_left3A_3 : vector<2560x128xi32> -> vector<2560x128xf32>
    %convert_element_type3A = arith.truncf %bitcast_convert_type3A : vector<2560x128xf32> to vector<2560x128xbf16>
    %and3A = arith.constant -65536 : i32
    %and3A_4 = vector.broadcast %and3A : i32 to vector<2560x128xi32>
    %and3A_5 = arith.andi %get3A_1, %and3A_4 : vector<2560x128xi32>
    %bitcast_convert_type3A_6 = tpu.bitcast %and3A_5 : vector<2560x128xi32> -> vector<2560x128xf32>
    %convert_element_type3A_7 = arith.truncf %bitcast_convert_type3A_6 : vector<2560x128xf32> to vector<2560x128xbf16>
    %get3A_8 = arith.constant 0 : index
    %get3A_9 = arith.constant 0 : index
    %get3A_10 = vector.load %arg1[%get3A_8, %get3A_9] : memref<2560x128xf32, #tpu.memory_space<vmem>>, vector<2560x128xf32>
    %convert_element_type3A_11 = arith.truncf %get3A_10 : vector<2560x128xf32> to vector<2560x128xbf16>
    %concatenate3A = tpu.concatenate %convert_element_type3A_11, %convert_element_type3A, %convert_element_type3A_7 in 1 : vector<2560x128xbf16>, vector<2560x128xbf16>, vector<2560x128xbf16> -> vector<2560x384xbf16>
    %get3A_12 = arith.constant 0 : index
    %get3A_13 = arith.constant 0 : index
    %get3A_14 = vector.load %arg3[%get3A_12, %get3A_13] : memref<384x512xbf16, #tpu.memory_space<vmem>>, vector<384x512xbf16>
    %dot_general3A = arith.constant dense<0.000000e+00> : vector<2560x512xf32>
    %dot_general3A_15 = tpu.matmul %concatenate3A, %get3A_14, %dot_general3A {dimension_numbers = #tpu.dot_dimension_numbers<[1], [0], [0], [1], [0, 0, 1, 1], [], []>, transpose_lhs_hint = false} : vector<2560x384xbf16>, vector<384x512xbf16>, vector<2560x512xf32> -> vector<2560x512xf32>
    %get3A_16 = arith.constant 0 : index
    %get3A_17 = arith.constant 0 : index
    %get3A_18 = vector.load %arg4[%get3A_16, %get3A_17] : memref<1x512xf32, #tpu.memory_space<vmem>>, vector<1x512xf32>
    %add3A = vector.broadcast %get3A_18 : vector<1x512xf32> to vector<2560x512xf32>
    %add3A_19 = arith.addf %dot_general3A_15, %add3A : vector<2560x512xf32>
    %neg3A = arith.constant 0.000000e+00 : f32
    %neg3A_20 = vector.broadcast %neg3A : f32 to vector<2560x512xf32>
    %neg3A_21 = arith.subf %neg3A_20, %add3A_19 : vector<2560x512xf32>
    %exp3A = math.exp %neg3A_21 : vector<2560x512xf32>
    %add3A_22 = arith.constant 1.000000e+00 : f32
    %add3A_23 = vector.broadcast %add3A_22 : f32 to vector<2560x512xf32>
    %add3A_24 = arith.addf %add3A_23, %exp3A : vector<2560x512xf32>
    %div3A = arith.divf %add3A_19, %add3A_24 : vector<2560x512xf32>
    %convert_element_type3A_25 = arith.truncf %div3A : vector<2560x512xf32> to vector<2560x512xbf16>
    %get3A_26 = arith.constant 0 : index
    %get3A_27 = arith.constant 0 : index
    %get3A_28 = vector.load %arg5[%get3A_26, %get3A_27] : memref<512x512xbf16, #tpu.memory_space<vmem>>, vector<512x512xbf16>
    %dot_general3A_29 = arith.constant dense<0.000000e+00> : vector<2560x512xf32>
    %dot_general3A_30 = tpu.matmul %convert_element_type3A_25, %get3A_28, %dot_general3A_29 {dimension_numbers = #tpu.dot_dimension_numbers<[1], [0], [0], [1], [0, 0, 1, 1], [], []>, transpose_lhs_hint = false} : vector<2560x512xbf16>, vector<512x512xbf16>, vector<2560x512xf32> -> vector<2560x512xf32>
    %get3A_31 = arith.constant 0 : index
    %get3A_32 = arith.constant 0 : index
    %get3A_33 = vector.load %arg6[%get3A_31, %get3A_32] : memref<1x512xf32, #tpu.memory_space<vmem>>, vector<1x512xf32>
    %add3A_34 = vector.broadcast %get3A_33 : vector<1x512xf32> to vector<2560x512xf32>
    %add3A_35 = arith.addf %dot_general3A_30, %add3A_34 : vector<2560x512xf32>
    %reduce_sum3A = arith.constant dense<0.000000e+00> : vector<2560xf32>
    %reduce_sum3A_36 = vector.multi_reduction <add>, %add3A_35, %reduce_sum3A [1] : vector<2560x512xf32> to vector<2560xf32>
    %broadcast_in_dim3A = vector.shape_cast %reduce_sum3A_36 : vector<2560xf32> to vector<2560x1xf32>
    %div3A_37 = arith.constant 5.120000e+02 : f32
    %div3A_38 = vector.broadcast %div3A_37 : f32 to vector<2560x1xf32>
    %div3A_39 = arith.divf %broadcast_in_dim3A, %div3A_38 : vector<2560x1xf32>
    %sub3A = vector.broadcast %div3A_39 : vector<2560x1xf32> to vector<2560x512xf32>
    %sub3A_40 = arith.subf %add3A_35, %sub3A : vector<2560x512xf32>
    %integer_pow3A = arith.mulf %sub3A_40, %sub3A_40 : vector<2560x512xf32>
    %reduce_sum3A_41 = arith.constant dense<0.000000e+00> : vector<2560xf32>
    %reduce_sum3A_42 = vector.multi_reduction <add>, %integer_pow3A, %reduce_sum3A_41 [1] : vector<2560x512xf32> to vector<2560xf32>
    %broadcast_in_dim3A_43 = vector.shape_cast %reduce_sum3A_42 : vector<2560xf32> to vector<2560x1xf32>
    %div3A_44 = arith.constant 5.120000e+02 : f32
    %div3A_45 = vector.broadcast %div3A_44 : f32 to vector<2560x1xf32>
    %div3A_46 = arith.divf %broadcast_in_dim3A_43, %div3A_45 : vector<2560x1xf32>
    %sub3A_47 = vector.broadcast %div3A_39 : vector<2560x1xf32> to vector<2560x512xf32>
    %sub3A_48 = arith.subf %add3A_35, %sub3A_47 : vector<2560x512xf32>
    %add3A_49 = arith.constant 9.99999974E-6 : f32
    %add3A_50 = vector.broadcast %add3A_49 : f32 to vector<2560x1xf32>
    %add3A_51 = arith.addf %div3A_46, %add3A_50 : vector<2560x1xf32>
    %rsqrt3A = math.rsqrt %add3A_51 : vector<2560x1xf32>
    %mul3A = vector.broadcast %rsqrt3A : vector<2560x1xf32> to vector<2560x512xf32>
    %mul3A_52 = arith.mulf %sub3A_48, %mul3A : vector<2560x512xf32>
    %get3A_53 = arith.constant 0 : index
    %get3A_54 = arith.constant 0 : index
    %get3A_55 = vector.load %arg7[%get3A_53, %get3A_54] : memref<1x512xf32, #tpu.memory_space<vmem>>, vector<1x512xf32>
    %mul3A_56 = vector.broadcast %get3A_55 : vector<1x512xf32> to vector<2560x512xf32>
    %mul3A_57 = arith.mulf %mul3A_52, %mul3A_56 : vector<2560x512xf32>
    %get3A_58 = arith.constant 0 : index
    %get3A_59 = arith.constant 0 : index
    %get3A_60 = vector.load %arg8[%get3A_58, %get3A_59] : memref<1x512xf32, #tpu.memory_space<vmem>>, vector<1x512xf32>
    %add3A_61 = vector.broadcast %get3A_60 : vector<1x512xf32> to vector<2560x512xf32>
    %add3A_62 = arith.addf %mul3A_57, %add3A_61 : vector<2560x512xf32>
    %swap3A = arith.constant 0 : index
    %swap3A_63 = arith.constant 0 : index
    %swap3A_64 = vector.load %arg9[%swap3A, %swap3A_63] : memref<2560x512xf32, #tpu.memory_space<vmem>>, vector<2560x512xf32>
    tpu.vector_store %arg9[%swap3A, %swap3A_63], %add3A_62 {strides = array<i32>} : memref<2560x512xf32, #tpu.memory_space<vmem>>, vector<2560x512xf32>,
    return
  }
  func.func @transform_0(%arg0: i32) -> (i32, i32) {
    %add3A = arith.constant 0 : i32
    %add3A_0 = arith.addi %add3A, %arg0 : i32
    %c0_i32 = arith.constant 0 : i32
    %c0_i32_1 = arith.constant 0 : i32
    return %add3A_0, %c0_i32 : i32, i32
  }
  func.func @transform_1(%arg0: i32) -> (i32, i32) {
    %c0_i32 = arith.constant 0 : i32
    %c0_i32_0 = arith.constant 0 : i32
    return %arg0, %c0_i32 : i32, i32
  }
  func.func @transform_2(%arg0: i32) -> (i32, i32) {
    %c0_i32 = arith.constant 0 : i32
    %c0_i32_0 = arith.constant 0 : i32
    %c0_i32_1 = arith.constant 0 : i32
    return %c0_i32, %c0_i32_0 : i32, i32
  }
  func.func @transform_3(%arg0: i32) -> (i32, i32) {
    %c0_i32 = arith.constant 0 : i32
    %c0_i32_0 = arith.constant 0 : i32
    %c0_i32_1 = arith.constant 0 : i32
    return %c0_i32, %c0_i32_0 : i32, i32
  }
  func.func @transform_4(%arg0: i32) -> (i32, i32) {
    %c0_i32 = arith.constant 0 : i32
    %c0_i32_0 = arith.constant 0 : i32
    %c0_i32_1 = arith.constant 0 : i32
    return %c0_i32, %c0_i32_0 : i32, i32
  }
  func.func @transform_5(%arg0: i32) -> (i32, i32) {
    %c0_i32 = arith.constant 0 : i32
    %c0_i32_0 = arith.constant 0 : i32
    %c0_i32_1 = arith.constant 0 : i32
    return %c0_i32, %c0_i32_0 : i32, i32
  }
  func.func @transform_6(%arg0: i32) -> (i32, i32) {
    %c0_i32 = arith.constant 0 : i32
    %c0_i32_0 = arith.constant 0 : i32
    %c0_i32_1 = arith.constant 0 : i32
    return %c0_i32, %c0_i32_0 : i32, i32
  }
  func.func @transform_7(%arg0: i32) -> (i32, i32) {
    %c0_i32 = arith.constant 0 : i32
    %c0_i32_0 = arith.constant 0 : i32
    %c0_i32_1 = arith.constant 0 : i32
    return %c0_i32, %c0_i32_0 : i32, i32
  }
  func.func @transform_8(%arg0: i32) -> (i32, i32) {
    %add3A = arith.constant 0 : i32
    %add3A_0 = arith.addi %add3A, %arg0 : i32
    %c0_i32 = arith.constant 0 : i32
    %c0_i32_1 = arith.constant 0 : i32
    return %add3A_0, %c0_i32 : i32, i32
  }
}

module attributes {stable_mosaic.version = 14 : i64} {
  func.func @_tc_body(%arg0: i32, %arg1: memref<2560x128xf32, #tpu.memory_space<vmem>>, %arg2: memref<2560x128xi32, #tpu.memory_space<vmem>>, %arg3: memref<384x512xbf16, #tpu.memory_space<vmem>>, %arg4: memref<1x512xf32, #tpu.memory_space<vmem>>, %arg5: memref<512x512xbf16, #tpu.memory_space<vmem>>, %arg6: memref<1x512xf32, #tpu.memory_space<vmem>>, %arg7: memref<1x512xf32, #tpu.memory_space<vmem>>, %arg8: memref<1x512xf32, #tpu.memory_space<vmem>>, %arg9: memref<320000x512xf32, #tpu.memory_space<any>>, %arg10: memref<2560x512xf32, #tpu.memory_space<vmem>>) attributes {dimension_semantics = [#tpu.dimension_semantics<arbitrary>], iteration_bounds = array<i64: 30>, scalar_prefetch = 0 : i64, scratch_operands = 0 : i64, tpu.core_type = #tpu.core_type<tc>, window_params = [{transform_indices = @transform_0, window_bounds = array<i64: 2560, 128>}, {transform_indices = @transform_1, window_bounds = array<i64: 2560, 128>}, {pipeline_mode = #tpu.pipeline_mode<synchronous>, transform_indices = @transform_2, window_bounds = array<i64: 384, 512>}, {pipeline_mode = #tpu.pipeline_mode<synchronous>, transform_indices = @transform_3, window_bounds = array<i64: 1, 512>}, {pipeline_mode = #tpu.pipeline_mode<synchronous>, transform_indices = @transform_4, window_bounds = array<i64: 512, 512>}, {pipeline_mode = #tpu.pipeline_mode<synchronous>, transform_indices = @transform_5, window_bounds = array<i64: 1, 512>}, {pipeline_mode = #tpu.pipeline_mode<synchronous>, transform_indices = @transform_6, window_bounds = array<i64: 1, 512>}, {pipeline_mode = #tpu.pipeline_mode<synchronous>, transform_indices = @transform_7, window_bounds = array<i64: 1, 512>}, {}, {transform_indices = @transform_9, window_bounds = array<i64: 2560, 512>}]} {
    %get3A = arith.constant 0 : index
    %get3A_0 = arith.constant 0 : index
    %get3A_1 = vector.load %arg2[%get3A, %get3A_0] : memref<2560x128xi32, #tpu.memory_space<vmem>>, vector<2560x128xi32>
    %shift_left3A = arith.constant 16 : i32
    %shift_left3A_2 = vector.broadcast %shift_left3A : i32 to vector<2560x128xi32>
    %shift_left3A_3 = arith.shli %get3A_1, %shift_left3A_2 : vector<2560x128xi32>
    %bitcast_convert_type3A = tpu.bitcast %shift_left3A_3 : vector<2560x128xi32> -> vector<2560x128xf32>
    %convert_element_type3A = arith.truncf %bitcast_convert_type3A : vector<2560x128xf32> to vector<2560x128xbf16>
    %and3A = arith.constant -65536 : i32
    %and3A_4 = vector.broadcast %and3A : i32 to vector<2560x128xi32>
    %and3A_5 = arith.andi %get3A_1, %and3A_4 : vector<2560x128xi32>
    %bitcast_convert_type3A_6 = tpu.bitcast %and3A_5 : vector<2560x128xi32> -> vector<2560x128xf32>
    %convert_element_type3A_7 = arith.truncf %bitcast_convert_type3A_6 : vector<2560x128xf32> to vector<2560x128xbf16>
    %get3A_8 = arith.constant 0 : index
    %get3A_9 = arith.constant 0 : index
    %get3A_10 = vector.load %arg1[%get3A_8, %get3A_9] : memref<2560x128xf32, #tpu.memory_space<vmem>>, vector<2560x128xf32>
    %convert_element_type3A_11 = arith.truncf %get3A_10 : vector<2560x128xf32> to vector<2560x128xbf16>
    %concatenate3A = tpu.concatenate %convert_element_type3A_11, %convert_element_type3A, %convert_element_type3A_7 in 1 : vector<2560x128xbf16>, vector<2560x128xbf16>, vector<2560x128xbf16> -> vector<2560x384xbf16>
    %get3A_12 = arith.constant 0 : index
    %get3A_13 = arith.constant 0 : index
    %get3A_14 = vector.load %arg3[%get3A_12, %get3A_13] : memref<384x512xbf16, #tpu.memory_space<vmem>>, vector<384x512xbf16>
    %dot_general3A = arith.constant dense<0.000000e+00> : vector<2560x512xf32>
    %dot_general3A_15 = tpu.matmul %concatenate3A, %get3A_14, %dot_general3A {dimension_numbers = #tpu.dot_dimension_numbers<[1], [0], [0], [1], [0, 0, 1, 1], [], []>, transpose_lhs_hint = false} : vector<2560x384xbf16>, vector<384x512xbf16>, vector<2560x512xf32> -> vector<2560x512xf32>
    %get3A_16 = arith.constant 0 : index
    %get3A_17 = arith.constant 0 : index
    %get3A_18 = vector.load %arg4[%get3A_16, %get3A_17] : memref<1x512xf32, #tpu.memory_space<vmem>>, vector<1x512xf32>
    %add3A = vector.broadcast %get3A_18 : vector<1x512xf32> to vector<2560x512xf32>
    %add3A_19 = arith.addf %dot_general3A_15, %add3A : vector<2560x512xf32>
    %neg3A = arith.constant 0.000000e+00 : f32
    %neg3A_20 = vector.broadcast %neg3A : f32 to vector<2560x512xf32>
    %neg3A_21 = arith.subf %neg3A_20, %add3A_19 : vector<2560x512xf32>
    %exp3A = math.exp %neg3A_21 : vector<2560x512xf32>
    %add3A_22 = arith.constant 1.000000e+00 : f32
    %add3A_23 = vector.broadcast %add3A_22 : f32 to vector<2560x512xf32>
    %add3A_24 = arith.addf %add3A_23, %exp3A : vector<2560x512xf32>
    %div3A = arith.divf %add3A_19, %add3A_24 : vector<2560x512xf32>
    %convert_element_type3A_25 = arith.truncf %div3A : vector<2560x512xf32> to vector<2560x512xbf16>
    %get3A_26 = arith.constant 0 : index
    %get3A_27 = arith.constant 0 : index
    %get3A_28 = vector.load %arg5[%get3A_26, %get3A_27] : memref<512x512xbf16, #tpu.memory_space<vmem>>, vector<512x512xbf16>
    %dot_general3A_29 = arith.constant dense<0.000000e+00> : vector<2560x512xf32>
    %dot_general3A_30 = tpu.matmul %convert_element_type3A_25, %get3A_28, %dot_general3A_29 {dimension_numbers = #tpu.dot_dimension_numbers<[1], [0], [0], [1], [0, 0, 1, 1], [], []>, transpose_lhs_hint = false} : vector<2560x512xbf16>, vector<512x512xbf16>, vector<2560x512xf32> -> vector<2560x512xf32>
    %get3A_31 = arith.constant 0 : index
    %get3A_32 = arith.constant 0 : index
    %get3A_33 = vector.load %arg6[%get3A_31, %get3A_32] : memref<1x512xf32, #tpu.memory_space<vmem>>, vector<1x512xf32>
    %add3A_34 = vector.broadcast %get3A_33 : vector<1x512xf32> to vector<2560x512xf32>
    %add3A_35 = arith.addf %dot_general3A_30, %add3A_34 : vector<2560x512xf32>
    %reduce_sum3A = arith.constant dense<0.000000e+00> : vector<2560xf32>
    %reduce_sum3A_36 = vector.multi_reduction <add>, %add3A_35, %reduce_sum3A [1] : vector<2560x512xf32> to vector<2560xf32>
    %broadcast_in_dim3A = vector.shape_cast %reduce_sum3A_36 : vector<2560xf32> to vector<2560x1xf32>
    %div3A_37 = arith.constant 5.120000e+02 : f32
    %div3A_38 = vector.broadcast %div3A_37 : f32 to vector<2560x1xf32>
    %div3A_39 = arith.divf %broadcast_in_dim3A, %div3A_38 : vector<2560x1xf32>
    %sub3A = vector.broadcast %div3A_39 : vector<2560x1xf32> to vector<2560x512xf32>
    %sub3A_40 = arith.subf %add3A_35, %sub3A : vector<2560x512xf32>
    %integer_pow3A = arith.mulf %sub3A_40, %sub3A_40 : vector<2560x512xf32>
    %reduce_sum3A_41 = arith.constant dense<0.000000e+00> : vector<2560xf32>
    %reduce_sum3A_42 = vector.multi_reduction <add>, %integer_pow3A, %reduce_sum3A_41 [1] : vector<2560x512xf32> to vector<2560xf32>
    %broadcast_in_dim3A_43 = vector.shape_cast %reduce_sum3A_42 : vector<2560xf32> to vector<2560x1xf32>
    %div3A_44 = arith.constant 5.120000e+02 : f32
    %div3A_45 = vector.broadcast %div3A_44 : f32 to vector<2560x1xf32>
    %div3A_46 = arith.divf %broadcast_in_dim3A_43, %div3A_45 : vector<2560x1xf32>
    %sub3A_47 = vector.broadcast %div3A_39 : vector<2560x1xf32> to vector<2560x512xf32>
    %sub3A_48 = arith.subf %add3A_35, %sub3A_47 : vector<2560x512xf32>
    %add3A_49 = arith.constant 9.99999974E-6 : f32
    %add3A_50 = vector.broadcast %add3A_49 : f32 to vector<2560x1xf32>
    %add3A_51 = arith.addf %div3A_46, %add3A_50 : vector<2560x1xf32>
    %rsqrt3A = math.rsqrt %add3A_51 : vector<2560x1xf32>
    %mul3A = vector.broadcast %rsqrt3A : vector<2560x1xf32> to vector<2560x512xf32>
    %mul3A_52 = arith.mulf %sub3A_48, %mul3A : vector<2560x512xf32>
    %get3A_53 = arith.constant 0 : index
    %get3A_54 = arith.constant 0 : index
    %get3A_55 = vector.load %arg7[%get3A_53, %get3A_54] : memref<1x512xf32, #tpu.memory_space<vmem>>, vector<1x512xf32>
    %mul3A_56 = vector.broadcast %get3A_55 : vector<1x512xf32> to vector<2560x512xf32>
    %mul3A_57 = arith.mulf %mul3A_52, %mul3A_56 : vector<2560x512xf32>
    %get3A_58 = arith.constant 0 : index
    %get3A_59 = arith.constant 0 : index
    %get3A_60 = vector.load %arg8[%get3A_58, %get3A_59] : memref<1x512xf32, #tpu.memory_space<vmem>>, vector<1x512xf32>
    %add3A_61 = vector.broadcast %get3A_60 : vector<1x512xf32> to vector<2560x512xf32>
    %add3A_62 = arith.addf %mul3A_57, %add3A_61 : vector<2560x512xf32>
    %swap3A = arith.constant 0 : index
    %swap3A_63 = arith.constant 0 : index
    %swap3A_64 = vector.load %arg10[%swap3A, %swap3A_63] : memref<2560x512xf32, #tpu.memory_space<vmem>>, vector<2560x512xf32>
    tpu.vector_store %arg10[%swap3A, %swap3A_63], %add3A_62 {strides = array<i32>} : memref<2560x512xf32, #tpu.memory_space<vmem>>, vector<2560x512xf32>,
    return
  }
  func.func @transform_0(%arg0: i32) -> (i32, i32) {
    %add3A = arith.constant 5 : i32
    %add3A_0 = arith.addi %add3A, %arg0 : i32
    %c0_i32 = arith.constant 0 : i32
    %c0_i32_1 = arith.constant 0 : i32
    return %add3A_0, %c0_i32 : i32, i32
  }
  func.func @transform_1(%arg0: i32) -> (i32, i32) {
    %c0_i32 = arith.constant 0 : i32
    %c0_i32_0 = arith.constant 0 : i32
    return %arg0, %c0_i32 : i32, i32
  }
  func.func @transform_2(%arg0: i32) -> (i32, i32) {
    %c0_i32 = arith.constant 0 : i32
    %c0_i32_0 = arith.constant 0 : i32
    %c0_i32_1 = arith.constant 0 : i32
    return %c0_i32, %c0_i32_0 : i32, i32
  }
  func.func @transform_3(%arg0: i32) -> (i32, i32) {
    %c0_i32 = arith.constant 0 : i32
    %c0_i32_0 = arith.constant 0 : i32
    %c0_i32_1 = arith.constant 0 : i32
    return %c0_i32, %c0_i32_0 : i32, i32
  }
  func.func @transform_4(%arg0: i32) -> (i32, i32) {
    %c0_i32 = arith.constant 0 : i32
    %c0_i32_0 = arith.constant 0 : i32
    %c0_i32_1 = arith.constant 0 : i32
    return %c0_i32, %c0_i32_0 : i32, i32
  }
  func.func @transform_5(%arg0: i32) -> (i32, i32) {
    %c0_i32 = arith.constant 0 : i32
    %c0_i32_0 = arith.constant 0 : i32
    %c0_i32_1 = arith.constant 0 : i32
    return %c0_i32, %c0_i32_0 : i32, i32
  }
  func.func @transform_6(%arg0: i32) -> (i32, i32) {
    %c0_i32 = arith.constant 0 : i32
    %c0_i32_0 = arith.constant 0 : i32
    %c0_i32_1 = arith.constant 0 : i32
    return %c0_i32, %c0_i32_0 : i32, i32
  }
  func.func @transform_7(%arg0: i32) -> (i32, i32) {
    %c0_i32 = arith.constant 0 : i32
    %c0_i32_0 = arith.constant 0 : i32
    %c0_i32_1 = arith.constant 0 : i32
    return %c0_i32, %c0_i32_0 : i32, i32
  }
  func.func @transform_9(%arg0: i32) -> (i32, i32) {
    %add3A = arith.constant 5 : i32
    %add3A_0 = arith.addi %add3A, %arg0 : i32
    %c0_i32 = arith.constant 0 : i32
    %c0_i32_1 = arith.constant 0 : i32
    return %add3A_0, %c0_i32 : i32, i32
  }
}

module attributes {stable_mosaic.version = 14 : i64} {
  func.func @_tc_body(%arg0: i32, %arg1: memref<2560x128xf32, #tpu.memory_space<vmem>>, %arg2: memref<2560x128xi32, #tpu.memory_space<vmem>>, %arg3: memref<384x512xbf16, #tpu.memory_space<vmem>>, %arg4: memref<1x512xf32, #tpu.memory_space<vmem>>, %arg5: memref<512x512xbf16, #tpu.memory_space<vmem>>, %arg6: memref<1x512xf32, #tpu.memory_space<vmem>>, %arg7: memref<1x512xf32, #tpu.memory_space<vmem>>, %arg8: memref<1x512xf32, #tpu.memory_space<vmem>>, %arg9: memref<320000x512xf32, #tpu.memory_space<any>>, %arg10: memref<2560x512xf32, #tpu.memory_space<vmem>>) attributes {dimension_semantics = [#tpu.dimension_semantics<arbitrary>], iteration_bounds = array<i64: 30>, scalar_prefetch = 0 : i64, scratch_operands = 0 : i64, tpu.core_type = #tpu.core_type<tc>, window_params = [{transform_indices = @transform_0, window_bounds = array<i64: 2560, 128>}, {transform_indices = @transform_1, window_bounds = array<i64: 2560, 128>}, {pipeline_mode = #tpu.pipeline_mode<synchronous>, transform_indices = @transform_2, window_bounds = array<i64: 384, 512>}, {pipeline_mode = #tpu.pipeline_mode<synchronous>, transform_indices = @transform_3, window_bounds = array<i64: 1, 512>}, {pipeline_mode = #tpu.pipeline_mode<synchronous>, transform_indices = @transform_4, window_bounds = array<i64: 512, 512>}, {pipeline_mode = #tpu.pipeline_mode<synchronous>, transform_indices = @transform_5, window_bounds = array<i64: 1, 512>}, {pipeline_mode = #tpu.pipeline_mode<synchronous>, transform_indices = @transform_6, window_bounds = array<i64: 1, 512>}, {pipeline_mode = #tpu.pipeline_mode<synchronous>, transform_indices = @transform_7, window_bounds = array<i64: 1, 512>}, {}, {transform_indices = @transform_9, window_bounds = array<i64: 2560, 512>}]} {
    %get3A = arith.constant 0 : index
    %get3A_0 = arith.constant 0 : index
    %get3A_1 = vector.load %arg2[%get3A, %get3A_0] : memref<2560x128xi32, #tpu.memory_space<vmem>>, vector<2560x128xi32>
    %shift_left3A = arith.constant 16 : i32
    %shift_left3A_2 = vector.broadcast %shift_left3A : i32 to vector<2560x128xi32>
    %shift_left3A_3 = arith.shli %get3A_1, %shift_left3A_2 : vector<2560x128xi32>
    %bitcast_convert_type3A = tpu.bitcast %shift_left3A_3 : vector<2560x128xi32> -> vector<2560x128xf32>
    %convert_element_type3A = arith.truncf %bitcast_convert_type3A : vector<2560x128xf32> to vector<2560x128xbf16>
    %and3A = arith.constant -65536 : i32
    %and3A_4 = vector.broadcast %and3A : i32 to vector<2560x128xi32>
    %and3A_5 = arith.andi %get3A_1, %and3A_4 : vector<2560x128xi32>
    %bitcast_convert_type3A_6 = tpu.bitcast %and3A_5 : vector<2560x128xi32> -> vector<2560x128xf32>
    %convert_element_type3A_7 = arith.truncf %bitcast_convert_type3A_6 : vector<2560x128xf32> to vector<2560x128xbf16>
    %get3A_8 = arith.constant 0 : index
    %get3A_9 = arith.constant 0 : index
    %get3A_10 = vector.load %arg1[%get3A_8, %get3A_9] : memref<2560x128xf32, #tpu.memory_space<vmem>>, vector<2560x128xf32>
    %convert_element_type3A_11 = arith.truncf %get3A_10 : vector<2560x128xf32> to vector<2560x128xbf16>
    %concatenate3A = tpu.concatenate %convert_element_type3A_11, %convert_element_type3A, %convert_element_type3A_7 in 1 : vector<2560x128xbf16>, vector<2560x128xbf16>, vector<2560x128xbf16> -> vector<2560x384xbf16>
    %get3A_12 = arith.constant 0 : index
    %get3A_13 = arith.constant 0 : index
    %get3A_14 = vector.load %arg3[%get3A_12, %get3A_13] : memref<384x512xbf16, #tpu.memory_space<vmem>>, vector<384x512xbf16>
    %dot_general3A = arith.constant dense<0.000000e+00> : vector<2560x512xf32>
    %dot_general3A_15 = tpu.matmul %concatenate3A, %get3A_14, %dot_general3A {dimension_numbers = #tpu.dot_dimension_numbers<[1], [0], [0], [1], [0, 0, 1, 1], [], []>, transpose_lhs_hint = false} : vector<2560x384xbf16>, vector<384x512xbf16>, vector<2560x512xf32> -> vector<2560x512xf32>
    %get3A_16 = arith.constant 0 : index
    %get3A_17 = arith.constant 0 : index
    %get3A_18 = vector.load %arg4[%get3A_16, %get3A_17] : memref<1x512xf32, #tpu.memory_space<vmem>>, vector<1x512xf32>
    %add3A = vector.broadcast %get3A_18 : vector<1x512xf32> to vector<2560x512xf32>
    %add3A_19 = arith.addf %dot_general3A_15, %add3A : vector<2560x512xf32>
    %neg3A = arith.constant 0.000000e+00 : f32
    %neg3A_20 = vector.broadcast %neg3A : f32 to vector<2560x512xf32>
    %neg3A_21 = arith.subf %neg3A_20, %add3A_19 : vector<2560x512xf32>
    %exp3A = math.exp %neg3A_21 : vector<2560x512xf32>
    %add3A_22 = arith.constant 1.000000e+00 : f32
    %add3A_23 = vector.broadcast %add3A_22 : f32 to vector<2560x512xf32>
    %add3A_24 = arith.addf %add3A_23, %exp3A : vector<2560x512xf32>
    %div3A = arith.divf %add3A_19, %add3A_24 : vector<2560x512xf32>
    %convert_element_type3A_25 = arith.truncf %div3A : vector<2560x512xf32> to vector<2560x512xbf16>
    %get3A_26 = arith.constant 0 : index
    %get3A_27 = arith.constant 0 : index
    %get3A_28 = vector.load %arg5[%get3A_26, %get3A_27] : memref<512x512xbf16, #tpu.memory_space<vmem>>, vector<512x512xbf16>
    %dot_general3A_29 = arith.constant dense<0.000000e+00> : vector<2560x512xf32>
    %dot_general3A_30 = tpu.matmul %convert_element_type3A_25, %get3A_28, %dot_general3A_29 {dimension_numbers = #tpu.dot_dimension_numbers<[1], [0], [0], [1], [0, 0, 1, 1], [], []>, transpose_lhs_hint = false} : vector<2560x512xbf16>, vector<512x512xbf16>, vector<2560x512xf32> -> vector<2560x512xf32>
    %get3A_31 = arith.constant 0 : index
    %get3A_32 = arith.constant 0 : index
    %get3A_33 = vector.load %arg6[%get3A_31, %get3A_32] : memref<1x512xf32, #tpu.memory_space<vmem>>, vector<1x512xf32>
    %add3A_34 = vector.broadcast %get3A_33 : vector<1x512xf32> to vector<2560x512xf32>
    %add3A_35 = arith.addf %dot_general3A_30, %add3A_34 : vector<2560x512xf32>
    %reduce_sum3A = arith.constant dense<0.000000e+00> : vector<2560xf32>
    %reduce_sum3A_36 = vector.multi_reduction <add>, %add3A_35, %reduce_sum3A [1] : vector<2560x512xf32> to vector<2560xf32>
    %broadcast_in_dim3A = vector.shape_cast %reduce_sum3A_36 : vector<2560xf32> to vector<2560x1xf32>
    %div3A_37 = arith.constant 5.120000e+02 : f32
    %div3A_38 = vector.broadcast %div3A_37 : f32 to vector<2560x1xf32>
    %div3A_39 = arith.divf %broadcast_in_dim3A, %div3A_38 : vector<2560x1xf32>
    %sub3A = vector.broadcast %div3A_39 : vector<2560x1xf32> to vector<2560x512xf32>
    %sub3A_40 = arith.subf %add3A_35, %sub3A : vector<2560x512xf32>
    %integer_pow3A = arith.mulf %sub3A_40, %sub3A_40 : vector<2560x512xf32>
    %reduce_sum3A_41 = arith.constant dense<0.000000e+00> : vector<2560xf32>
    %reduce_sum3A_42 = vector.multi_reduction <add>, %integer_pow3A, %reduce_sum3A_41 [1] : vector<2560x512xf32> to vector<2560xf32>
    %broadcast_in_dim3A_43 = vector.shape_cast %reduce_sum3A_42 : vector<2560xf32> to vector<2560x1xf32>
    %div3A_44 = arith.constant 5.120000e+02 : f32
    %div3A_45 = vector.broadcast %div3A_44 : f32 to vector<2560x1xf32>
    %div3A_46 = arith.divf %broadcast_in_dim3A_43, %div3A_45 : vector<2560x1xf32>
    %sub3A_47 = vector.broadcast %div3A_39 : vector<2560x1xf32> to vector<2560x512xf32>
    %sub3A_48 = arith.subf %add3A_35, %sub3A_47 : vector<2560x512xf32>
    %add3A_49 = arith.constant 9.99999974E-6 : f32
    %add3A_50 = vector.broadcast %add3A_49 : f32 to vector<2560x1xf32>
    %add3A_51 = arith.addf %div3A_46, %add3A_50 : vector<2560x1xf32>
    %rsqrt3A = math.rsqrt %add3A_51 : vector<2560x1xf32>
    %mul3A = vector.broadcast %rsqrt3A : vector<2560x1xf32> to vector<2560x512xf32>
    %mul3A_52 = arith.mulf %sub3A_48, %mul3A : vector<2560x512xf32>
    %get3A_53 = arith.constant 0 : index
    %get3A_54 = arith.constant 0 : index
    %get3A_55 = vector.load %arg7[%get3A_53, %get3A_54] : memref<1x512xf32, #tpu.memory_space<vmem>>, vector<1x512xf32>
    %mul3A_56 = vector.broadcast %get3A_55 : vector<1x512xf32> to vector<2560x512xf32>
    %mul3A_57 = arith.mulf %mul3A_52, %mul3A_56 : vector<2560x512xf32>
    %get3A_58 = arith.constant 0 : index
    %get3A_59 = arith.constant 0 : index
    %get3A_60 = vector.load %arg8[%get3A_58, %get3A_59] : memref<1x512xf32, #tpu.memory_space<vmem>>, vector<1x512xf32>
    %add3A_61 = vector.broadcast %get3A_60 : vector<1x512xf32> to vector<2560x512xf32>
    %add3A_62 = arith.addf %mul3A_57, %add3A_61 : vector<2560x512xf32>
    %swap3A = arith.constant 0 : index
    %swap3A_63 = arith.constant 0 : index
    %swap3A_64 = vector.load %arg10[%swap3A, %swap3A_63] : memref<2560x512xf32, #tpu.memory_space<vmem>>, vector<2560x512xf32>
    tpu.vector_store %arg10[%swap3A, %swap3A_63], %add3A_62 {strides = array<i32>} : memref<2560x512xf32, #tpu.memory_space<vmem>>, vector<2560x512xf32>,
    return
  }
  func.func @transform_0(%arg0: i32) -> (i32, i32) {
    %add3A = arith.constant 35 : i32
    %add3A_0 = arith.addi %add3A, %arg0 : i32
    %c0_i32 = arith.constant 0 : i32
    %c0_i32_1 = arith.constant 0 : i32
    return %add3A_0, %c0_i32 : i32, i32
  }
  func.func @transform_1(%arg0: i32) -> (i32, i32) {
    %c0_i32 = arith.constant 0 : i32
    %c0_i32_0 = arith.constant 0 : i32
    return %arg0, %c0_i32 : i32, i32
  }
  func.func @transform_2(%arg0: i32) -> (i32, i32) {
    %c0_i32 = arith.constant 0 : i32
    %c0_i32_0 = arith.constant 0 : i32
    %c0_i32_1 = arith.constant 0 : i32
    return %c0_i32, %c0_i32_0 : i32, i32
  }
  func.func @transform_3(%arg0: i32) -> (i32, i32) {
    %c0_i32 = arith.constant 0 : i32
    %c0_i32_0 = arith.constant 0 : i32
    %c0_i32_1 = arith.constant 0 : i32
    return %c0_i32, %c0_i32_0 : i32, i32
  }
  func.func @transform_4(%arg0: i32) -> (i32, i32) {
    %c0_i32 = arith.constant 0 : i32
    %c0_i32_0 = arith.constant 0 : i32
    %c0_i32_1 = arith.constant 0 : i32
    return %c0_i32, %c0_i32_0 : i32, i32
  }
  func.func @transform_5(%arg0: i32) -> (i32, i32) {
    %c0_i32 = arith.constant 0 : i32
    %c0_i32_0 = arith.constant 0 : i32
    %c0_i32_1 = arith.constant 0 : i32
    return %c0_i32, %c0_i32_0 : i32, i32
  }
  func.func @transform_6(%arg0: i32) -> (i32, i32) {
    %c0_i32 = arith.constant 0 : i32
    %c0_i32_0 = arith.constant 0 : i32
    %c0_i32_1 = arith.constant 0 : i32
    return %c0_i32, %c0_i32_0 : i32, i32
  }
  func.func @transform_7(%arg0: i32) -> (i32, i32) {
    %c0_i32 = arith.constant 0 : i32
    %c0_i32_0 = arith.constant 0 : i32
    %c0_i32_1 = arith.constant 0 : i32
    return %c0_i32, %c0_i32_0 : i32, i32
  }
  func.func @transform_9(%arg0: i32) -> (i32, i32) {
    %add3A = arith.constant 35 : i32
    %add3A_0 = arith.addi %add3A, %arg0 : i32
    %c0_i32 = arith.constant 0 : i32
    %c0_i32_1 = arith.constant 0 : i32
    return %add3A_0, %c0_i32 : i32, i32
  }
}

module attributes {stable_mosaic.version = 14 : i64} {
  func.func @_tc_body(%arg0: i32, %arg1: memref<2560x128xf32, #tpu.memory_space<vmem>>, %arg2: memref<2560x128xi32, #tpu.memory_space<vmem>>, %arg3: memref<384x512xbf16, #tpu.memory_space<vmem>>, %arg4: memref<1x512xf32, #tpu.memory_space<vmem>>, %arg5: memref<512x512xbf16, #tpu.memory_space<vmem>>, %arg6: memref<1x512xf32, #tpu.memory_space<vmem>>, %arg7: memref<1x512xf32, #tpu.memory_space<vmem>>, %arg8: memref<1x512xf32, #tpu.memory_space<vmem>>, %arg9: memref<320000x512xf32, #tpu.memory_space<any>>, %arg10: memref<2560x512xf32, #tpu.memory_space<vmem>>) attributes {dimension_semantics = [#tpu.dimension_semantics<arbitrary>], iteration_bounds = array<i64: 30>, scalar_prefetch = 0 : i64, scratch_operands = 0 : i64, tpu.core_type = #tpu.core_type<tc>, window_params = [{transform_indices = @transform_0, window_bounds = array<i64: 2560, 128>}, {transform_indices = @transform_1, window_bounds = array<i64: 2560, 128>}, {pipeline_mode = #tpu.pipeline_mode<synchronous>, transform_indices = @transform_2, window_bounds = array<i64: 384, 512>}, {pipeline_mode = #tpu.pipeline_mode<synchronous>, transform_indices = @transform_3, window_bounds = array<i64: 1, 512>}, {pipeline_mode = #tpu.pipeline_mode<synchronous>, transform_indices = @transform_4, window_bounds = array<i64: 512, 512>}, {pipeline_mode = #tpu.pipeline_mode<synchronous>, transform_indices = @transform_5, window_bounds = array<i64: 1, 512>}, {pipeline_mode = #tpu.pipeline_mode<synchronous>, transform_indices = @transform_6, window_bounds = array<i64: 1, 512>}, {pipeline_mode = #tpu.pipeline_mode<synchronous>, transform_indices = @transform_7, window_bounds = array<i64: 1, 512>}, {}, {transform_indices = @transform_9, window_bounds = array<i64: 2560, 512>}]} {
    %get3A = arith.constant 0 : index
    %get3A_0 = arith.constant 0 : index
    %get3A_1 = vector.load %arg2[%get3A, %get3A_0] : memref<2560x128xi32, #tpu.memory_space<vmem>>, vector<2560x128xi32>
    %shift_left3A = arith.constant 16 : i32
    %shift_left3A_2 = vector.broadcast %shift_left3A : i32 to vector<2560x128xi32>
    %shift_left3A_3 = arith.shli %get3A_1, %shift_left3A_2 : vector<2560x128xi32>
    %bitcast_convert_type3A = tpu.bitcast %shift_left3A_3 : vector<2560x128xi32> -> vector<2560x128xf32>
    %convert_element_type3A = arith.truncf %bitcast_convert_type3A : vector<2560x128xf32> to vector<2560x128xbf16>
    %and3A = arith.constant -65536 : i32
    %and3A_4 = vector.broadcast %and3A : i32 to vector<2560x128xi32>
    %and3A_5 = arith.andi %get3A_1, %and3A_4 : vector<2560x128xi32>
    %bitcast_convert_type3A_6 = tpu.bitcast %and3A_5 : vector<2560x128xi32> -> vector<2560x128xf32>
    %convert_element_type3A_7 = arith.truncf %bitcast_convert_type3A_6 : vector<2560x128xf32> to vector<2560x128xbf16>
    %get3A_8 = arith.constant 0 : index
    %get3A_9 = arith.constant 0 : index
    %get3A_10 = vector.load %arg1[%get3A_8, %get3A_9] : memref<2560x128xf32, #tpu.memory_space<vmem>>, vector<2560x128xf32>
    %convert_element_type3A_11 = arith.truncf %get3A_10 : vector<2560x128xf32> to vector<2560x128xbf16>
    %concatenate3A = tpu.concatenate %convert_element_type3A_11, %convert_element_type3A, %convert_element_type3A_7 in 1 : vector<2560x128xbf16>, vector<2560x128xbf16>, vector<2560x128xbf16> -> vector<2560x384xbf16>
    %get3A_12 = arith.constant 0 : index
    %get3A_13 = arith.constant 0 : index
    %get3A_14 = vector.load %arg3[%get3A_12, %get3A_13] : memref<384x512xbf16, #tpu.memory_space<vmem>>, vector<384x512xbf16>
    %dot_general3A = arith.constant dense<0.000000e+00> : vector<2560x512xf32>
    %dot_general3A_15 = tpu.matmul %concatenate3A, %get3A_14, %dot_general3A {dimension_numbers = #tpu.dot_dimension_numbers<[1], [0], [0], [1], [0, 0, 1, 1], [], []>, transpose_lhs_hint = false} : vector<2560x384xbf16>, vector<384x512xbf16>, vector<2560x512xf32> -> vector<2560x512xf32>
    %get3A_16 = arith.constant 0 : index
    %get3A_17 = arith.constant 0 : index
    %get3A_18 = vector.load %arg4[%get3A_16, %get3A_17] : memref<1x512xf32, #tpu.memory_space<vmem>>, vector<1x512xf32>
    %add3A = vector.broadcast %get3A_18 : vector<1x512xf32> to vector<2560x512xf32>
    %add3A_19 = arith.addf %dot_general3A_15, %add3A : vector<2560x512xf32>
    %neg3A = arith.constant 0.000000e+00 : f32
    %neg3A_20 = vector.broadcast %neg3A : f32 to vector<2560x512xf32>
    %neg3A_21 = arith.subf %neg3A_20, %add3A_19 : vector<2560x512xf32>
    %exp3A = math.exp %neg3A_21 : vector<2560x512xf32>
    %add3A_22 = arith.constant 1.000000e+00 : f32
    %add3A_23 = vector.broadcast %add3A_22 : f32 to vector<2560x512xf32>
    %add3A_24 = arith.addf %add3A_23, %exp3A : vector<2560x512xf32>
    %div3A = arith.divf %add3A_19, %add3A_24 : vector<2560x512xf32>
    %convert_element_type3A_25 = arith.truncf %div3A : vector<2560x512xf32> to vector<2560x512xbf16>
    %get3A_26 = arith.constant 0 : index
    %get3A_27 = arith.constant 0 : index
    %get3A_28 = vector.load %arg5[%get3A_26, %get3A_27] : memref<512x512xbf16, #tpu.memory_space<vmem>>, vector<512x512xbf16>
    %dot_general3A_29 = arith.constant dense<0.000000e+00> : vector<2560x512xf32>
    %dot_general3A_30 = tpu.matmul %convert_element_type3A_25, %get3A_28, %dot_general3A_29 {dimension_numbers = #tpu.dot_dimension_numbers<[1], [0], [0], [1], [0, 0, 1, 1], [], []>, transpose_lhs_hint = false} : vector<2560x512xbf16>, vector<512x512xbf16>, vector<2560x512xf32> -> vector<2560x512xf32>
    %get3A_31 = arith.constant 0 : index
    %get3A_32 = arith.constant 0 : index
    %get3A_33 = vector.load %arg6[%get3A_31, %get3A_32] : memref<1x512xf32, #tpu.memory_space<vmem>>, vector<1x512xf32>
    %add3A_34 = vector.broadcast %get3A_33 : vector<1x512xf32> to vector<2560x512xf32>
    %add3A_35 = arith.addf %dot_general3A_30, %add3A_34 : vector<2560x512xf32>
    %reduce_sum3A = arith.constant dense<0.000000e+00> : vector<2560xf32>
    %reduce_sum3A_36 = vector.multi_reduction <add>, %add3A_35, %reduce_sum3A [1] : vector<2560x512xf32> to vector<2560xf32>
    %broadcast_in_dim3A = vector.shape_cast %reduce_sum3A_36 : vector<2560xf32> to vector<2560x1xf32>
    %div3A_37 = arith.constant 5.120000e+02 : f32
    %div3A_38 = vector.broadcast %div3A_37 : f32 to vector<2560x1xf32>
    %div3A_39 = arith.divf %broadcast_in_dim3A, %div3A_38 : vector<2560x1xf32>
    %sub3A = vector.broadcast %div3A_39 : vector<2560x1xf32> to vector<2560x512xf32>
    %sub3A_40 = arith.subf %add3A_35, %sub3A : vector<2560x512xf32>
    %integer_pow3A = arith.mulf %sub3A_40, %sub3A_40 : vector<2560x512xf32>
    %reduce_sum3A_41 = arith.constant dense<0.000000e+00> : vector<2560xf32>
    %reduce_sum3A_42 = vector.multi_reduction <add>, %integer_pow3A, %reduce_sum3A_41 [1] : vector<2560x512xf32> to vector<2560xf32>
    %broadcast_in_dim3A_43 = vector.shape_cast %reduce_sum3A_42 : vector<2560xf32> to vector<2560x1xf32>
    %div3A_44 = arith.constant 5.120000e+02 : f32
    %div3A_45 = vector.broadcast %div3A_44 : f32 to vector<2560x1xf32>
    %div3A_46 = arith.divf %broadcast_in_dim3A_43, %div3A_45 : vector<2560x1xf32>
    %sub3A_47 = vector.broadcast %div3A_39 : vector<2560x1xf32> to vector<2560x512xf32>
    %sub3A_48 = arith.subf %add3A_35, %sub3A_47 : vector<2560x512xf32>
    %add3A_49 = arith.constant 9.99999974E-6 : f32
    %add3A_50 = vector.broadcast %add3A_49 : f32 to vector<2560x1xf32>
    %add3A_51 = arith.addf %div3A_46, %add3A_50 : vector<2560x1xf32>
    %rsqrt3A = math.rsqrt %add3A_51 : vector<2560x1xf32>
    %mul3A = vector.broadcast %rsqrt3A : vector<2560x1xf32> to vector<2560x512xf32>
    %mul3A_52 = arith.mulf %sub3A_48, %mul3A : vector<2560x512xf32>
    %get3A_53 = arith.constant 0 : index
    %get3A_54 = arith.constant 0 : index
    %get3A_55 = vector.load %arg7[%get3A_53, %get3A_54] : memref<1x512xf32, #tpu.memory_space<vmem>>, vector<1x512xf32>
    %mul3A_56 = vector.broadcast %get3A_55 : vector<1x512xf32> to vector<2560x512xf32>
    %mul3A_57 = arith.mulf %mul3A_52, %mul3A_56 : vector<2560x512xf32>
    %get3A_58 = arith.constant 0 : index
    %get3A_59 = arith.constant 0 : index
    %get3A_60 = vector.load %arg8[%get3A_58, %get3A_59] : memref<1x512xf32, #tpu.memory_space<vmem>>, vector<1x512xf32>
    %add3A_61 = vector.broadcast %get3A_60 : vector<1x512xf32> to vector<2560x512xf32>
    %add3A_62 = arith.addf %mul3A_57, %add3A_61 : vector<2560x512xf32>
    %swap3A = arith.constant 0 : index
    %swap3A_63 = arith.constant 0 : index
    %swap3A_64 = vector.load %arg10[%swap3A, %swap3A_63] : memref<2560x512xf32, #tpu.memory_space<vmem>>, vector<2560x512xf32>
    tpu.vector_store %arg10[%swap3A, %swap3A_63], %add3A_62 {strides = array<i32>} : memref<2560x512xf32, #tpu.memory_space<vmem>>, vector<2560x512xf32>,
    return
  }
  func.func @transform_0(%arg0: i32) -> (i32, i32) {
    %add3A = arith.constant 65 : i32
    %add3A_0 = arith.addi %add3A, %arg0 : i32
    %c0_i32 = arith.constant 0 : i32
    %c0_i32_1 = arith.constant 0 : i32
    return %add3A_0, %c0_i32 : i32, i32
  }
  func.func @transform_1(%arg0: i32) -> (i32, i32) {
    %c0_i32 = arith.constant 0 : i32
    %c0_i32_0 = arith.constant 0 : i32
    return %arg0, %c0_i32 : i32, i32
  }
  func.func @transform_2(%arg0: i32) -> (i32, i32) {
    %c0_i32 = arith.constant 0 : i32
    %c0_i32_0 = arith.constant 0 : i32
    %c0_i32_1 = arith.constant 0 : i32
    return %c0_i32, %c0_i32_0 : i32, i32
  }
  func.func @transform_3(%arg0: i32) -> (i32, i32) {
    %c0_i32 = arith.constant 0 : i32
    %c0_i32_0 = arith.constant 0 : i32
    %c0_i32_1 = arith.constant 0 : i32
    return %c0_i32, %c0_i32_0 : i32, i32
  }
  func.func @transform_4(%arg0: i32) -> (i32, i32) {
    %c0_i32 = arith.constant 0 : i32
    %c0_i32_0 = arith.constant 0 : i32
    %c0_i32_1 = arith.constant 0 : i32
    return %c0_i32, %c0_i32_0 : i32, i32
  }
  func.func @transform_5(%arg0: i32) -> (i32, i32) {
    %c0_i32 = arith.constant 0 : i32
    %c0_i32_0 = arith.constant 0 : i32
    %c0_i32_1 = arith.constant 0 : i32
    return %c0_i32, %c0_i32_0 : i32, i32
  }
  func.func @transform_6(%arg0: i32) -> (i32, i32) {
    %c0_i32 = arith.constant 0 : i32
    %c0_i32_0 = arith.constant 0 : i32
    %c0_i32_1 = arith.constant 0 : i32
    return %c0_i32, %c0_i32_0 : i32, i32
  }
  func.func @transform_7(%arg0: i32) -> (i32, i32) {
    %c0_i32 = arith.constant 0 : i32
    %c0_i32_0 = arith.constant 0 : i32
    %c0_i32_1 = arith.constant 0 : i32
    return %c0_i32, %c0_i32_0 : i32, i32
  }
  func.func @transform_9(%arg0: i32) -> (i32, i32) {
    %add3A = arith.constant 65 : i32
    %add3A_0 = arith.addi %add3A, %arg0 : i32
    %c0_i32 = arith.constant 0 : i32
    %c0_i32_1 = arith.constant 0 : i32
    return %add3A_0, %c0_i32 : i32, i32
  }
}

module attributes {stable_mosaic.version = 14 : i64} {
  func.func @_tc_body(%arg0: i32, %arg1: memref<2560x128xf32, #tpu.memory_space<vmem>>, %arg2: memref<2560x128xi32, #tpu.memory_space<vmem>>, %arg3: memref<384x512xbf16, #tpu.memory_space<vmem>>, %arg4: memref<1x512xf32, #tpu.memory_space<vmem>>, %arg5: memref<512x512xbf16, #tpu.memory_space<vmem>>, %arg6: memref<1x512xf32, #tpu.memory_space<vmem>>, %arg7: memref<1x512xf32, #tpu.memory_space<vmem>>, %arg8: memref<1x512xf32, #tpu.memory_space<vmem>>, %arg9: memref<320000x512xf32, #tpu.memory_space<any>>, %arg10: memref<2560x512xf32, #tpu.memory_space<vmem>>) attributes {dimension_semantics = [#tpu.dimension_semantics<arbitrary>], iteration_bounds = array<i64: 30>, scalar_prefetch = 0 : i64, scratch_operands = 0 : i64, tpu.core_type = #tpu.core_type<tc>, window_params = [{transform_indices = @transform_0, window_bounds = array<i64: 2560, 128>}, {transform_indices = @transform_1, window_bounds = array<i64: 2560, 128>}, {pipeline_mode = #tpu.pipeline_mode<synchronous>, transform_indices = @transform_2, window_bounds = array<i64: 384, 512>}, {pipeline_mode = #tpu.pipeline_mode<synchronous>, transform_indices = @transform_3, window_bounds = array<i64: 1, 512>}, {pipeline_mode = #tpu.pipeline_mode<synchronous>, transform_indices = @transform_4, window_bounds = array<i64: 512, 512>}, {pipeline_mode = #tpu.pipeline_mode<synchronous>, transform_indices = @transform_5, window_bounds = array<i64: 1, 512>}, {pipeline_mode = #tpu.pipeline_mode<synchronous>, transform_indices = @transform_6, window_bounds = array<i64: 1, 512>}, {pipeline_mode = #tpu.pipeline_mode<synchronous>, transform_indices = @transform_7, window_bounds = array<i64: 1, 512>}, {}, {transform_indices = @transform_9, window_bounds = array<i64: 2560, 512>}]} {
    %get3A = arith.constant 0 : index
    %get3A_0 = arith.constant 0 : index
    %get3A_1 = vector.load %arg2[%get3A, %get3A_0] : memref<2560x128xi32, #tpu.memory_space<vmem>>, vector<2560x128xi32>
    %shift_left3A = arith.constant 16 : i32
    %shift_left3A_2 = vector.broadcast %shift_left3A : i32 to vector<2560x128xi32>
    %shift_left3A_3 = arith.shli %get3A_1, %shift_left3A_2 : vector<2560x128xi32>
    %bitcast_convert_type3A = tpu.bitcast %shift_left3A_3 : vector<2560x128xi32> -> vector<2560x128xf32>
    %convert_element_type3A = arith.truncf %bitcast_convert_type3A : vector<2560x128xf32> to vector<2560x128xbf16>
    %and3A = arith.constant -65536 : i32
    %and3A_4 = vector.broadcast %and3A : i32 to vector<2560x128xi32>
    %and3A_5 = arith.andi %get3A_1, %and3A_4 : vector<2560x128xi32>
    %bitcast_convert_type3A_6 = tpu.bitcast %and3A_5 : vector<2560x128xi32> -> vector<2560x128xf32>
    %convert_element_type3A_7 = arith.truncf %bitcast_convert_type3A_6 : vector<2560x128xf32> to vector<2560x128xbf16>
    %get3A_8 = arith.constant 0 : index
    %get3A_9 = arith.constant 0 : index
    %get3A_10 = vector.load %arg1[%get3A_8, %get3A_9] : memref<2560x128xf32, #tpu.memory_space<vmem>>, vector<2560x128xf32>
    %convert_element_type3A_11 = arith.truncf %get3A_10 : vector<2560x128xf32> to vector<2560x128xbf16>
    %concatenate3A = tpu.concatenate %convert_element_type3A_11, %convert_element_type3A, %convert_element_type3A_7 in 1 : vector<2560x128xbf16>, vector<2560x128xbf16>, vector<2560x128xbf16> -> vector<2560x384xbf16>
    %get3A_12 = arith.constant 0 : index
    %get3A_13 = arith.constant 0 : index
    %get3A_14 = vector.load %arg3[%get3A_12, %get3A_13] : memref<384x512xbf16, #tpu.memory_space<vmem>>, vector<384x512xbf16>
    %dot_general3A = arith.constant dense<0.000000e+00> : vector<2560x512xf32>
    %dot_general3A_15 = tpu.matmul %concatenate3A, %get3A_14, %dot_general3A {dimension_numbers = #tpu.dot_dimension_numbers<[1], [0], [0], [1], [0, 0, 1, 1], [], []>, transpose_lhs_hint = false} : vector<2560x384xbf16>, vector<384x512xbf16>, vector<2560x512xf32> -> vector<2560x512xf32>
    %get3A_16 = arith.constant 0 : index
    %get3A_17 = arith.constant 0 : index
    %get3A_18 = vector.load %arg4[%get3A_16, %get3A_17] : memref<1x512xf32, #tpu.memory_space<vmem>>, vector<1x512xf32>
    %add3A = vector.broadcast %get3A_18 : vector<1x512xf32> to vector<2560x512xf32>
    %add3A_19 = arith.addf %dot_general3A_15, %add3A : vector<2560x512xf32>
    %neg3A = arith.constant 0.000000e+00 : f32
    %neg3A_20 = vector.broadcast %neg3A : f32 to vector<2560x512xf32>
    %neg3A_21 = arith.subf %neg3A_20, %add3A_19 : vector<2560x512xf32>
    %exp3A = math.exp %neg3A_21 : vector<2560x512xf32>
    %add3A_22 = arith.constant 1.000000e+00 : f32
    %add3A_23 = vector.broadcast %add3A_22 : f32 to vector<2560x512xf32>
    %add3A_24 = arith.addf %add3A_23, %exp3A : vector<2560x512xf32>
    %div3A = arith.divf %add3A_19, %add3A_24 : vector<2560x512xf32>
    %convert_element_type3A_25 = arith.truncf %div3A : vector<2560x512xf32> to vector<2560x512xbf16>
    %get3A_26 = arith.constant 0 : index
    %get3A_27 = arith.constant 0 : index
    %get3A_28 = vector.load %arg5[%get3A_26, %get3A_27] : memref<512x512xbf16, #tpu.memory_space<vmem>>, vector<512x512xbf16>
    %dot_general3A_29 = arith.constant dense<0.000000e+00> : vector<2560x512xf32>
    %dot_general3A_30 = tpu.matmul %convert_element_type3A_25, %get3A_28, %dot_general3A_29 {dimension_numbers = #tpu.dot_dimension_numbers<[1], [0], [0], [1], [0, 0, 1, 1], [], []>, transpose_lhs_hint = false} : vector<2560x512xbf16>, vector<512x512xbf16>, vector<2560x512xf32> -> vector<2560x512xf32>
    %get3A_31 = arith.constant 0 : index
    %get3A_32 = arith.constant 0 : index
    %get3A_33 = vector.load %arg6[%get3A_31, %get3A_32] : memref<1x512xf32, #tpu.memory_space<vmem>>, vector<1x512xf32>
    %add3A_34 = vector.broadcast %get3A_33 : vector<1x512xf32> to vector<2560x512xf32>
    %add3A_35 = arith.addf %dot_general3A_30, %add3A_34 : vector<2560x512xf32>
    %reduce_sum3A = arith.constant dense<0.000000e+00> : vector<2560xf32>
    %reduce_sum3A_36 = vector.multi_reduction <add>, %add3A_35, %reduce_sum3A [1] : vector<2560x512xf32> to vector<2560xf32>
    %broadcast_in_dim3A = vector.shape_cast %reduce_sum3A_36 : vector<2560xf32> to vector<2560x1xf32>
    %div3A_37 = arith.constant 5.120000e+02 : f32
    %div3A_38 = vector.broadcast %div3A_37 : f32 to vector<2560x1xf32>
    %div3A_39 = arith.divf %broadcast_in_dim3A, %div3A_38 : vector<2560x1xf32>
    %sub3A = vector.broadcast %div3A_39 : vector<2560x1xf32> to vector<2560x512xf32>
    %sub3A_40 = arith.subf %add3A_35, %sub3A : vector<2560x512xf32>
    %integer_pow3A = arith.mulf %sub3A_40, %sub3A_40 : vector<2560x512xf32>
    %reduce_sum3A_41 = arith.constant dense<0.000000e+00> : vector<2560xf32>
    %reduce_sum3A_42 = vector.multi_reduction <add>, %integer_pow3A, %reduce_sum3A_41 [1] : vector<2560x512xf32> to vector<2560xf32>
    %broadcast_in_dim3A_43 = vector.shape_cast %reduce_sum3A_42 : vector<2560xf32> to vector<2560x1xf32>
    %div3A_44 = arith.constant 5.120000e+02 : f32
    %div3A_45 = vector.broadcast %div3A_44 : f32 to vector<2560x1xf32>
    %div3A_46 = arith.divf %broadcast_in_dim3A_43, %div3A_45 : vector<2560x1xf32>
    %sub3A_47 = vector.broadcast %div3A_39 : vector<2560x1xf32> to vector<2560x512xf32>
    %sub3A_48 = arith.subf %add3A_35, %sub3A_47 : vector<2560x512xf32>
    %add3A_49 = arith.constant 9.99999974E-6 : f32
    %add3A_50 = vector.broadcast %add3A_49 : f32 to vector<2560x1xf32>
    %add3A_51 = arith.addf %div3A_46, %add3A_50 : vector<2560x1xf32>
    %rsqrt3A = math.rsqrt %add3A_51 : vector<2560x1xf32>
    %mul3A = vector.broadcast %rsqrt3A : vector<2560x1xf32> to vector<2560x512xf32>
    %mul3A_52 = arith.mulf %sub3A_48, %mul3A : vector<2560x512xf32>
    %get3A_53 = arith.constant 0 : index
    %get3A_54 = arith.constant 0 : index
    %get3A_55 = vector.load %arg7[%get3A_53, %get3A_54] : memref<1x512xf32, #tpu.memory_space<vmem>>, vector<1x512xf32>
    %mul3A_56 = vector.broadcast %get3A_55 : vector<1x512xf32> to vector<2560x512xf32>
    %mul3A_57 = arith.mulf %mul3A_52, %mul3A_56 : vector<2560x512xf32>
    %get3A_58 = arith.constant 0 : index
    %get3A_59 = arith.constant 0 : index
    %get3A_60 = vector.load %arg8[%get3A_58, %get3A_59] : memref<1x512xf32, #tpu.memory_space<vmem>>, vector<1x512xf32>
    %add3A_61 = vector.broadcast %get3A_60 : vector<1x512xf32> to vector<2560x512xf32>
    %add3A_62 = arith.addf %mul3A_57, %add3A_61 : vector<2560x512xf32>
    %swap3A = arith.constant 0 : index
    %swap3A_63 = arith.constant 0 : index
    %swap3A_64 = vector.load %arg10[%swap3A, %swap3A_63] : memref<2560x512xf32, #tpu.memory_space<vmem>>, vector<2560x512xf32>
    tpu.vector_store %arg10[%swap3A, %swap3A_63], %add3A_62 {strides = array<i32>} : memref<2560x512xf32, #tpu.memory_space<vmem>>, vector<2560x512xf32>,
    return
  }
  func.func @transform_0(%arg0: i32) -> (i32, i32) {
    %add3A = arith.constant 95 : i32
    %add3A_0 = arith.addi %add3A, %arg0 : i32
    %c0_i32 = arith.constant 0 : i32
    %c0_i32_1 = arith.constant 0 : i32
    return %add3A_0, %c0_i32 : i32, i32
  }
  func.func @transform_1(%arg0: i32) -> (i32, i32) {
    %c0_i32 = arith.constant 0 : i32
    %c0_i32_0 = arith.constant 0 : i32
    return %arg0, %c0_i32 : i32, i32
  }
  func.func @transform_2(%arg0: i32) -> (i32, i32) {
    %c0_i32 = arith.constant 0 : i32
    %c0_i32_0 = arith.constant 0 : i32
    %c0_i32_1 = arith.constant 0 : i32
    return %c0_i32, %c0_i32_0 : i32, i32
  }
  func.func @transform_3(%arg0: i32) -> (i32, i32) {
    %c0_i32 = arith.constant 0 : i32
    %c0_i32_0 = arith.constant 0 : i32
    %c0_i32_1 = arith.constant 0 : i32
    return %c0_i32, %c0_i32_0 : i32, i32
  }
  func.func @transform_4(%arg0: i32) -> (i32, i32) {
    %c0_i32 = arith.constant 0 : i32
    %c0_i32_0 = arith.constant 0 : i32
    %c0_i32_1 = arith.constant 0 : i32
    return %c0_i32, %c0_i32_0 : i32, i32
  }
  func.func @transform_5(%arg0: i32) -> (i32, i32) {
    %c0_i32 = arith.constant 0 : i32
    %c0_i32_0 = arith.constant 0 : i32
    %c0_i32_1 = arith.constant 0 : i32
    return %c0_i32, %c0_i32_0 : i32, i32
  }
  func.func @transform_6(%arg0: i32) -> (i32, i32) {
    %c0_i32 = arith.constant 0 : i32
    %c0_i32_0 = arith.constant 0 : i32
    %c0_i32_1 = arith.constant 0 : i32
    return %c0_i32, %c0_i32_0 : i32, i32
  }
  func.func @transform_7(%arg0: i32) -> (i32, i32) {
    %c0_i32 = arith.constant 0 : i32
    %c0_i32_0 = arith.constant 0 : i32
    %c0_i32_1 = arith.constant 0 : i32
    return %c0_i32, %c0_i32_0 : i32, i32
  }
  func.func @transform_9(%arg0: i32) -> (i32, i32) {
    %add3A = arith.constant 95 : i32
    %add3A_0 = arith.addi %add3A, %arg0 : i32
    %c0_i32 = arith.constant 0 : i32
    %c0_i32_1 = arith.constant 0 : i32
    return %add3A_0, %c0_i32 : i32, i32
  }
}

</mosaic_0001>

<sc_bundles>
// kernel: kernel.12.cloned.1.call-start
scs
__scs_entry_jumppad:
0x0: {  	(pc) =	sbr.rel $0x88, $3  }
0x1: {  	(tag) =	ssettag $0x0;
	lr =	simm.s32 $0x1  }
0x2: {  	[smem:$0x3F96] =	sst lr;
	_ =	strace $0xD0000000  }
0x3: {  	_ = 	snop  }
0x4: {  	_ = 	snop  }
0x5: {  	_ = 	snop  }
0x6: {  	_ = 	snop  }
0x7: {  	_ = 	snop  }
__scs_overlays_trampoline_lowered:
0x8: {  	[smem:$0x3FA5] =	sst s0  }
0x9: {  	[smem:$0x3FA6] =	sst s1  }
0xa: {  	[smem:$0x3FA7] =	sst s2  }
0xb: {  	[smem:$0x3FA8] =	sst s3  }
0xc: {  	[smem:$0x3FA9] =	sst s4  }
0xd: {  	[smem:$0x3FAA] =	sst s5  }
0xe: {  	[smem:$0x3FAB] =	sst s6  }
0xf: {  	[smem:$0x3FAC] =	sst s7  }
0x10: {  	[smem:$0x3FAD] =	sst s8  }
0x11: {  	[smem:$0x3FAE] =	sst s9;
	s0 =	simm.s32 @!p0 $0x0  }
0x12: {  	s1 =	sld [smem:$0x3F94];
	s0 =	simm.s32 @p0 $0x1  }
0x13: {  	[smem:$0x3FAF] =	sst s0;
	s0 =	simm.s32 @!p1 $0x0  }
0x14: {  	s2 =	sld [smem:$0x3F93];
	s0 =	simm.s32 @p1 $0x1  }
0x15: {  	[smem:$0x3FB0] =	sst s0;
	s0 =	simm.s32 @!p2 $0x0  }
0x16: {  	s3 =	sld [smem:$0x3FDB];
	s0 =	simm.s32 @p2 $0x1  }
0x17: {  	s4 =	simm.s32 $0x1BF5;
	[smem:$0x3FB2] =	sst s0  }
0x18: {  	s0 =	sld [smem:$0x3F95];
	_ =	swait.ge [sflag:s4], $0x0  }
0x19: {  	s7 =	sld [smem:$0x3F96]  }
0x1a: {  	s8 =	sadd.s32 $0xFFFFE003, lr  }
0x1b: {  	s9 =	sadd.s32 $0xFFFFFEF7, lr;
	s5 =	simm.s32 $0xFFFFFFFF;
	p2 =	slt.u32 s8, $0xFFFFF086  }
0x1c: {  	p1 =	slt.u32 s9, $0xF7A;
	s5 =	simm.s32 @!p2 $0x0  }
0x1d: {  	s5 =	simm.s32 @p1 $0x1;
	p0 =	seq.s32 s7, s2  }
0x1e: {  	s7 =	smul.u32 @!p0 $0xF7A, s2;
	p2 =	seq.s32 @!p0 s5, $0x0  }
0x1f: {  	s9 =	smul.u32 $0xF7A, s1;
	s8 =	simm.s32 @!p0 $0x1BF5;
	p2 =	por !p2, p0  }
0x20: {  	[sflag:s8] =	ssyncset.s32 @!p0 $0xFFFFF086;
	s6 =	sadd.s32 @!p0 s3, s7;
	s7 =	simm.s32 @!p0 $0x108  }
0x21: {  	s3 =	sadd.s32 s3, s9;
	s6 =	sadd.s32 @!p0 $0x88, s6;
	s7 =	simm.s32 @p2 $0x1082  }
0x22: {  	[simem:s7], [sflag:s8] =	dma.local @!p0 [hbm:s6], $0xF7A  }
0x23: {  	s9 =	sor.u32 $0xD0000000, s2;
	s6 =	simm.s32 $0x108;
	_ =	swait.ge @!p0 [sflag:s8], $0x0  }
0x24: {  	s3 =	sadd.s32 $0x88, s3;
	s6 =	simm.s32 @!p1 $0x1082;
	[sflag:s4] =	ssyncset.s32 $0xFFFFF086  }
0x25: {  	[simem:s6], [sflag:s4] =	dma.local [hbm:s3], $0xF7A  }
0x26: {  	[smem:$0x3F96] =	sst s1;
	(tag) =	ssettag s2;
	_ =	strace s9  }
0x27: {  	s1 =	sld [smem:$0x3FA6]  }
0x28: {  	s2 =	sld [smem:$0x3FA7]  }
0x29: {  	s4 =	sld [smem:$0x3FA9]  }
0x2a: {  	p0 =	seq.s32 s5, $0x0;
	s5 =	sld [smem:$0x3FAA]  }
0x2b: {  	s6 =	sld [smem:$0x3FAB]  }
0x2c: {  	s7 =	sld [smem:$0x3FAC]  }
0x2d: {  	s3 =	simm.s32 $0x108;
	s8 =	sld [smem:$0x3FAD]  }
0x2e: {  	s3 =	simm.s32 @!p0 $0x1082;
	s9 =	sld [smem:$0x3FAE]  }
0x2f: {  	lr =	sadd.s32 s0, s3;
	s0 =	sld [smem:$0x3FA5]  }
0x30: {  	s3 =	sld [smem:$0x3FA8]  }
0x31: {  	[smem:$0x3FB1] =	sst s10  }
0x32: {  	s10 =	sld [smem:$0x3FAF];
	_ =	sdelay $0x3  }
0x33: {  	p0 =	seq.s32 s10, $0x1;
	s10 =	sld [smem:$0x3FB1];
	_ =	sdelay $0x3  }
0x34: {  	[smem:$0x3FB1] =	sst s10  }
0x35: {  	s10 =	sld [smem:$0x3FB0];
	_ =	sdelay $0x3  }
0x36: {  	p1 =	seq.s32 s10, $0x1;
	s10 =	sld [smem:$0x3FB1];
	_ =	sdelay $0x3  }
0x37: {  	[smem:$0x3FB1] =	sst s10  }
0x38: {  	s10 =	sld [smem:$0x3FB2]  }
0x39: {  	_ = 	snop;
	(pc) =	sbr.ind lr, $3  }
0x3a: {  	_ = 	snop  }
0x3b: {  	_ = 	snop  }
0x3c: {  	p2 =	seq.s32 s10, $0x1;
	s10 =	sld [smem:$0x3FB1]  }
0x3d: {  	_ =	shalt  }
0x3e: {  	_ =	shalt  }
0x3f: {  	_ =	shalt  }
0x40: {  	_ =	shalt  }
0x41: {  	_ =	shalt  }
0x42: {  	_ =	shalt  }
0x43: {  	_ =	shalt  }
0x44: {  	_ =	shalt  }
0x45: {  	_ =	shalt  }
0x46: {  	_ =	shalt  }
0x47: {  	_ =	shalt  }
0x48: {  	_ =	shalt  }
0x49: {  	_ =	shalt  }
0x4a: {  	_ =	shalt  }
0x4b: {  	_ =	shalt  }
0x4c: {  	_ =	shalt  }
0x4d: {  	_ =	shalt  }
0x4e: {  	_ =	shalt  }
0x4f: {  	_ =	shalt  }
0x50: {  	_ =	shalt  }
0x51: {  	_ =	shalt  }
0x52: {  	_ =	shalt  }
0x53: {  	_ =	shalt  }
0x54: {  	_ =	shalt  }
0x55: {  	_ =	shalt  }
0x56: {  	_ =	shalt  }
0x57: {  	_ =	shalt  }
0x58: {  	_ =	shalt  }
0x59: {  	_ =	shalt  }
0x5a: {  	_ =	shalt  }
0x5b: {  	_ =	shalt  }
0x5c: {  	_ =	shalt  }
0x5d: {  	_ =	shalt  }
0x5e: {  	_ =	shalt  }
0x5f: {  	_ =	shalt  }
0x60: {  	_ =	shalt  }
0x61: {  	_ =	shalt  }
0x62: {  	_ =	shalt  }
0x63: {  	_ =	shalt  }
0x64: {  	_ =	shalt  }
0x65: {  	_ =	shalt  }
0x66: {  	_ =	shalt  }
0x67: {  	_ =	shalt  }
0x68: {  	_ =	shalt  }
0x69: {  	_ =	shalt  }
0x6a: {  	_ =	shalt  }
0x6b: {  	_ =	shalt  }
0x6c: {  	_ =	shalt  }
0x6d: {  	_ =	shalt  }
0x6e: {  	_ =	shalt  }
0x6f: {  	_ =	shalt  }
0x70: {  	_ =	shalt  }
0x71: {  	_ =	shalt  }
0x72: {  	_ =	shalt  }
0x73: {  	_ =	shalt  }
0x74: {  	_ =	shalt  }
0x75: {  	_ =	shalt  }
0x76: {  	_ =	shalt  }
0x77: {  	_ =	shalt  }
0x78: {  	_ =	shalt  }
0x79: {  	_ =	shalt  }
0x7a: {  	_ =	shalt  }
0x7b: {  	_ =	shalt  }
0x7c: {  	_ =	shalt  }
0x7d: {  	_ =	shalt  }
0x7e: {  	_ =	shalt  }
0x7f: {  	_ =	shalt  }
0x80: {  	_ =	shalt  }
0x81: {  	_ =	shalt  }
0x82: {  	_ =	shalt  }
0x83: {  	_ =	shalt  }
0x84: {  	_ =	shalt  }
0x85: {  	_ =	shalt  }
0x86: {  	_ =	shalt  }
0x87: {  	_ =	shalt  }
.Lfunc_end0:
.L_simem_size_0:
called_computation_lowered:
.L_overlay_start_0:
0x88: {  	s2 =	sld [smem:$0x3FD9]  }
0x89: {  	s3 =	sld [smem:$0x3FFE];
	_ =	sdelay $0x1  }
0x8a: {  	s1 =	srdreg.scid  }
0x8b: {  	s0 =	sand.u32 $0x1, s1  }
0x8c: {  	s17 =	sshll.u32 s0, $0xA;
	s2 =	sadd.s32 s3, s2  }
0x8d: {  	s2 =	sadd.s32 s2, s17  }
0x8e: {  	[smem:$0x3FBD] =	sst s2  }
0x8f: {  	_ = 	snop  }
0x90: {  	s2 =	sld [smem:$0x3FD0];
	(tm) =	ssettm $0x1  }
0x91: {  	s18 =	sld [smem:$0x3FFB];
	_ =	sdelay $0x3  }
0x92: {  	_ =	strace s18  }
0x93: {  	s3 =	sld [smem:$0x3FFC];
	_ =	sdelay $0x3  }
0x94: {  	_ =	strace s3  }
0x95: {  	s3 =	sld [smem:$0x3FFD];
	_ =	sdelay $0x3  }
0x96: {  	_ =	strace s3  }
0x97: {  	_ =	strace $0x8FFFFFFF  }
0x98: {  	s19 =	sld [smem:$0x3FDB];
	_ =	sdelay $0x1  }
0x99: {  	s4 =	simm.s32 $_scs_section_size  }
0x9a: {  	s5 =	simm.s32 $_size__tile_overlayer_lowered;
	s6 =	simm.s32 $_tile_overlayer_lowered  }
0x9b: {  	s22 =	simm.s32 $0x1BFF;
	s21 =	sshll.u32 s6, $0x1;
	s3 =	sadd.s32 s4, s19  }
0x9c: {  	s7 =	simm.s32 $0x0;
	s20 =	sshll.u32 s5, $0x1;
	s5 =	sadd.s32 s21, s3  }
0x9d: {  	[timem:s7], [sflag:s22] =	dma.local [hbm:s5], s20  }
0x9e: {  	_ =	swait.ge [sflag:s22], s20  }
0x9f: {  	s4 =	ssub.s32 $0x0, s20;
	[sflag:s22] =	ssyncset.done $0x0  }
0xa0: {  	[sflag:s22] =	ssyncadd.s32 s4;
	_ =	sdelay $0x1  }
0xa1: {  	s23 =	simm.s32 $0x1B8B  }
0xa2: {  	_ =	swait.ge [sflag:s23], $0x1  }
0xa3: {  	[sflag:s23] =	ssyncset.done $0x0  }
0xa4: {  	s25 =	simm.s32 $0x1B8E;
	s24 =	sld [smem:$0x3FFE];
	[sflag:s23] =	ssyncadd.s32 $0xFFFFFFFF  }
0xa5: {  	s26 =	simm.s32 $execute0_lowered;
	[smem:$0x3FD2] =	sst s25  }
0xa6: {  	s5 =	sshll.u32 s26, $0x1;
	_ =	strace $0x80000046;
	[dreg:$0x1] =	wrdreg $0xFFFFFFFF  }
0xa7: {  	s28 =	simm.s32 $_size_execute0_lowered;
	s3 =	sadd.s32 s3, s5;
	[dreg:$0x0] =	wrdreg $0x0  }
0xa8: {  	s5 =	sshll.u32 s28, $0x1;
	[dreg:$0x2] =	wrdreg s3  }
0xa9: {  	[dreg:$0x3] =	wrdreg s5  }
0xaa: {  	[dreg:$0x4] =	wrdreg $0xC0  }
0xab: {  	_ =	task [dreg:s7], $0x5FFFF  }
0xac: {  	[dreg:$0x1] =	wrdreg $0xFFFFFFFF  }
0xad: {  	[dreg:$0x0] =	wrdreg $0x60  }
0xae: {  	[dreg:$0x2] =	wrdreg s24  }
0xaf: {  	[dreg:$0x3] =	wrdreg s2  }
0xb0: {  	[dreg:$0x4] =	wrdreg $0x9  }
0xb1: {  	_ =	task.clear_ibuf [dreg:s7], $0x5FFFF;
	_ =	strace $0x90000046  }
0xb2: {  	s29 =	simm.s32 $0x9;
	_ =	strace $0x80000048  }
0xb3: {  	_ =	swait.ge [sflag:s29], $0x1  }
0xb4: {  	[sflag:s29] =	ssyncadd.s32 $0xFFFFFFFF  }
0xb5: {  	_ =	strace $0x90000048  }
0xb6: {  	_ =	sfence  }
0xb7: {  	s30 =	sld [smem:$0x0];
	_ =	sdelay $0x2  }
0xb8: {  	s31 =	sshll.u32 s1, $0xD;
	s1 =	sshrl.u32 s1, $0x2  }
0xb9: {  	s3 =	sand.u32 $0x4000, s31;
	s1 =	sadd.s32 s1, s30  }
0xba: {  	s0 =	sor.u32 s3, s0;
	s1 =	sshll.u32 s1, $0x11  }
0xbb: {  	s0 =	sor.u32 s1, s0  }
0xbc: {  	s0 =	sadd.s32 $0x8F2B, s0  }
0xbd: {  	[sflag:s0] =	ssyncadd.remote.s32 $0x1  }
0xbe: {  	_ =	sfence.sel $0xFFFF  }
0xbf: {  	[dreg:$0x0] =	wrdreg $0xFFFFFFFF;
	(pc) =	sbr.abs _section_cstart, $3  }
0xc0: {  	[dreg:$0x1] =	wrdreg $0xFFFFFFFF  }
0xc1: {  	_ =	task.clear_ibuf [dreg:s7], $0x2FFFF;
	_ =	strace $0x9FFFFFFF  }
0xc2: {  	(tm) =	ssettm $0x7FFFFFFF  }
0xc3: {  	_ =	shalt  }
tec
execute0_lowered:
.L_overlay_start_1:
0x0: {  	(tag) =	ssettag $0x1  }
0x1: {  	s1 =	srdreg.scid;
	s0 =	stileid.u32  }
0x2: {  	s15 =	sand.u32 $0x1, s1;
	s30 =	sshll.u32 s0, $0x1  }
0x3: {  	s11 =	rddreg [dreg:$0x0];
	s16 =	sor.u32 s15, s30  }
0x4: {  	s17 =	rddreg [dreg:$0x1];
	s3 =	smul.u32 $0x32, s16  }
0x5: {  	s2 =	simm.s32 $0x0;
	s1 =	rddreg [dreg:$0x2]  }
0x6: {  	[smem:$0x7FF] =	sst s2;
	s5 =	sadd.s32 s3, s11  }
0x7: {  	_ =	strace $0x80000047;
	s3 =	simm.s32 $0x3;
	s4 =	sadd.s32 $0x50000, s5  }
0x8: {  	[tilespmem:s2], [sflag:$0x3] =	stream.linear.gather [hbm4b:s4+s2], $0x190, $0x38;
	[tilespmem:$0xCC00] =	vst v63  }
0x9: {  	_ =	swait.ge [sflag:s3], $0x190  }
0xa: {  	[sflag:s3] =	ssyncset.done $0x0  }
0xb: {  	s6 =	simm.s32 $0x200;
	s5 =	sadd.s32 $0x4F800, s5;
	[sflag:s3] =	ssyncadd.s32 $0xFFFFFE70  }
0xc: {  	[tilespmem:s6], [sflag:$0x3] =	stream.linear.gather [hbm4b:s5+s2], $0x190, $0x38;
	[tilespmem:$0xCC00] =	vst v63  }
0xd: {  	_ =	swait.ge [sflag:s3], $0x190  }
0xe: {  	s8 =	simm.s32 $0xC8;
	s9 =	simm.s32 $0x400;
	[sflag:s3] =	ssyncset.done $0x0  }
0xf: {  	s10 =	simm.s32 $0x1;
	s7 =	sadd.s32 $0x28600, s11;
	[sflag:s3] =	ssyncadd.s32 $0xFFFFFE70  }
0x10: {  	[tilespmem:s9], [sflag:$0x1] =	stream.indirect.gather [hbm4b:s7+s8], $0x80, s2, s8, $0xb8;
	[tilespmem:$0xCC00] =	vst v63  }
0x11: {  	_ =	swait.ge [sflag:s10], $0x6400  }
0x12: {  	[sflag:s10] =	ssyncset.done $0x0  }
0x13: {  	s11 =	sadd.s32 $0x1400, s11;
	[sflag:s10] =	ssyncadd.s32 $0xFFFF9C00  }
0x14: {  	[tilespmem:s9], [sflag:$0x1] =	stream.indirect.gather.add.s32 [hbm:s11], $0x80, s6, s8, $0xb8;
	[tilespmem:$0xCC00] =	vst v63  }
0x15: {  	s12 =	smul.u32 $0x1900, s16;
	_ =	swait.ge [sflag:s10], $0x6400  }
0x16: {  	[sflag:s10] =	ssyncset.done $0x0  }
0x17: {  	s12 =	sadd.s32 s17, s12;
	[sflag:s10] =	ssyncadd.s32 $0xFFFF9C00  }
0x18: {  	[hbm4b:s12+s2] =	stream.linear.scatter [tilespmem:s9], [sflag:$0x3], $0x6400, $0x38;
	[tilespmem:$0xCC00] =	vst v63  }
0x19: {  	_ =	swait.ge [sflag:s3], $0x6400  }
0x1a: {  	s13 =	simm.s32 $0x6800;
	[sflag:s3] =	ssyncset.done $0x0  }
0x1b: {  	s14 =	simm.s32 $0x2;
	s18 =	ssub.s32 $0x2, s15;
	[sflag:s3] =	ssyncadd.s32 $0xFFFF9C00  }
0x1c: {  	[tilespmem:s13], [sflag:$0x2] =	stream.indirect.gather [hbm4b:s7+s8], $0x80, s8, s8, $0xb8;
	[tilespmem:$0xCC00] =	vst v63  }
0x1d: {  	s19 =	sshrl.u32 s18, $0x1;
	_ =	swait.ge [sflag:s14], $0x6400  }
0x1e: {  	s15 =	simm.s32 $0x2C8;
	s18 =	ssub.s32 s18, s19;
	[sflag:s14] =	ssyncset.done $0x0  }
0x1f: {  	s16 =	smul.u32 $0xC800, s16;
	s31 =	smax.u32 s18, $0x1;
	[sflag:s14] =	ssyncadd.s32 $0xFFFF9C00  }
0x20: {  	[tilespmem:s13], [sflag:$0x2] =	stream.indirect.gather.add.s32 [hbm:s11], $0x80, s15, s8, $0xb8;
	[tilespmem:$0xCC00] =	vst v63  }
0x21: {  	s16 =	sshrl.u32 s16, $0x3;
	p0 =	sne.s32 s31, $0x1;
	_ =	swait.ge [sflag:s14], $0x6400  }
.Ltmp0:
0x22: {  	s16 =	sadd.s32 s17, s16;
	[sflag:s14] =	ssyncset.done $0x0;
	(pc) =	sbr.rel @!p0 .LBB2_2-.Ltmp0, $4  }
0x23: {  	s16 =	sadd.s32 $0xC80, s16;
	[sflag:s14] =	ssyncadd.s32 $0xFFFF9C00  }
0x24: {  	[hbm4b:s16+s2] =	stream.linear.scatter [tilespmem:s13], [sflag:$0x3], $0x6400, $0x38;
	[tilespmem:$0xCC00] =	vst v63  }
0x25: {  	_ =	swait.ge [sflag:s3], $0x6400  }
0x26: {  	s17 =	sadd.s32 $0xFFFFFFFF, s31;
	[sflag:s3] =	ssyncset.done $0x0  }
.LBB2_1:
0x27: {  	p0 =	sne.s32 s17, $0x1;
	s17 =	sadd.s32 $0xFFFFFFFF, s17;
	[sflag:s3] =	ssyncadd.s32 $0xFFFF9C00  }
0x28: {  	[tilespmem:s2], [sflag:$0x3] =	stream.linear.gather [hbm4b:s4+s2], $0x190, $0x38;
	[tilespmem:$0xCC00] =	vst v63  }
0x29: {  	_ =	swait.ge [sflag:s3], $0x190  }
0x2a: {  	[sflag:s3] =	ssyncset.done $0x0  }
0x2b: {  	[sflag:s3] =	ssyncadd.s32 $0xFFFFFE70  }
0x2c: {  	[tilespmem:s6], [sflag:$0x3] =	stream.linear.gather [hbm4b:s5+s2], $0x190, $0x38;
	[tilespmem:$0xCC00] =	vst v63  }
0x2d: {  	_ =	swait.ge [sflag:s3], $0x190  }
0x2e: {  	[sflag:s3] =	ssyncset.done $0x0  }
0x2f: {  	[sflag:s3] =	ssyncadd.s32 $0xFFFFFE70  }
0x30: {  	[tilespmem:s9], [sflag:$0x1] =	stream.indirect.gather [hbm4b:s7+s8], $0x80, s2, s8, $0xb8;
	[tilespmem:$0xCC00] =	vst v63  }
0x31: {  	_ =	swait.ge [sflag:s10], $0x6400  }
0x32: {  	[sflag:s10] =	ssyncset.done $0x0  }
0x33: {  	[sflag:s10] =	ssyncadd.s32 $0xFFFF9C00  }
0x34: {  	[tilespmem:s9], [sflag:$0x1] =	stream.indirect.gather.add.s32 [hbm:s11], $0x80, s6, s8, $0xb8;
	[tilespmem:$0xCC00] =	vst v63  }
0x35: {  	_ =	swait.ge [sflag:s10], $0x6400  }
0x36: {  	[sflag:s10] =	ssyncset.done $0x0  }
0x37: {  	[sflag:s10] =	ssyncadd.s32 $0xFFFF9C00  }
0x38: {  	[hbm4b:s12+s2] =	stream.linear.scatter [tilespmem:s9], [sflag:$0x3], $0x6400, $0x38;
	[tilespmem:$0xCC00] =	vst v63  }
0x39: {  	_ =	swait.ge [sflag:s3], $0x6400  }
0x3a: {  	[sflag:s3] =	ssyncset.done $0x0  }
0x3b: {  	[sflag:s3] =	ssyncadd.s32 $0xFFFF9C00  }
0x3c: {  	[tilespmem:s13], [sflag:$0x2] =	stream.indirect.gather [hbm4b:s7+s8], $0x80, s8, s8, $0xb8;
	[tilespmem:$0xCC00] =	vst v63  }
0x3d: {  	_ =	swait.ge [sflag:s14], $0x6400  }
0x3e: {  	[sflag:s14] =	ssyncset.done $0x0  }
0x3f: {  	[sflag:s14] =	ssyncadd.s32 $0xFFFF9C00  }
0x40: {  	[tilespmem:s13], [sflag:$0x2] =	stream.indirect.gather.add.s32 [hbm:s11], $0x80, s15, s8, $0xb8;
	[tilespmem:$0xCC00] =	vst v63  }
0x41: {  	_ =	swait.ge [sflag:s14], $0x6400  }
.Ltmp1:
0x42: {  	[sflag:s14] =	ssyncset.done $0x0;
	(pc) =	sbr.rel @p0 .LBB2_1-.Ltmp1, $4  }
0x43: {  	[sflag:s14] =	ssyncadd.s32 $0xFFFF9C00  }
0x44: {  	[hbm4b:s16+s2] =	stream.linear.scatter [tilespmem:s13], [sflag:$0x3], $0x6400, $0x38;
	[tilespmem:$0xCC00] =	vst v63  }
0x45: {  	_ =	swait.ge [sflag:s3], $0x6400  }
0x46: {  	[sflag:s3] =	ssyncset.done $0x0  }
.LBB2_2:
0x47: {  	[sflag:s3] =	ssyncadd.s32 $0xFFFF9C00  }
0x48: {  	_ =	sfence.sel $0x180000  }
0x49: {  	[bflag:$0x0] =	sbarrier.arrive $0xFFFF  }
0x4a: {  	p0 =	sne.s32 s0, $0x0;
	_ =	strace $0x90000047  }
0x4b: {  	s0 =	sadd.s32 @!p0 $0x100000, s1;
	[bflag:$0x2] =	sbarrier.arrive $0xFFFF  }
0x4c: {  	[sflag:s0] =	ssyncadd.tile.s32 @!p0 $0x1;
	_ =	shalt  }
.Lfunc_end2:
_tile_overlayer_lowered:
.L_overlay_start_2:
0x4d: {  	(tag) =	ssettag $0x2  }
0x4e: {  	s0 =	rddreg [dreg:$0x0];
	s2 =	stileid.u32  }
0x4f: {  	s1 =	rddreg [dreg:$0x1];
	p0 =	sne.s32 s2, $0x0  }
0x50: {  	s3 =	rddreg [dreg:$0x2];
	[bflag:$0x3] =	sbarrier.arrive $0xFFFF;
	s2 =	simm.s32 @!p0 $0x1C03  }
0x51: {  	[timem:s3], [sflag:s2] =	dma.local @!p0 [hbm:s0], s1  }
0x52: {  	s0 =	simm.s32 @!p0 $0x3  }
0x53: {  	_ =	swait.ge @!p0 [sflag:s0], s1  }
0x54: {  	s1 =	ssub.s32 @!p0 $0x0, s1;
	[sflag:s0] =	ssyncset.done @!p0 $0x0  }
0x55: {  	[sflag:s0] =	ssyncadd.s32 @!p0 s1  }
0x56: {  	[bflag:$0x3] =	sbarrier.arrive $0xFFFF  }
0x57: {  	_ =	shalt  }

// kernel: kernel.15.cloned.1.call-start
scs
__scs_entry_jumppad:
0x0: {  	(pc) =	sbr.rel $0x88, $3  }
0x1: {  	(tag) =	ssettag $0x0;
	lr =	simm.s32 $0x1  }
0x2: {  	[smem:$0x3F96] =	sst lr;
	_ =	strace $0xD0000000  }
0x3: {  	_ = 	snop  }
0x4: {  	_ = 	snop  }
0x5: {  	_ = 	snop  }
0x6: {  	_ = 	snop  }
0x7: {  	_ = 	snop  }
__scs_overlays_trampoline_lowered:
0x8: {  	[smem:$0x3FA5] =	sst s0  }
0x9: {  	[smem:$0x3FA6] =	sst s1  }
0xa: {  	[smem:$0x3FA7] =	sst s2  }
0xb: {  	[smem:$0x3FA8] =	sst s3  }
0xc: {  	[smem:$0x3FA9] =	sst s4  }
0xd: {  	[smem:$0x3FAA] =	sst s5  }
0xe: {  	[smem:$0x3FAB] =	sst s6  }
0xf: {  	[smem:$0x3FAC] =	sst s7  }
0x10: {  	[smem:$0x3FAD] =	sst s8  }
0x11: {  	[smem:$0x3FAE] =	sst s9;
	s0 =	simm.s32 @!p0 $0x0  }
0x12: {  	s1 =	sld [smem:$0x3F94];
	s0 =	simm.s32 @p0 $0x1  }
0x13: {  	[smem:$0x3FAF] =	sst s0;
	s0 =	simm.s32 @!p1 $0x0  }
0x14: {  	s2 =	sld [smem:$0x3F93];
	s0 =	simm.s32 @p1 $0x1  }
0x15: {  	[smem:$0x3FB0] =	sst s0;
	s0 =	simm.s32 @!p2 $0x0  }
0x16: {  	s3 =	sld [smem:$0x3FDB];
	s0 =	simm.s32 @p2 $0x1  }
0x17: {  	s4 =	simm.s32 $0x1BF5;
	[smem:$0x3FB2] =	sst s0  }
0x18: {  	s0 =	sld [smem:$0x3F95];
	_ =	swait.ge [sflag:s4], $0x0  }
0x19: {  	s7 =	sld [smem:$0x3F96]  }
0x1a: {  	s8 =	sadd.s32 $0xFFFFE003, lr  }
0x1b: {  	s9 =	sadd.s32 $0xFFFFFEF7, lr;
	s5 =	simm.s32 $0xFFFFFFFF;
	p2 =	slt.u32 s8, $0xFFFFF086  }
0x1c: {  	p1 =	slt.u32 s9, $0xF7A;
	s5 =	simm.s32 @!p2 $0x0  }
0x1d: {  	s5 =	simm.s32 @p1 $0x1;
	p0 =	seq.s32 s7, s2  }
0x1e: {  	s7 =	smul.u32 @!p0 $0xF7A, s2;
	p2 =	seq.s32 @!p0 s5, $0x0  }
0x1f: {  	s9 =	smul.u32 $0xF7A, s1;
	s8 =	simm.s32 @!p0 $0x1BF5;
	p2 =	por !p2, p0  }
0x20: {  	[sflag:s8] =	ssyncset.s32 @!p0 $0xFFFFF086;
	s6 =	sadd.s32 @!p0 s3, s7;
	s7 =	simm.s32 @!p0 $0x108  }
0x21: {  	s3 =	sadd.s32 s3, s9;
	s6 =	sadd.s32 @!p0 $0x88, s6;
	s7 =	simm.s32 @p2 $0x1082  }
0x22: {  	[simem:s7], [sflag:s8] =	dma.local @!p0 [hbm:s6], $0xF7A  }
0x23: {  	s9 =	sor.u32 $0xD0000000, s2;
	s6 =	simm.s32 $0x108;
	_ =	swait.ge @!p0 [sflag:s8], $0x0  }
0x24: {  	s3 =	sadd.s32 $0x88, s3;
	s6 =	simm.s32 @!p1 $0x1082;
	[sflag:s4] =	ssyncset.s32 $0xFFFFF086  }
0x25: {  	[simem:s6], [sflag:s4] =	dma.local [hbm:s3], $0xF7A  }
0x26: {  	[smem:$0x3F96] =	sst s1;
	(tag) =	ssettag s2;
	_ =	strace s9  }
0x27: {  	s1 =	sld [smem:$0x3FA6]  }
0x28: {  	s2 =	sld [smem:$0x3FA7]  }
0x29: {  	s4 =	sld [smem:$0x3FA9]  }
0x2a: {  	p0 =	seq.s32 s5, $0x0;
	s5 =	sld [smem:$0x3FAA]  }
0x2b: {  	s6 =	sld [smem:$0x3FAB]  }
0x2c: {  	s7 =	sld [smem:$0x3FAC]  }
0x2d: {  	s3 =	simm.s32 $0x108;
	s8 =	sld [smem:$0x3FAD]  }
0x2e: {  	s3 =	simm.s32 @!p0 $0x1082;
	s9 =	sld [smem:$0x3FAE]  }
0x2f: {  	lr =	sadd.s32 s0, s3;
	s0 =	sld [smem:$0x3FA5]  }
0x30: {  	s3 =	sld [smem:$0x3FA8]  }
0x31: {  	[smem:$0x3FB1] =	sst s10  }
0x32: {  	s10 =	sld [smem:$0x3FAF];
	_ =	sdelay $0x3  }
0x33: {  	p0 =	seq.s32 s10, $0x1;
	s10 =	sld [smem:$0x3FB1];
	_ =	sdelay $0x3  }
0x34: {  	[smem:$0x3FB1] =	sst s10  }
0x35: {  	s10 =	sld [smem:$0x3FB0];
	_ =	sdelay $0x3  }
0x36: {  	p1 =	seq.s32 s10, $0x1;
	s10 =	sld [smem:$0x3FB1];
	_ =	sdelay $0x3  }
0x37: {  	[smem:$0x3FB1] =	sst s10  }
0x38: {  	s10 =	sld [smem:$0x3FB2]  }
0x39: {  	_ = 	snop;
	(pc) =	sbr.ind lr, $3  }
0x3a: {  	_ = 	snop  }
0x3b: {  	_ = 	snop  }
0x3c: {  	p2 =	seq.s32 s10, $0x1;
	s10 =	sld [smem:$0x3FB1]  }
0x3d: {  	_ =	shalt  }
0x3e: {  	_ =	shalt  }
0x3f: {  	_ =	shalt  }
0x40: {  	_ =	shalt  }
0x41: {  	_ =	shalt  }
0x42: {  	_ =	shalt  }
0x43: {  	_ =	shalt  }
0x44: {  	_ =	shalt  }
0x45: {  	_ =	shalt  }
0x46: {  	_ =	shalt  }
0x47: {  	_ =	shalt  }
0x48: {  	_ =	shalt  }
0x49: {  	_ =	shalt  }
0x4a: {  	_ =	shalt  }
0x4b: {  	_ =	shalt  }
0x4c: {  	_ =	shalt  }
0x4d: {  	_ =	shalt  }
0x4e: {  	_ =	shalt  }
0x4f: {  	_ =	shalt  }
0x50: {  	_ =	shalt  }
0x51: {  	_ =	shalt  }
0x52: {  	_ =	shalt  }
0x53: {  	_ =	shalt  }
0x54: {  	_ =	shalt  }
0x55: {  	_ =	shalt  }
0x56: {  	_ =	shalt  }
0x57: {  	_ =	shalt  }
0x58: {  	_ =	shalt  }
0x59: {  	_ =	shalt  }
0x5a: {  	_ =	shalt  }
0x5b: {  	_ =	shalt  }
0x5c: {  	_ =	shalt  }
0x5d: {  	_ =	shalt  }
0x5e: {  	_ =	shalt  }
0x5f: {  	_ =	shalt  }
0x60: {  	_ =	shalt  }
0x61: {  	_ =	shalt  }
0x62: {  	_ =	shalt  }
0x63: {  	_ =	shalt  }
0x64: {  	_ =	shalt  }
0x65: {  	_ =	shalt  }
0x66: {  	_ =	shalt  }
0x67: {  	_ =	shalt  }
0x68: {  	_ =	shalt  }
0x69: {  	_ =	shalt  }
0x6a: {  	_ =	shalt  }
0x6b: {  	_ =	shalt  }
0x6c: {  	_ =	shalt  }
0x6d: {  	_ =	shalt  }
0x6e: {  	_ =	shalt  }
0x6f: {  	_ =	shalt  }
0x70: {  	_ =	shalt  }
0x71: {  	_ =	shalt  }
0x72: {  	_ =	shalt  }
0x73: {  	_ =	shalt  }
0x74: {  	_ =	shalt  }
0x75: {  	_ =	shalt  }
0x76: {  	_ =	shalt  }
0x77: {  	_ =	shalt  }
0x78: {  	_ =	shalt  }
0x79: {  	_ =	shalt  }
0x7a: {  	_ =	shalt  }
0x7b: {  	_ =	shalt  }
0x7c: {  	_ =	shalt  }
0x7d: {  	_ =	shalt  }
0x7e: {  	_ =	shalt  }
0x7f: {  	_ =	shalt  }
0x80: {  	_ =	shalt  }
0x81: {  	_ =	shalt  }
0x82: {  	_ =	shalt  }
0x83: {  	_ =	shalt  }
0x84: {  	_ =	shalt  }
0x85: {  	_ =	shalt  }
0x86: {  	_ =	shalt  }
0x87: {  	_ =	shalt  }
.Lfunc_end0:
.L_simem_size_0:
called_computation.1_lowered:
.L_overlay_start_0:
0x88: {  	s2 =	sld [smem:$0x3FD9]  }
0x89: {  	s3 =	sld [smem:$0x3FFE];
	_ =	sdelay $0x1  }
0x8a: {  	s1 =	srdreg.scid  }
0x8b: {  	s0 =	sand.u32 $0x1, s1  }
0x8c: {  	s17 =	sshll.u32 s0, $0xA;
	s2 =	sadd.s32 s3, s2  }
0x8d: {  	s2 =	sadd.s32 s2, s17  }
0x8e: {  	[smem:$0x3FBD] =	sst s2  }
0x8f: {  	_ = 	snop  }
0x90: {  	(tm) =	ssettm $0x1  }
0x91: {  	s18 =	sld [smem:$0x3FFB];
	_ =	sdelay $0x3  }
0x92: {  	_ =	strace s18  }
0x93: {  	s2 =	sld [smem:$0x3FFC];
	_ =	sdelay $0x3  }
0x94: {  	_ =	strace s2  }
0x95: {  	s2 =	sld [smem:$0x3FFD];
	_ =	sdelay $0x3  }
0x96: {  	_ =	strace s2  }
0x97: {  	_ =	strace $0x8FFFFFFF  }
0x98: {  	s19 =	sld [smem:$0x3FDB];
	_ =	sdelay $0x1  }
0x99: {  	s20 =	simm.s32 $_scs_section_size  }
0x9a: {  	s4 =	simm.s32 $_size__tile_overlayer_lowered;
	s5 =	simm.s32 $_tile_overlayer_lowered  }
0x9b: {  	s6 =	simm.s32 $0x1BFF;
	s21 =	sshll.u32 s5, $0x1;
	s3 =	sadd.s32 s20, s19  }
0x9c: {  	s22 =	simm.s32 $0x0;
	s4 =	sshll.u32 s4, $0x1;
	s5 =	sadd.s32 s21, s3  }
0x9d: {  	[timem:s22], [sflag:s6] =	dma.local [hbm:s5], s4  }
0x9e: {  	_ =	swait.ge [sflag:s6], s4  }
0x9f: {  	s4 =	ssub.s32 $0x0, s4;
	[sflag:s6] =	ssyncset.done $0x0  }
0xa0: {  	[sflag:s6] =	ssyncadd.s32 s4;
	_ =	sdelay $0x1  }
0xa1: {  	s23 =	simm.s32 $0x1B8B  }
0xa2: {  	_ =	swait.ge [sflag:s23], $0x1  }
0xa3: {  	[sflag:s23] =	ssyncset.done $0x0  }
0xa4: {  	[sflag:s23] =	ssyncadd.s32 $0xFFFFFFFF  }
0xa5: {  	s4 =	sld [smem:$0x0]  }
0xa6: {  	s5 =	sand.u32 $0xFFFFFFFE, s1  }
0xa7: {  	p0 =	sne.s32 s1, s5  }
0xa8: {  	s5 =	sshll.u32 @p0 s5, $0xE  }
0xa9: {  	s5 =	sadd.s32 @p0 $0x11B8D, s5;
	s6 =	sshll.u32 @p0 s4, $0x11  }
0xaa: {  	s5 =	sor.u32 @p0 s6, s5  }
0xab: {  	[sflag:s5] =	ssyncadd.remote.s32 @p0 $0x1;
	_ =	sdelay $0x1  }
0xac: {  	s5 =	simm.s32 @p0 $0x1B8D  }
0xad: {  	_ =	swait.eq @p0 [sflag:s5], $0x1  }
0xae: {  	[sflag:s5] =	ssyncadd.s32 @p0 $0xFFFFFFFF  }
0xaf: {  	s6 =	sshll.u32 @!p0 s1, $0xE  }
0xb0: {  	s6 =	sor.u32 @!p0 $0x4000, s6;
	s5 =	simm.s32 @!p0 $0x1B8D  }
0xb1: {  	s4 =	sshll.u32 @!p0 s4, $0x11;
	s6 =	sadd.s32 @!p0 $0x11B8D, s6;
	_ =	swait.eq @!p0 [sflag:s5], $0x1  }
0xb2: {  	s4 =	sor.u32 @!p0 s4, s6;
	[sflag:s5] =	ssyncadd.s32 @!p0 $0xFFFFFFFF  }
0xb3: {  	s25 =	simm.s32 $0x1B8E;
	s24 =	sld [smem:$0x3FFE];
	[sflag:s4] =	ssyncadd.remote.s32 @!p0 $0x1  }
0xb4: {  	s26 =	simm.s32 $execute0_lowered;
	[smem:$0x3FD2] =	sst s25  }
0xb5: {  	s5 =	sshll.u32 s26, $0x1;
	_ =	strace $0x80000049;
	[dreg:$0x1] =	wrdreg $0xFFFFFFFF  }
0xb6: {  	s28 =	simm.s32 $_size_execute0_lowered;
	s3 =	sadd.s32 s3, s5;
	[dreg:$0x0] =	wrdreg $0x0  }
0xb7: {  	s5 =	sshll.u32 s28, $0x1;
	[dreg:$0x2] =	wrdreg s3  }
0xb8: {  	[dreg:$0x3] =	wrdreg s5  }
0xb9: {  	[dreg:$0x4] =	wrdreg $0xC0  }
0xba: {  	_ =	task [dreg:s22], $0x5FFFF  }
0xbb: {  	[dreg:$0x1] =	wrdreg $0xFFFFFFFF  }
0xbc: {  	[dreg:$0x0] =	wrdreg $0x60  }
0xbd: {  	[dreg:$0x2] =	wrdreg s24  }
0xbe: {  	[dreg:$0x3] =	wrdreg $0xA  }
0xbf: {  	_ =	task.clear_ibuf [dreg:s22], $0x4FFFF;
	_ =	strace $0x90000049  }
0xc0: {  	s29 =	simm.s32 $0xA;
	_ =	strace $0x8000004B  }
0xc1: {  	_ =	swait.ge [sflag:s29], $0x1  }
0xc2: {  	[sflag:s29] =	ssyncadd.s32 $0xFFFFFFFF  }
0xc3: {  	_ =	strace $0x9000004B  }
0xc4: {  	_ =	sfence  }
0xc5: {  	s30 =	sld [smem:$0x0];
	_ =	sdelay $0x2  }
0xc6: {  	s31 =	sshll.u32 s1, $0xD;
	s1 =	sshrl.u32 s1, $0x2  }
0xc7: {  	s4 =	sand.u32 $0x4000, s31;
	s1 =	sadd.s32 s1, s30  }
0xc8: {  	s0 =	sor.u32 s4, s0;
	s1 =	sshll.u32 s1, $0x11  }
0xc9: {  	s0 =	sor.u32 s1, s0  }
0xca: {  	s0 =	sadd.s32 $0x8F2B, s0  }
0xcb: {  	[sflag:s0] =	ssyncadd.remote.s32 $0x1  }
0xcc: {  	_ =	sfence.sel $0xFFFF  }
0xcd: {  	[dreg:$0x0] =	wrdreg $0xFFFFFFFF;
	(pc) =	sbr.abs _section_cstart, $3  }
0xce: {  	[dreg:$0x1] =	wrdreg $0xFFFFFFFF  }
0xcf: {  	_ =	task.clear_ibuf [dreg:s22], $0x2FFFF;
	_ =	strace $0x9FFFFFFF  }
0xd0: {  	(tm) =	ssettm $0x7FFFFFFF  }
0xd1: {  	_ =	shalt  }
tec
execute0_lowered:
.L_overlay_start_1:
0x0: {  	(tag) =	ssettag $0x1  }
0x1: {  	s1 =	srdreg.scid  }
0x2: {  	s0 =	stileid.u32;
	s5 =	rddreg [dreg:$0x0];
	s2 =	simm.s32 $0x0  }
0x3: {  	s12 =	simm.s32 $0x1300;
	s13 =	simm.s32 $0x1;
	s14 =	simm.s32 $0x7700  }
0x4: {  	s15 =	simm.s32 $0x2;
	s6 =	sand.u32 $0x1, s1;
	s1 =	rddreg [dreg:$0x1]  }
0x5: {  	s16 =	simm.s32 $0x0;
	s3 =	sshll.u32 s0, $0x1;
	[smem:$0x7FF] =	sst s2  }
0x6: {  	s4 =	sadd.s32 $0x1400, s5;
	s8 =	smul.u32 $0x12C00, s0;
	s3 =	sor.u32 s6, s3  }
0x7: {  	_ =	strace $0x8000004A;
	s9 =	ssub.s32 $0x2, s6;
	s7 =	smul.u32 $0x960, s3  }
0x8: {  	s11 =	smul.u32 $0x9600, s6;
	s3 =	sadd.s32 $0x28600, s5;
	s10 =	sshrl.u32 s9, $0x1  }
0x9: {  	s8 =	sadd.s32 s8, s5;
	s9 =	ssub.s32 s9, s10;
	s7 =	sshrl.u32 s7, $0x3  }
0xa: {  	s8 =	sadd.s32 s11, s8;
	s10 =	simm.s32 $0x980;
	s7 =	sadd.s32 s7, s5  }
0xb: {  	s11 =	simm.s32 $0xC8;
	s8 =	sadd.s32 $0x64480, s8;
	s5 =	sadd.s32 $0x52E00, s7  }
0xc: {  	s6 =	sadd.s32 $0x50800, s7;
	s7 =	smax.u32 s9, $0x1;
	s9 =	simm.s32 $0x3  }
.LBB2_1:
0xd: {  	[tilespmem:s2], [sflag:$0x3] =	stream.linear.gather [hbm4b:s5+s2], $0x960, $0x38;
	[tilespmem:$0xDB00] =	vst v63  }
0xe: {  	_ =	swait.ge [sflag:s9], $0x960  }
0xf: {  	[sflag:s9] =	ssyncset.done $0x0  }
0x10: {  	[sflag:s9] =	ssyncadd.s32 $0xFFFFF6A0  }
0x11: {  	[tilespmem:s10], [sflag:$0x3] =	stream.linear.gather [hbm4b:s6+s2], $0x960, $0x38;
	[tilespmem:$0xDB00] =	vst v63  }
0x12: {  	_ =	swait.ge [sflag:s9], $0x960  }
0x13: {  	[sflag:s9] =	ssyncset.done $0x0  }
0x14: {  	s17 =	simm.s32 $0x0;
	[sflag:s9] =	ssyncadd.s32 $0xFFFFF6A0  }
0x15: {  	[tilespmem:s12], [sflag:$0x1] =	stream.indirect.gather [hbm4b:s3+s11], $0x80, s17, s11, $0xb8;
	[tilespmem:$0xDB00] =	vst v63  }
0x16: {  	_ =	swait.ge [sflag:s13], $0x6400  }
0x17: {  	[sflag:s13] =	ssyncset.done $0x0  }
0x18: {  	s28 =	simm.s32 $0x980;
	[sflag:s13] =	ssyncadd.s32 $0xFFFF9C00  }
0x19: {  	[tilespmem:s12], [sflag:$0x1] =	stream.indirect.gather.add.s32 [hbm:s4], $0x80, s28, s11, $0xb8;
	[tilespmem:$0xDB00] =	vst v63  }
0x1a: {  	_ =	swait.ge [sflag:s13], $0x6400  }
0x1b: {  	[sflag:s13] =	ssyncset.done $0x0  }
0x1c: {  	s29 =	sadd.s32 $0xFFFFF380, s8;
	[sflag:s13] =	ssyncadd.s32 $0xFFFF9C00  }
0x1d: {  	[hbm4b:s29+s2] =	stream.linear.scatter [tilespmem:s12], [sflag:$0x3], $0x6400, $0x38;
	[tilespmem:$0xDB00] =	vst v63  }
0x1e: {  	_ =	swait.ge [sflag:s9], $0x6400  }
0x1f: {  	[sflag:s9] =	ssyncset.done $0x0  }
0x20: {  	s30 =	simm.s32 $0xC8;
	[sflag:s9] =	ssyncadd.s32 $0xFFFF9C00  }
0x21: {  	[tilespmem:s14], [sflag:$0x2] =	stream.indirect.gather [hbm4b:s3+s11], $0x80, s30, s11, $0xb8;
	[tilespmem:$0xDB00] =	vst v63  }
0x22: {  	_ =	swait.ge [sflag:s15], $0x6400  }
0x23: {  	[sflag:s15] =	ssyncset.done $0x0  }
0x24: {  	s31 =	simm.s32 $0xA48;
	[sflag:s15] =	ssyncadd.s32 $0xFFFF9C00  }
0x25: {  	[tilespmem:s14], [sflag:$0x2] =	stream.indirect.gather.add.s32 [hbm:s4], $0x80, s31, s11, $0xb8;
	[tilespmem:$0xDB00] =	vst v63  }
0x26: {  	_ =	swait.ge [sflag:s15], $0x6400  }
0x27: {  	[sflag:s15] =	ssyncset.done $0x0  }
0x28: {  	[sflag:s15] =	ssyncadd.s32 $0xFFFF9C00  }
0x29: {  	[hbm4b:s8+s2] =	stream.linear.scatter [tilespmem:s14], [sflag:$0x3], $0x6400, $0x38;
	[tilespmem:$0xDB00] =	vst v63  }
0x2a: {  	s18 =	simm.s32 $0x640;
	_ =	swait.ge [sflag:s9], $0x6400  }
0x2b: {  	s19 =	simm.s32 $0xC80;
	s17 =	sadd.s32 $0x1900, s8;
	[sflag:s9] =	ssyncset.done $0x0  }
.LBB2_2:
0x2c: {  	s20 =	sshra.s32 s18, $0x2  }
0x2d: {  	[sflag:s9] =	ssyncadd.s32 $0xFFFF9C00;
	s18 =	smov.u32 s19;
	s21 =	sadd.s32 $0x640, s19  }
0x2e: {  	[tilespmem:s12], [sflag:$0x1] =	stream.indirect.gather [hbm4b:s3+s11], $0x80, s20, s11, $0xb8;
	[tilespmem:$0xDB00] =	vst v63  }
0x2f: {  	p0 =	sne.s32 s19, $0x1F40;
	_ =	swait.ge [sflag:s13], $0x6400  }
0x30: {  	[sflag:s13] =	ssyncset.done $0x0  }
0x31: {  	s19 =	sadd.s32 $0x980, s20;
	[sflag:s13] =	ssyncadd.s32 $0xFFFF9C00  }
0x32: {  	[tilespmem:s12], [sflag:$0x1] =	stream.indirect.gather.add.s32 [hbm:s4], $0x80, s19, s11, $0xb8;
	[tilespmem:$0xDB00] =	vst v63  }
0x33: {  	_ =	swait.ge [sflag:s13], $0x6400  }
0x34: {  	[sflag:s13] =	ssyncset.done $0x0  }
0x35: {  	s19 =	sadd.s32 $0xFFFFF380, s17;
	[sflag:s13] =	ssyncadd.s32 $0xFFFF9C00  }
0x36: {  	[hbm4b:s19+s2] =	stream.linear.scatter [tilespmem:s12], [sflag:$0x3], $0x6400, $0x38;
	[tilespmem:$0xDB00] =	vst v63  }
0x37: {  	_ =	swait.ge [sflag:s9], $0x6400  }
0x38: {  	[sflag:s9] =	ssyncset.done $0x0  }
0x39: {  	s19 =	sadd.s32 $0xC8, s20;
	[sflag:s9] =	ssyncadd.s32 $0xFFFF9C00  }
0x3a: {  	[tilespmem:s14], [sflag:$0x2] =	stream.indirect.gather [hbm4b:s3+s11], $0x80, s19, s11, $0xb8;
	[tilespmem:$0xDB00] =	vst v63  }
0x3b: {  	_ =	swait.ge [sflag:s15], $0x6400  }
0x3c: {  	[sflag:s15] =	ssyncset.done $0x0  }
0x3d: {  	s19 =	sadd.s32 $0xA48, s20;
	[sflag:s15] =	ssyncadd.s32 $0xFFFF9C00  }
0x3e: {  	[tilespmem:s14], [sflag:$0x2] =	stream.indirect.gather.add.s32 [hbm:s4], $0x80, s19, s11, $0xb8;
	[tilespmem:$0xDB00] =	vst v63  }
0x3f: {  	_ =	swait.ge [sflag:s15], $0x6400  }
.Ltmp0:
0x40: {  	[sflag:s15] =	ssyncset.done $0x0;
	(pc) =	sbr.rel @p0 .LBB2_2-.Ltmp0, $4  }
0x41: {  	[sflag:s15] =	ssyncadd.s32 $0xFFFF9C00  }
0x42: {  	[hbm4b:s17+s2] =	stream.linear.scatter [tilespmem:s14], [sflag:$0x3], $0x6400, $0x38;
	[tilespmem:$0xDB00] =	vst v63  }
0x43: {  	_ =	swait.ge [sflag:s9], $0x6400  }
0x44: {  	s19 =	smov.u32 s21;
	s17 =	sadd.s32 $0x1900, s17;
	[sflag:s9] =	ssyncset.done $0x0  }
0x45: {  	s18 =	sshra.s32 s18, $0x2;
	[sflag:s9] =	ssyncadd.s32 $0xFFFF9C00  }
0x46: {  	[tilespmem:s12], [sflag:$0x1] =	stream.indirect.gather [hbm4b:s3+s11], $0x80, s18, s11, $0xb8;
	[tilespmem:$0xDB00] =	vst v63  }
0x47: {  	_ =	swait.ge [sflag:s13], $0x6400  }
0x48: {  	[sflag:s13] =	ssyncset.done $0x0  }
0x49: {  	s19 =	sadd.s32 $0x980, s18;
	[sflag:s13] =	ssyncadd.s32 $0xFFFF9C00  }
0x4a: {  	[tilespmem:s12], [sflag:$0x1] =	stream.indirect.gather.add.s32 [hbm:s4], $0x80, s19, s11, $0xb8;
	[tilespmem:$0xDB00] =	vst v63  }
0x4b: {  	_ =	swait.ge [sflag:s13], $0x6400  }
0x4c: {  	[sflag:s13] =	ssyncset.done $0x0  }
0x4d: {  	s30 =	sadd.s32 $0xFFFFF380, s17;
	[sflag:s13] =	ssyncadd.s32 $0xFFFF9C00  }
0x4e: {  	[hbm4b:s30+s2] =	stream.linear.scatter [tilespmem:s12], [sflag:$0x3], $0x6400, $0x38;
	[tilespmem:$0xDB00] =	vst v63  }
0x4f: {  	_ =	swait.ge [sflag:s9], $0x6400  }
0x50: {  	[sflag:s9] =	ssyncset.done $0x0  }
0x51: {  	s31 =	sadd.s32 $0xC8, s18;
	[sflag:s9] =	ssyncadd.s32 $0xFFFF9C00  }
0x52: {  	[tilespmem:s14], [sflag:$0x2] =	stream.indirect.gather [hbm4b:s3+s11], $0x80, s31, s11, $0xb8;
	[tilespmem:$0xDB00] =	vst v63  }
0x53: {  	_ =	swait.ge [sflag:s15], $0x6400  }
0x54: {  	[sflag:s15] =	ssyncset.done $0x0  }
0x55: {  	s18 =	sadd.s32 $0xA48, s18;
	[sflag:s15] =	ssyncadd.s32 $0xFFFF9C00  }
0x56: {  	[tilespmem:s14], [sflag:$0x2] =	stream.indirect.gather.add.s32 [hbm:s4], $0x80, s18, s11, $0xb8;
	[tilespmem:$0xDB00] =	vst v63  }
0x57: {  	s16 =	sadd.s32 $0x1, s16;
	_ =	swait.ge [sflag:s15], $0x6400  }
0x58: {  	p0 =	sne.s32 s16, s7;
	[sflag:s15] =	ssyncset.done $0x0  }
.Ltmp1:
0x59: {  	[sflag:s15] =	ssyncadd.s32 $0xFFFF9C00;
	(pc) =	sbr.rel @p0 .LBB2_1-.Ltmp1, $4  }
0x5a: {  	[hbm4b:s17+s2] =	stream.linear.scatter [tilespmem:s14], [sflag:$0x3], $0x6400, $0x38;
	[tilespmem:$0xDB00] =	vst v63  }
0x5b: {  	_ =	swait.ge [sflag:s9], $0x6400  }
0x5c: {  	[sflag:s9] =	ssyncset.done $0x0  }
0x5d: {  	[sflag:s9] =	ssyncadd.s32 $0xFFFF9C00  }
0x5e: {  	_ =	sfence.sel $0x180000  }
0x5f: {  	[bflag:$0x0] =	sbarrier.arrive $0xFFFF  }
0x60: {  	p0 =	sne.s32 s0, $0x0;
	_ =	strace $0x9000004A  }
0x61: {  	s0 =	sadd.s32 @!p0 $0x100000, s1;
	[bflag:$0x2] =	sbarrier.arrive $0xFFFF  }
0x62: {  	[sflag:s0] =	ssyncadd.tile.s32 @!p0 $0x1;
	_ =	shalt  }
.Lfunc_end2:
_tile_overlayer_lowered:
.L_overlay_start_2:
0x63: {  	(tag) =	ssettag $0x2  }
0x64: {  	s0 =	rddreg [dreg:$0x0];
	s2 =	stileid.u32  }
0x65: {  	s1 =	rddreg [dreg:$0x1];
	p0 =	sne.s32 s2, $0x0  }
0x66: {  	s3 =	rddreg [dreg:$0x2];
	[bflag:$0x3] =	sbarrier.arrive $0xFFFF;
	s2 =	simm.s32 @!p0 $0x1C03  }
0x67: {  	[timem:s3], [sflag:s2] =	dma.local @!p0 [hbm:s0], s1  }
0x68: {  	s0 =	simm.s32 @!p0 $0x3  }
0x69: {  	_ =	swait.ge @!p0 [sflag:s0], s1  }
0x6a: {  	s1 =	ssub.s32 @!p0 $0x0, s1;
	[sflag:s0] =	ssyncset.done @!p0 $0x0  }
0x6b: {  	[sflag:s0] =	ssyncadd.s32 @!p0 s1  }
0x6c: {  	[bflag:$0x3] =	sbarrier.arrive $0xFFFF  }
0x6d: {  	_ =	shalt  }

// kernel: kernel.18.cloned.1.call-start
scs
__scs_entry_jumppad:
0x0: {  	(pc) =	sbr.rel $0x88, $3  }
0x1: {  	(tag) =	ssettag $0x0;
	lr =	simm.s32 $0x1  }
0x2: {  	[smem:$0x3F96] =	sst lr;
	_ =	strace $0xD0000000  }
0x3: {  	_ = 	snop  }
0x4: {  	_ = 	snop  }
0x5: {  	_ = 	snop  }
0x6: {  	_ = 	snop  }
0x7: {  	_ = 	snop  }
__scs_overlays_trampoline_lowered:
0x8: {  	[smem:$0x3FA5] =	sst s0  }
0x9: {  	[smem:$0x3FA6] =	sst s1  }
0xa: {  	[smem:$0x3FA7] =	sst s2  }
0xb: {  	[smem:$0x3FA8] =	sst s3  }
0xc: {  	[smem:$0x3FA9] =	sst s4  }
0xd: {  	[smem:$0x3FAA] =	sst s5  }
0xe: {  	[smem:$0x3FAB] =	sst s6  }
0xf: {  	[smem:$0x3FAC] =	sst s7  }
0x10: {  	[smem:$0x3FAD] =	sst s8  }
0x11: {  	[smem:$0x3FAE] =	sst s9;
	s0 =	simm.s32 @!p0 $0x0  }
0x12: {  	s1 =	sld [smem:$0x3F94];
	s0 =	simm.s32 @p0 $0x1  }
0x13: {  	[smem:$0x3FAF] =	sst s0;
	s0 =	simm.s32 @!p1 $0x0  }
0x14: {  	s2 =	sld [smem:$0x3F93];
	s0 =	simm.s32 @p1 $0x1  }
0x15: {  	[smem:$0x3FB0] =	sst s0;
	s0 =	simm.s32 @!p2 $0x0  }
0x16: {  	s3 =	sld [smem:$0x3FDB];
	s0 =	simm.s32 @p2 $0x1  }
0x17: {  	s4 =	simm.s32 $0x1BF5;
	[smem:$0x3FB2] =	sst s0  }
0x18: {  	s0 =	sld [smem:$0x3F95];
	_ =	swait.ge [sflag:s4], $0x0  }
0x19: {  	s7 =	sld [smem:$0x3F96]  }
0x1a: {  	s8 =	sadd.s32 $0xFFFFE003, lr  }
0x1b: {  	s9 =	sadd.s32 $0xFFFFFEF7, lr;
	s5 =	simm.s32 $0xFFFFFFFF;
	p2 =	slt.u32 s8, $0xFFFFF086  }
0x1c: {  	p1 =	slt.u32 s9, $0xF7A;
	s5 =	simm.s32 @!p2 $0x0  }
0x1d: {  	s5 =	simm.s32 @p1 $0x1;
	p0 =	seq.s32 s7, s2  }
0x1e: {  	s7 =	smul.u32 @!p0 $0xF7A, s2;
	p2 =	seq.s32 @!p0 s5, $0x0  }
0x1f: {  	s9 =	smul.u32 $0xF7A, s1;
	s8 =	simm.s32 @!p0 $0x1BF5;
	p2 =	por !p2, p0  }
0x20: {  	[sflag:s8] =	ssyncset.s32 @!p0 $0xFFFFF086;
	s6 =	sadd.s32 @!p0 s3, s7;
	s7 =	simm.s32 @!p0 $0x108  }
0x21: {  	s3 =	sadd.s32 s3, s9;
	s6 =	sadd.s32 @!p0 $0x88, s6;
	s7 =	simm.s32 @p2 $0x1082  }
0x22: {  	[simem:s7], [sflag:s8] =	dma.local @!p0 [hbm:s6], $0xF7A  }
0x23: {  	s9 =	sor.u32 $0xD0000000, s2;
	s6 =	simm.s32 $0x108;
	_ =	swait.ge @!p0 [sflag:s8], $0x0  }
0x24: {  	s3 =	sadd.s32 $0x88, s3;
	s6 =	simm.s32 @!p1 $0x1082;
	[sflag:s4] =	ssyncset.s32 $0xFFFFF086  }
0x25: {  	[simem:s6], [sflag:s4] =	dma.local [hbm:s3], $0xF7A  }
0x26: {  	[smem:$0x3F96] =	sst s1;
	(tag) =	ssettag s2;
	_ =	strace s9  }
0x27: {  	s1 =	sld [smem:$0x3FA6]  }
0x28: {  	s2 =	sld [smem:$0x3FA7]  }
0x29: {  	s4 =	sld [smem:$0x3FA9]  }
0x2a: {  	p0 =	seq.s32 s5, $0x0;
	s5 =	sld [smem:$0x3FAA]  }
0x2b: {  	s6 =	sld [smem:$0x3FAB]  }
0x2c: {  	s7 =	sld [smem:$0x3FAC]  }
0x2d: {  	s3 =	simm.s32 $0x108;
	s8 =	sld [smem:$0x3FAD]  }
0x2e: {  	s3 =	simm.s32 @!p0 $0x1082;
	s9 =	sld [smem:$0x3FAE]  }
0x2f: {  	lr =	sadd.s32 s0, s3;
	s0 =	sld [smem:$0x3FA5]  }
0x30: {  	s3 =	sld [smem:$0x3FA8]  }
0x31: {  	[smem:$0x3FB1] =	sst s10  }
0x32: {  	s10 =	sld [smem:$0x3FAF];
	_ =	sdelay $0x3  }
0x33: {  	p0 =	seq.s32 s10, $0x1;
	s10 =	sld [smem:$0x3FB1];
	_ =	sdelay $0x3  }
0x34: {  	[smem:$0x3FB1] =	sst s10  }
0x35: {  	s10 =	sld [smem:$0x3FB0];
	_ =	sdelay $0x3  }
0x36: {  	p1 =	seq.s32 s10, $0x1;
	s10 =	sld [smem:$0x3FB1];
	_ =	sdelay $0x3  }
0x37: {  	[smem:$0x3FB1] =	sst s10  }
0x38: {  	s10 =	sld [smem:$0x3FB2]  }
0x39: {  	_ = 	snop;
	(pc) =	sbr.ind lr, $3  }
0x3a: {  	_ = 	snop  }
0x3b: {  	_ = 	snop  }
0x3c: {  	p2 =	seq.s32 s10, $0x1;
	s10 =	sld [smem:$0x3FB1]  }
0x3d: {  	_ =	shalt  }
0x3e: {  	_ =	shalt  }
0x3f: {  	_ =	shalt  }
0x40: {  	_ =	shalt  }
0x41: {  	_ =	shalt  }
0x42: {  	_ =	shalt  }
0x43: {  	_ =	shalt  }
0x44: {  	_ =	shalt  }
0x45: {  	_ =	shalt  }
0x46: {  	_ =	shalt  }
0x47: {  	_ =	shalt  }
0x48: {  	_ =	shalt  }
0x49: {  	_ =	shalt  }
0x4a: {  	_ =	shalt  }
0x4b: {  	_ =	shalt  }
0x4c: {  	_ =	shalt  }
0x4d: {  	_ =	shalt  }
0x4e: {  	_ =	shalt  }
0x4f: {  	_ =	shalt  }
0x50: {  	_ =	shalt  }
0x51: {  	_ =	shalt  }
0x52: {  	_ =	shalt  }
0x53: {  	_ =	shalt  }
0x54: {  	_ =	shalt  }
0x55: {  	_ =	shalt  }
0x56: {  	_ =	shalt  }
0x57: {  	_ =	shalt  }
0x58: {  	_ =	shalt  }
0x59: {  	_ =	shalt  }
0x5a: {  	_ =	shalt  }
0x5b: {  	_ =	shalt  }
0x5c: {  	_ =	shalt  }
0x5d: {  	_ =	shalt  }
0x5e: {  	_ =	shalt  }
0x5f: {  	_ =	shalt  }
0x60: {  	_ =	shalt  }
0x61: {  	_ =	shalt  }
0x62: {  	_ =	shalt  }
0x63: {  	_ =	shalt  }
0x64: {  	_ =	shalt  }
0x65: {  	_ =	shalt  }
0x66: {  	_ =	shalt  }
0x67: {  	_ =	shalt  }
0x68: {  	_ =	shalt  }
0x69: {  	_ =	shalt  }
0x6a: {  	_ =	shalt  }
0x6b: {  	_ =	shalt  }
0x6c: {  	_ =	shalt  }
0x6d: {  	_ =	shalt  }
0x6e: {  	_ =	shalt  }
0x6f: {  	_ =	shalt  }
0x70: {  	_ =	shalt  }
0x71: {  	_ =	shalt  }
0x72: {  	_ =	shalt  }
0x73: {  	_ =	shalt  }
0x74: {  	_ =	shalt  }
0x75: {  	_ =	shalt  }
0x76: {  	_ =	shalt  }
0x77: {  	_ =	shalt  }
0x78: {  	_ =	shalt  }
0x79: {  	_ =	shalt  }
0x7a: {  	_ =	shalt  }
0x7b: {  	_ =	shalt  }
0x7c: {  	_ =	shalt  }
0x7d: {  	_ =	shalt  }
0x7e: {  	_ =	shalt  }
0x7f: {  	_ =	shalt  }
0x80: {  	_ =	shalt  }
0x81: {  	_ =	shalt  }
0x82: {  	_ =	shalt  }
0x83: {  	_ =	shalt  }
0x84: {  	_ =	shalt  }
0x85: {  	_ =	shalt  }
0x86: {  	_ =	shalt  }
0x87: {  	_ =	shalt  }
.Lfunc_end0:
.L_simem_size_0:
called_computation.2_lowered:
.L_overlay_start_0:
0x88: {  	s2 =	sld [smem:$0x3FD9]  }
0x89: {  	s3 =	sld [smem:$0x3FFE];
	_ =	sdelay $0x1  }
0x8a: {  	s1 =	srdreg.scid  }
0x8b: {  	s0 =	sand.u32 $0x1, s1  }
0x8c: {  	s17 =	sshll.u32 s0, $0xA;
	s2 =	sadd.s32 s3, s2  }
0x8d: {  	s2 =	sadd.s32 s2, s17  }
0x8e: {  	[smem:$0x3FBD] =	sst s2  }
0x8f: {  	_ = 	snop  }
0x90: {  	(tm) =	ssettm $0x1  }
0x91: {  	s18 =	sld [smem:$0x3FFB];
	_ =	sdelay $0x3  }
0x92: {  	_ =	strace s18  }
0x93: {  	s2 =	sld [smem:$0x3FFC];
	_ =	sdelay $0x3  }
0x94: {  	_ =	strace s2  }
0x95: {  	s2 =	sld [smem:$0x3FFD];
	_ =	sdelay $0x3  }
0x96: {  	_ =	strace s2  }
0x97: {  	_ =	strace $0x8FFFFFFF  }
0x98: {  	s19 =	sld [smem:$0x3FDB];
	_ =	sdelay $0x1  }
0x99: {  	s20 =	simm.s32 $_scs_section_size  }
0x9a: {  	s4 =	simm.s32 $_size__tile_overlayer_lowered;
	s5 =	simm.s32 $_tile_overlayer_lowered  }
0x9b: {  	s6 =	simm.s32 $0x1BFF;
	s21 =	sshll.u32 s5, $0x1;
	s3 =	sadd.s32 s20, s19  }
0x9c: {  	s22 =	simm.s32 $0x0;
	s4 =	sshll.u32 s4, $0x1;
	s5 =	sadd.s32 s21, s3  }
0x9d: {  	[timem:s22], [sflag:s6] =	dma.local [hbm:s5], s4  }
0x9e: {  	_ =	swait.ge [sflag:s6], s4  }
0x9f: {  	s4 =	ssub.s32 $0x0, s4;
	[sflag:s6] =	ssyncset.done $0x0  }
0xa0: {  	[sflag:s6] =	ssyncadd.s32 s4;
	_ =	sdelay $0x1  }
0xa1: {  	s23 =	simm.s32 $0x1B8B  }
0xa2: {  	_ =	swait.ge [sflag:s23], $0x1  }
0xa3: {  	[sflag:s23] =	ssyncset.done $0x0  }
0xa4: {  	[sflag:s23] =	ssyncadd.s32 $0xFFFFFFFF  }
0xa5: {  	s4 =	sld [smem:$0x0]  }
0xa6: {  	s5 =	sand.u32 $0xFFFFFFFE, s1  }
0xa7: {  	p0 =	sne.s32 s1, s5  }
0xa8: {  	s5 =	sshll.u32 @p0 s5, $0xE  }
0xa9: {  	s5 =	sadd.s32 @p0 $0x11B8D, s5;
	s6 =	sshll.u32 @p0 s4, $0x11  }
0xaa: {  	s5 =	sor.u32 @p0 s6, s5  }
0xab: {  	[sflag:s5] =	ssyncadd.remote.s32 @p0 $0x1;
	_ =	sdelay $0x1  }
0xac: {  	s5 =	simm.s32 @p0 $0x1B8D  }
0xad: {  	_ =	swait.eq @p0 [sflag:s5], $0x1  }
0xae: {  	[sflag:s5] =	ssyncadd.s32 @p0 $0xFFFFFFFF  }
0xaf: {  	s6 =	sshll.u32 @!p0 s1, $0xE  }
0xb0: {  	s6 =	sor.u32 @!p0 $0x4000, s6;
	s5 =	simm.s32 @!p0 $0x1B8D  }
0xb1: {  	s4 =	sshll.u32 @!p0 s4, $0x11;
	s6 =	sadd.s32 @!p0 $0x11B8D, s6;
	_ =	swait.eq @!p0 [sflag:s5], $0x1  }
0xb2: {  	s4 =	sor.u32 @!p0 s4, s6;
	[sflag:s5] =	ssyncadd.s32 @!p0 $0xFFFFFFFF  }
0xb3: {  	s25 =	simm.s32 $0x1B8E;
	s24 =	sld [smem:$0x3FFE];
	[sflag:s4] =	ssyncadd.remote.s32 @!p0 $0x1  }
0xb4: {  	s26 =	simm.s32 $execute0_lowered;
	[smem:$0x3FD2] =	sst s25  }
0xb5: {  	s5 =	sshll.u32 s26, $0x1;
	_ =	strace $0x8000004C;
	[dreg:$0x1] =	wrdreg $0xFFFFFFFF  }
0xb6: {  	s28 =	simm.s32 $_size_execute0_lowered;
	s3 =	sadd.s32 s3, s5;
	[dreg:$0x0] =	wrdreg $0x0  }
0xb7: {  	s5 =	sshll.u32 s28, $0x1;
	[dreg:$0x2] =	wrdreg s3  }
0xb8: {  	[dreg:$0x3] =	wrdreg s5  }
0xb9: {  	[dreg:$0x4] =	wrdreg $0xC0  }
0xba: {  	_ =	task [dreg:s22], $0x5FFFF  }
0xbb: {  	[dreg:$0x1] =	wrdreg $0xFFFFFFFF  }
0xbc: {  	[dreg:$0x0] =	wrdreg $0x60  }
0xbd: {  	[dreg:$0x2] =	wrdreg s24  }
0xbe: {  	[dreg:$0x3] =	wrdreg $0xB  }
0xbf: {  	_ =	task.clear_ibuf [dreg:s22], $0x4FFFF;
	_ =	strace $0x9000004C  }
0xc0: {  	s29 =	simm.s32 $0xB;
	_ =	strace $0x8000004E  }
0xc1: {  	_ =	swait.ge [sflag:s29], $0x1  }
0xc2: {  	[sflag:s29] =	ssyncadd.s32 $0xFFFFFFFF  }
0xc3: {  	_ =	strace $0x9000004E  }
0xc4: {  	_ =	sfence  }
0xc5: {  	s30 =	sld [smem:$0x0];
	_ =	sdelay $0x2  }
0xc6: {  	s31 =	sshll.u32 s1, $0xD;
	s1 =	sshrl.u32 s1, $0x2  }
0xc7: {  	s4 =	sand.u32 $0x4000, s31;
	s1 =	sadd.s32 s1, s30  }
0xc8: {  	s0 =	sor.u32 s4, s0;
	s1 =	sshll.u32 s1, $0x11  }
0xc9: {  	s0 =	sor.u32 s1, s0  }
0xca: {  	s0 =	sadd.s32 $0x8F2B, s0  }
0xcb: {  	[sflag:s0] =	ssyncadd.remote.s32 $0x1  }
0xcc: {  	_ =	sfence.sel $0xFFFF  }
0xcd: {  	[dreg:$0x0] =	wrdreg $0xFFFFFFFF;
	(pc) =	sbr.abs _section_cstart, $3  }
0xce: {  	[dreg:$0x1] =	wrdreg $0xFFFFFFFF  }
0xcf: {  	_ =	task.clear_ibuf [dreg:s22], $0x2FFFF;
	_ =	strace $0x9FFFFFFF  }
0xd0: {  	(tm) =	ssettm $0x7FFFFFFF  }
0xd1: {  	_ =	shalt  }
tec
execute0_lowered:
.L_overlay_start_1:
0x0: {  	(tag) =	ssettag $0x1  }
0x1: {  	s1 =	srdreg.scid  }
0x2: {  	s0 =	stileid.u32;
	s5 =	rddreg [dreg:$0x0];
	s2 =	simm.s32 $0x0  }
0x3: {  	s12 =	simm.s32 $0x1300;
	s13 =	simm.s32 $0x1;
	s14 =	simm.s32 $0x7700  }
0x4: {  	s15 =	simm.s32 $0x2;
	s6 =	sand.u32 $0x1, s1;
	s1 =	rddreg [dreg:$0x1]  }
0x5: {  	s16 =	simm.s32 $0x0;
	s3 =	sshll.u32 s0, $0x1;
	[smem:$0x7FF] =	sst s2  }
0x6: {  	s4 =	sadd.s32 $0x1400, s5;
	s8 =	smul.u32 $0x12C00, s0;
	s3 =	sor.u32 s6, s3  }
0x7: {  	_ =	strace $0x8000004D;
	s9 =	ssub.s32 $0x2, s6;
	s7 =	smul.u32 $0x960, s3  }
0x8: {  	s11 =	smul.u32 $0x9600, s6;
	s3 =	sadd.s32 $0x28600, s5;
	s10 =	sshrl.u32 s9, $0x1  }
0x9: {  	s8 =	sadd.s32 s8, s5;
	s9 =	ssub.s32 s9, s10;
	s7 =	sshrl.u32 s7, $0x3  }
0xa: {  	s8 =	sadd.s32 s11, s8;
	s10 =	simm.s32 $0x980;
	s7 =	sadd.s32 s7, s5  }
0xb: {  	s11 =	simm.s32 $0xC8;
	s8 =	sadd.s32 $0x190480, s8;
	s5 =	sadd.s32 $0x57A00, s7  }
0xc: {  	s6 =	sadd.s32 $0x55400, s7;
	s7 =	smax.u32 s9, $0x1;
	s9 =	simm.s32 $0x3  }
.LBB2_1:
0xd: {  	[tilespmem:s2], [sflag:$0x3] =	stream.linear.gather [hbm4b:s5+s2], $0x960, $0x38;
	[tilespmem:$0xDB00] =	vst v63  }
0xe: {  	_ =	swait.ge [sflag:s9], $0x960  }
0xf: {  	[sflag:s9] =	ssyncset.done $0x0  }
0x10: {  	[sflag:s9] =	ssyncadd.s32 $0xFFFFF6A0  }
0x11: {  	[tilespmem:s10], [sflag:$0x3] =	stream.linear.gather [hbm4b:s6+s2], $0x960, $0x38;
	[tilespmem:$0xDB00] =	vst v63  }
0x12: {  	_ =	swait.ge [sflag:s9], $0x960  }
0x13: {  	[sflag:s9] =	ssyncset.done $0x0  }
0x14: {  	s17 =	simm.s32 $0x0;
	[sflag:s9] =	ssyncadd.s32 $0xFFFFF6A0  }
0x15: {  	[tilespmem:s12], [sflag:$0x1] =	stream.indirect.gather [hbm4b:s3+s11], $0x80, s17, s11, $0xb8;
	[tilespmem:$0xDB00] =	vst v63  }
0x16: {  	_ =	swait.ge [sflag:s13], $0x6400  }
0x17: {  	[sflag:s13] =	ssyncset.done $0x0  }
0x18: {  	s28 =	simm.s32 $0x980;
	[sflag:s13] =	ssyncadd.s32 $0xFFFF9C00  }
0x19: {  	[tilespmem:s12], [sflag:$0x1] =	stream.indirect.gather.add.s32 [hbm:s4], $0x80, s28, s11, $0xb8;
	[tilespmem:$0xDB00] =	vst v63  }
0x1a: {  	_ =	swait.ge [sflag:s13], $0x6400  }
0x1b: {  	[sflag:s13] =	ssyncset.done $0x0  }
0x1c: {  	s29 =	sadd.s32 $0xFFFFF380, s8;
	[sflag:s13] =	ssyncadd.s32 $0xFFFF9C00  }
0x1d: {  	[hbm4b:s29+s2] =	stream.linear.scatter [tilespmem:s12], [sflag:$0x3], $0x6400, $0x38;
	[tilespmem:$0xDB00] =	vst v63  }
0x1e: {  	_ =	swait.ge [sflag:s9], $0x6400  }
0x1f: {  	[sflag:s9] =	ssyncset.done $0x0  }
0x20: {  	s30 =	simm.s32 $0xC8;
	[sflag:s9] =	ssyncadd.s32 $0xFFFF9C00  }
0x21: {  	[tilespmem:s14], [sflag:$0x2] =	stream.indirect.gather [hbm4b:s3+s11], $0x80, s30, s11, $0xb8;
	[tilespmem:$0xDB00] =	vst v63  }
0x22: {  	_ =	swait.ge [sflag:s15], $0x6400  }
0x23: {  	[sflag:s15] =	ssyncset.done $0x0  }
0x24: {  	s31 =	simm.s32 $0xA48;
	[sflag:s15] =	ssyncadd.s32 $0xFFFF9C00  }
0x25: {  	[tilespmem:s14], [sflag:$0x2] =	stream.indirect.gather.add.s32 [hbm:s4], $0x80, s31, s11, $0xb8;
	[tilespmem:$0xDB00] =	vst v63  }
0x26: {  	_ =	swait.ge [sflag:s15], $0x6400  }
0x27: {  	[sflag:s15] =	ssyncset.done $0x0  }
0x28: {  	[sflag:s15] =	ssyncadd.s32 $0xFFFF9C00  }
0x29: {  	[hbm4b:s8+s2] =	stream.linear.scatter [tilespmem:s14], [sflag:$0x3], $0x6400, $0x38;
	[tilespmem:$0xDB00] =	vst v63  }
0x2a: {  	s18 =	simm.s32 $0x640;
	_ =	swait.ge [sflag:s9], $0x6400  }
0x2b: {  	s19 =	simm.s32 $0xC80;
	s17 =	sadd.s32 $0x1900, s8;
	[sflag:s9] =	ssyncset.done $0x0  }
.LBB2_2:
0x2c: {  	s20 =	sshra.s32 s18, $0x2  }
0x2d: {  	[sflag:s9] =	ssyncadd.s32 $0xFFFF9C00;
	s18 =	smov.u32 s19;
	s21 =	sadd.s32 $0x640, s19  }
0x2e: {  	[tilespmem:s12], [sflag:$0x1] =	stream.indirect.gather [hbm4b:s3+s11], $0x80, s20, s11, $0xb8;
	[tilespmem:$0xDB00] =	vst v63  }
0x2f: {  	p0 =	sne.s32 s19, $0x1F40;
	_ =	swait.ge [sflag:s13], $0x6400  }
0x30: {  	[sflag:s13] =	ssyncset.done $0x0  }
0x31: {  	s19 =	sadd.s32 $0x980, s20;
	[sflag:s13] =	ssyncadd.s32 $0xFFFF9C00  }
0x32: {  	[tilespmem:s12], [sflag:$0x1] =	stream.indirect.gather.add.s32 [hbm:s4], $0x80, s19, s11, $0xb8;
	[tilespmem:$0xDB00] =	vst v63  }
0x33: {  	_ =	swait.ge [sflag:s13], $0x6400  }
0x34: {  	[sflag:s13] =	ssyncset.done $0x0  }
0x35: {  	s19 =	sadd.s32 $0xFFFFF380, s17;
	[sflag:s13] =	ssyncadd.s32 $0xFFFF9C00  }
0x36: {  	[hbm4b:s19+s2] =	stream.linear.scatter [tilespmem:s12], [sflag:$0x3], $0x6400, $0x38;
	[tilespmem:$0xDB00] =	vst v63  }
0x37: {  	_ =	swait.ge [sflag:s9], $0x6400  }
0x38: {  	[sflag:s9] =	ssyncset.done $0x0  }
0x39: {  	s19 =	sadd.s32 $0xC8, s20;
	[sflag:s9] =	ssyncadd.s32 $0xFFFF9C00  }
0x3a: {  	[tilespmem:s14], [sflag:$0x2] =	stream.indirect.gather [hbm4b:s3+s11], $0x80, s19, s11, $0xb8;
	[tilespmem:$0xDB00] =	vst v63  }
0x3b: {  	_ =	swait.ge [sflag:s15], $0x6400  }
0x3c: {  	[sflag:s15] =	ssyncset.done $0x0  }
0x3d: {  	s19 =	sadd.s32 $0xA48, s20;
	[sflag:s15] =	ssyncadd.s32 $0xFFFF9C00  }
0x3e: {  	[tilespmem:s14], [sflag:$0x2] =	stream.indirect.gather.add.s32 [hbm:s4], $0x80, s19, s11, $0xb8;
	[tilespmem:$0xDB00] =	vst v63  }
0x3f: {  	_ =	swait.ge [sflag:s15], $0x6400  }
.Ltmp0:
0x40: {  	[sflag:s15] =	ssyncset.done $0x0;
	(pc) =	sbr.rel @p0 .LBB2_2-.Ltmp0, $4  }
0x41: {  	[sflag:s15] =	ssyncadd.s32 $0xFFFF9C00  }
0x42: {  	[hbm4b:s17+s2] =	stream.linear.scatter [tilespmem:s14], [sflag:$0x3], $0x6400, $0x38;
	[tilespmem:$0xDB00] =	vst v63  }
0x43: {  	_ =	swait.ge [sflag:s9], $0x6400  }
0x44: {  	s19 =	smov.u32 s21;
	s17 =	sadd.s32 $0x1900, s17;
	[sflag:s9] =	ssyncset.done $0x0  }
0x45: {  	s18 =	sshra.s32 s18, $0x2;
	[sflag:s9] =	ssyncadd.s32 $0xFFFF9C00  }
0x46: {  	[tilespmem:s12], [sflag:$0x1] =	stream.indirect.gather [hbm4b:s3+s11], $0x80, s18, s11, $0xb8;
	[tilespmem:$0xDB00] =	vst v63  }
0x47: {  	_ =	swait.ge [sflag:s13], $0x6400  }
0x48: {  	[sflag:s13] =	ssyncset.done $0x0  }
0x49: {  	s19 =	sadd.s32 $0x980, s18;
	[sflag:s13] =	ssyncadd.s32 $0xFFFF9C00  }
0x4a: {  	[tilespmem:s12], [sflag:$0x1] =	stream.indirect.gather.add.s32 [hbm:s4], $0x80, s19, s11, $0xb8;
	[tilespmem:$0xDB00] =	vst v63  }
0x4b: {  	_ =	swait.ge [sflag:s13], $0x6400  }
0x4c: {  	[sflag:s13] =	ssyncset.done $0x0  }
0x4d: {  	s30 =	sadd.s32 $0xFFFFF380, s17;
	[sflag:s13] =	ssyncadd.s32 $0xFFFF9C00  }
0x4e: {  	[hbm4b:s30+s2] =	stream.linear.scatter [tilespmem:s12], [sflag:$0x3], $0x6400, $0x38;
	[tilespmem:$0xDB00] =	vst v63  }
0x4f: {  	_ =	swait.ge [sflag:s9], $0x6400  }
0x50: {  	[sflag:s9] =	ssyncset.done $0x0  }
0x51: {  	s31 =	sadd.s32 $0xC8, s18;
	[sflag:s9] =	ssyncadd.s32 $0xFFFF9C00  }
0x52: {  	[tilespmem:s14], [sflag:$0x2] =	stream.indirect.gather [hbm4b:s3+s11], $0x80, s31, s11, $0xb8;
	[tilespmem:$0xDB00] =	vst v63  }
0x53: {  	_ =	swait.ge [sflag:s15], $0x6400  }
0x54: {  	[sflag:s15] =	ssyncset.done $0x0  }
0x55: {  	s18 =	sadd.s32 $0xA48, s18;
	[sflag:s15] =	ssyncadd.s32 $0xFFFF9C00  }
0x56: {  	[tilespmem:s14], [sflag:$0x2] =	stream.indirect.gather.add.s32 [hbm:s4], $0x80, s18, s11, $0xb8;
	[tilespmem:$0xDB00] =	vst v63  }
0x57: {  	s16 =	sadd.s32 $0x1, s16;
	_ =	swait.ge [sflag:s15], $0x6400  }
0x58: {  	p0 =	sne.s32 s16, s7;
	[sflag:s15] =	ssyncset.done $0x0  }
.Ltmp1:
0x59: {  	[sflag:s15] =	ssyncadd.s32 $0xFFFF9C00;
	(pc) =	sbr.rel @p0 .LBB2_1-.Ltmp1, $4  }
0x5a: {  	[hbm4b:s17+s2] =	stream.linear.scatter [tilespmem:s14], [sflag:$0x3], $0x6400, $0x38;
	[tilespmem:$0xDB00] =	vst v63  }
0x5b: {  	_ =	swait.ge [sflag:s9], $0x6400  }
0x5c: {  	[sflag:s9] =	ssyncset.done $0x0  }
0x5d: {  	[sflag:s9] =	ssyncadd.s32 $0xFFFF9C00  }
0x5e: {  	_ =	sfence.sel $0x180000  }
0x5f: {  	[bflag:$0x0] =	sbarrier.arrive $0xFFFF  }
0x60: {  	p0 =	sne.s32 s0, $0x0;
	_ =	strace $0x9000004D  }
0x61: {  	s0 =	sadd.s32 @!p0 $0x100000, s1;
	[bflag:$0x2] =	sbarrier.arrive $0xFFFF  }
0x62: {  	[sflag:s0] =	ssyncadd.tile.s32 @!p0 $0x1;
	_ =	shalt  }
.Lfunc_end2:
_tile_overlayer_lowered:
.L_overlay_start_2:
0x63: {  	(tag) =	ssettag $0x2  }
0x64: {  	s0 =	rddreg [dreg:$0x0];
	s2 =	stileid.u32  }
0x65: {  	s1 =	rddreg [dreg:$0x1];
	p0 =	sne.s32 s2, $0x0  }
0x66: {  	s3 =	rddreg [dreg:$0x2];
	[bflag:$0x3] =	sbarrier.arrive $0xFFFF;
	s2 =	simm.s32 @!p0 $0x1C03  }
0x67: {  	[timem:s3], [sflag:s2] =	dma.local @!p0 [hbm:s0], s1  }
0x68: {  	s0 =	simm.s32 @!p0 $0x3  }
0x69: {  	_ =	swait.ge @!p0 [sflag:s0], s1  }
0x6a: {  	s1 =	ssub.s32 @!p0 $0x0, s1;
	[sflag:s0] =	ssyncset.done @!p0 $0x0  }
0x6b: {  	[sflag:s0] =	ssyncadd.s32 @!p0 s1  }
0x6c: {  	[bflag:$0x3] =	sbarrier.arrive $0xFFFF  }
0x6d: {  	_ =	shalt  }

// kernel: kernel.21.cloned.1.call-start
scs
__scs_entry_jumppad:
0x0: {  	(pc) =	sbr.rel $0x88, $3  }
0x1: {  	(tag) =	ssettag $0x0;
	lr =	simm.s32 $0x1  }
0x2: {  	[smem:$0x3F96] =	sst lr;
	_ =	strace $0xD0000000  }
0x3: {  	_ = 	snop  }
0x4: {  	_ = 	snop  }
0x5: {  	_ = 	snop  }
0x6: {  	_ = 	snop  }
0x7: {  	_ = 	snop  }
__scs_overlays_trampoline_lowered:
0x8: {  	[smem:$0x3FA5] =	sst s0  }
0x9: {  	[smem:$0x3FA6] =	sst s1  }
0xa: {  	[smem:$0x3FA7] =	sst s2  }
0xb: {  	[smem:$0x3FA8] =	sst s3  }
0xc: {  	[smem:$0x3FA9] =	sst s4  }
0xd: {  	[smem:$0x3FAA] =	sst s5  }
0xe: {  	[smem:$0x3FAB] =	sst s6  }
0xf: {  	[smem:$0x3FAC] =	sst s7  }
0x10: {  	[smem:$0x3FAD] =	sst s8  }
0x11: {  	[smem:$0x3FAE] =	sst s9;
	s0 =	simm.s32 @!p0 $0x0  }
0x12: {  	s1 =	sld [smem:$0x3F94];
	s0 =	simm.s32 @p0 $0x1  }
0x13: {  	[smem:$0x3FAF] =	sst s0;
	s0 =	simm.s32 @!p1 $0x0  }
0x14: {  	s2 =	sld [smem:$0x3F93];
	s0 =	simm.s32 @p1 $0x1  }
0x15: {  	[smem:$0x3FB0] =	sst s0;
	s0 =	simm.s32 @!p2 $0x0  }
0x16: {  	s3 =	sld [smem:$0x3FDB];
	s0 =	simm.s32 @p2 $0x1  }
0x17: {  	s4 =	simm.s32 $0x1BF5;
	[smem:$0x3FB2] =	sst s0  }
0x18: {  	s0 =	sld [smem:$0x3F95];
	_ =	swait.ge [sflag:s4], $0x0  }
0x19: {  	s7 =	sld [smem:$0x3F96]  }
0x1a: {  	s8 =	sadd.s32 $0xFFFFE003, lr  }
0x1b: {  	s9 =	sadd.s32 $0xFFFFFEF7, lr;
	s5 =	simm.s32 $0xFFFFFFFF;
	p2 =	slt.u32 s8, $0xFFFFF086  }
0x1c: {  	p1 =	slt.u32 s9, $0xF7A;
	s5 =	simm.s32 @!p2 $0x0  }
0x1d: {  	s5 =	simm.s32 @p1 $0x1;
	p0 =	seq.s32 s7, s2  }
0x1e: {  	s7 =	smul.u32 @!p0 $0xF7A, s2;
	p2 =	seq.s32 @!p0 s5, $0x0  }
0x1f: {  	s9 =	smul.u32 $0xF7A, s1;
	s8 =	simm.s32 @!p0 $0x1BF5;
	p2 =	por !p2, p0  }
0x20: {  	[sflag:s8] =	ssyncset.s32 @!p0 $0xFFFFF086;
	s6 =	sadd.s32 @!p0 s3, s7;
	s7 =	simm.s32 @!p0 $0x108  }
0x21: {  	s3 =	sadd.s32 s3, s9;
	s6 =	sadd.s32 @!p0 $0x88, s6;
	s7 =	simm.s32 @p2 $0x1082  }
0x22: {  	[simem:s7], [sflag:s8] =	dma.local @!p0 [hbm:s6], $0xF7A  }
0x23: {  	s9 =	sor.u32 $0xD0000000, s2;
	s6 =	simm.s32 $0x108;
	_ =	swait.ge @!p0 [sflag:s8], $0x0  }
0x24: {  	s3 =	sadd.s32 $0x88, s3;
	s6 =	simm.s32 @!p1 $0x1082;
	[sflag:s4] =	ssyncset.s32 $0xFFFFF086  }
0x25: {  	[simem:s6], [sflag:s4] =	dma.local [hbm:s3], $0xF7A  }
0x26: {  	[smem:$0x3F96] =	sst s1;
	(tag) =	ssettag s2;
	_ =	strace s9  }
0x27: {  	s1 =	sld [smem:$0x3FA6]  }
0x28: {  	s2 =	sld [smem:$0x3FA7]  }
0x29: {  	s4 =	sld [smem:$0x3FA9]  }
0x2a: {  	p0 =	seq.s32 s5, $0x0;
	s5 =	sld [smem:$0x3FAA]  }
0x2b: {  	s6 =	sld [smem:$0x3FAB]  }
0x2c: {  	s7 =	sld [smem:$0x3FAC]  }
0x2d: {  	s3 =	simm.s32 $0x108;
	s8 =	sld [smem:$0x3FAD]  }
0x2e: {  	s3 =	simm.s32 @!p0 $0x1082;
	s9 =	sld [smem:$0x3FAE]  }
0x2f: {  	lr =	sadd.s32 s0, s3;
	s0 =	sld [smem:$0x3FA5]  }
0x30: {  	s3 =	sld [smem:$0x3FA8]  }
0x31: {  	[smem:$0x3FB1] =	sst s10  }
0x32: {  	s10 =	sld [smem:$0x3FAF];
	_ =	sdelay $0x3  }
0x33: {  	p0 =	seq.s32 s10, $0x1;
	s10 =	sld [smem:$0x3FB1];
	_ =	sdelay $0x3  }
0x34: {  	[smem:$0x3FB1] =	sst s10  }
0x35: {  	s10 =	sld [smem:$0x3FB0];
	_ =	sdelay $0x3  }
0x36: {  	p1 =	seq.s32 s10, $0x1;
	s10 =	sld [smem:$0x3FB1];
	_ =	sdelay $0x3  }
0x37: {  	[smem:$0x3FB1] =	sst s10  }
0x38: {  	s10 =	sld [smem:$0x3FB2]  }
0x39: {  	_ = 	snop;
	(pc) =	sbr.ind lr, $3  }
0x3a: {  	_ = 	snop  }
0x3b: {  	_ = 	snop  }
0x3c: {  	p2 =	seq.s32 s10, $0x1;
	s10 =	sld [smem:$0x3FB1]  }
0x3d: {  	_ =	shalt  }
0x3e: {  	_ =	shalt  }
0x3f: {  	_ =	shalt  }
0x40: {  	_ =	shalt  }
0x41: {  	_ =	shalt  }
0x42: {  	_ =	shalt  }
0x43: {  	_ =	shalt  }
0x44: {  	_ =	shalt  }
0x45: {  	_ =	shalt  }
0x46: {  	_ =	shalt  }
0x47: {  	_ =	shalt  }
0x48: {  	_ =	shalt  }
0x49: {  	_ =	shalt  }
0x4a: {  	_ =	shalt  }
0x4b: {  	_ =	shalt  }
0x4c: {  	_ =	shalt  }
0x4d: {  	_ =	shalt  }
0x4e: {  	_ =	shalt  }
0x4f: {  	_ =	shalt  }
0x50: {  	_ =	shalt  }
0x51: {  	_ =	shalt  }
0x52: {  	_ =	shalt  }
0x53: {  	_ =	shalt  }
0x54: {  	_ =	shalt  }
0x55: {  	_ =	shalt  }
0x56: {  	_ =	shalt  }
0x57: {  	_ =	shalt  }
0x58: {  	_ =	shalt  }
0x59: {  	_ =	shalt  }
0x5a: {  	_ =	shalt  }
0x5b: {  	_ =	shalt  }
0x5c: {  	_ =	shalt  }
0x5d: {  	_ =	shalt  }
0x5e: {  	_ =	shalt  }
0x5f: {  	_ =	shalt  }
0x60: {  	_ =	shalt  }
0x61: {  	_ =	shalt  }
0x62: {  	_ =	shalt  }
0x63: {  	_ =	shalt  }
0x64: {  	_ =	shalt  }
0x65: {  	_ =	shalt  }
0x66: {  	_ =	shalt  }
0x67: {  	_ =	shalt  }
0x68: {  	_ =	shalt  }
0x69: {  	_ =	shalt  }
0x6a: {  	_ =	shalt  }
0x6b: {  	_ =	shalt  }
0x6c: {  	_ =	shalt  }
0x6d: {  	_ =	shalt  }
0x6e: {  	_ =	shalt  }
0x6f: {  	_ =	shalt  }
0x70: {  	_ =	shalt  }
0x71: {  	_ =	shalt  }
0x72: {  	_ =	shalt  }
0x73: {  	_ =	shalt  }
0x74: {  	_ =	shalt  }
0x75: {  	_ =	shalt  }
0x76: {  	_ =	shalt  }
0x77: {  	_ =	shalt  }
0x78: {  	_ =	shalt  }
0x79: {  	_ =	shalt  }
0x7a: {  	_ =	shalt  }
0x7b: {  	_ =	shalt  }
0x7c: {  	_ =	shalt  }
0x7d: {  	_ =	shalt  }
0x7e: {  	_ =	shalt  }
0x7f: {  	_ =	shalt  }
0x80: {  	_ =	shalt  }
0x81: {  	_ =	shalt  }
0x82: {  	_ =	shalt  }
0x83: {  	_ =	shalt  }
0x84: {  	_ =	shalt  }
0x85: {  	_ =	shalt  }
0x86: {  	_ =	shalt  }
0x87: {  	_ =	shalt  }
.Lfunc_end0:
.L_simem_size_0:
called_computation.3_lowered:
.L_overlay_start_0:
0x88: {  	s2 =	sld [smem:$0x3FD9]  }
0x89: {  	s3 =	sld [smem:$0x3FFE];
	_ =	sdelay $0x1  }
0x8a: {  	s1 =	srdreg.scid  }
0x8b: {  	s0 =	sand.u32 $0x1, s1  }
0x8c: {  	s17 =	sshll.u32 s0, $0xA;
	s2 =	sadd.s32 s3, s2  }
0x8d: {  	s2 =	sadd.s32 s2, s17  }
0x8e: {  	[smem:$0x3FBD] =	sst s2  }
0x8f: {  	_ = 	snop  }
0x90: {  	(tm) =	ssettm $0x1  }
0x91: {  	s18 =	sld [smem:$0x3FFB];
	_ =	sdelay $0x3  }
0x92: {  	_ =	strace s18  }
0x93: {  	s2 =	sld [smem:$0x3FFC];
	_ =	sdelay $0x3  }
0x94: {  	_ =	strace s2  }
0x95: {  	s2 =	sld [smem:$0x3FFD];
	_ =	sdelay $0x3  }
0x96: {  	_ =	strace s2  }
0x97: {  	_ =	strace $0x8FFFFFFF  }
0x98: {  	s19 =	sld [smem:$0x3FDB];
	_ =	sdelay $0x1  }
0x99: {  	s20 =	simm.s32 $_scs_section_size  }
0x9a: {  	s4 =	simm.s32 $_size__tile_overlayer_lowered;
	s5 =	simm.s32 $_tile_overlayer_lowered  }
0x9b: {  	s6 =	simm.s32 $0x1BFF;
	s21 =	sshll.u32 s5, $0x1;
	s3 =	sadd.s32 s20, s19  }
0x9c: {  	s22 =	simm.s32 $0x0;
	s4 =	sshll.u32 s4, $0x1;
	s5 =	sadd.s32 s21, s3  }
0x9d: {  	[timem:s22], [sflag:s6] =	dma.local [hbm:s5], s4  }
0x9e: {  	_ =	swait.ge [sflag:s6], s4  }
0x9f: {  	s4 =	ssub.s32 $0x0, s4;
	[sflag:s6] =	ssyncset.done $0x0  }
0xa0: {  	[sflag:s6] =	ssyncadd.s32 s4;
	_ =	sdelay $0x1  }
0xa1: {  	s23 =	simm.s32 $0x1B8B  }
0xa2: {  	_ =	swait.ge [sflag:s23], $0x1  }
0xa3: {  	[sflag:s23] =	ssyncset.done $0x0  }
0xa4: {  	[sflag:s23] =	ssyncadd.s32 $0xFFFFFFFF  }
0xa5: {  	s4 =	sld [smem:$0x0]  }
0xa6: {  	s5 =	sand.u32 $0xFFFFFFFE, s1  }
0xa7: {  	p0 =	sne.s32 s1, s5  }
0xa8: {  	s5 =	sshll.u32 @p0 s5, $0xE  }
0xa9: {  	s5 =	sadd.s32 @p0 $0x11B8D, s5;
	s6 =	sshll.u32 @p0 s4, $0x11  }
0xaa: {  	s5 =	sor.u32 @p0 s6, s5  }
0xab: {  	[sflag:s5] =	ssyncadd.remote.s32 @p0 $0x1;
	_ =	sdelay $0x1  }
0xac: {  	s5 =	simm.s32 @p0 $0x1B8D  }
0xad: {  	_ =	swait.eq @p0 [sflag:s5], $0x1  }
0xae: {  	[sflag:s5] =	ssyncadd.s32 @p0 $0xFFFFFFFF  }
0xaf: {  	s6 =	sshll.u32 @!p0 s1, $0xE  }
0xb0: {  	s6 =	sor.u32 @!p0 $0x4000, s6;
	s5 =	simm.s32 @!p0 $0x1B8D  }
0xb1: {  	s4 =	sshll.u32 @!p0 s4, $0x11;
	s6 =	sadd.s32 @!p0 $0x11B8D, s6;
	_ =	swait.eq @!p0 [sflag:s5], $0x1  }
0xb2: {  	s4 =	sor.u32 @!p0 s4, s6;
	[sflag:s5] =	ssyncadd.s32 @!p0 $0xFFFFFFFF  }
0xb3: {  	s25 =	simm.s32 $0x1B8E;
	s24 =	sld [smem:$0x3FFE];
	[sflag:s4] =	ssyncadd.remote.s32 @!p0 $0x1  }
0xb4: {  	s26 =	simm.s32 $execute0_lowered;
	[smem:$0x3FD2] =	sst s25  }
0xb5: {  	s5 =	sshll.u32 s26, $0x1;
	_ =	strace $0x8000004F;
	[dreg:$0x1] =	wrdreg $0xFFFFFFFF  }
0xb6: {  	s28 =	simm.s32 $_size_execute0_lowered;
	s3 =	sadd.s32 s3, s5;
	[dreg:$0x0] =	wrdreg $0x0  }
0xb7: {  	s5 =	sshll.u32 s28, $0x1;
	[dreg:$0x2] =	wrdreg s3  }
0xb8: {  	[dreg:$0x3] =	wrdreg s5  }
0xb9: {  	[dreg:$0x4] =	wrdreg $0xC0  }
0xba: {  	_ =	task [dreg:s22], $0x5FFFF  }
0xbb: {  	[dreg:$0x1] =	wrdreg $0xFFFFFFFF  }
0xbc: {  	[dreg:$0x0] =	wrdreg $0x60  }
0xbd: {  	[dreg:$0x2] =	wrdreg s24  }
0xbe: {  	[dreg:$0x3] =	wrdreg $0xC  }
0xbf: {  	_ =	task.clear_ibuf [dreg:s22], $0x4FFFF;
	_ =	strace $0x9000004F  }
0xc0: {  	s29 =	simm.s32 $0xC;
	_ =	strace $0x80000051  }
0xc1: {  	_ =	swait.ge [sflag:s29], $0x1  }
0xc2: {  	[sflag:s29] =	ssyncadd.s32 $0xFFFFFFFF  }
0xc3: {  	_ =	strace $0x90000051  }
0xc4: {  	_ =	sfence  }
0xc5: {  	s30 =	sld [smem:$0x0];
	_ =	sdelay $0x2  }
0xc6: {  	s31 =	sshll.u32 s1, $0xD;
	s1 =	sshrl.u32 s1, $0x2  }
0xc7: {  	s4 =	sand.u32 $0x4000, s31;
	s1 =	sadd.s32 s1, s30  }
0xc8: {  	s0 =	sor.u32 s4, s0;
	s1 =	sshll.u32 s1, $0x11  }
0xc9: {  	s0 =	sor.u32 s1, s0  }
0xca: {  	s0 =	sadd.s32 $0x8F2B, s0  }
0xcb: {  	[sflag:s0] =	ssyncadd.remote.s32 $0x1  }
0xcc: {  	_ =	sfence.sel $0xFFFF  }
0xcd: {  	[dreg:$0x0] =	wrdreg $0xFFFFFFFF;
	(pc) =	sbr.abs _section_cstart, $3  }
0xce: {  	[dreg:$0x1] =	wrdreg $0xFFFFFFFF  }
0xcf: {  	_ =	task.clear_ibuf [dreg:s22], $0x2FFFF;
	_ =	strace $0x9FFFFFFF  }
0xd0: {  	(tm) =	ssettm $0x7FFFFFFF  }
0xd1: {  	_ =	shalt  }
tec
execute0_lowered:
.L_overlay_start_1:
0x0: {  	(tag) =	ssettag $0x1  }
0x1: {  	s1 =	srdreg.scid  }
0x2: {  	s0 =	stileid.u32;
	s5 =	rddreg [dreg:$0x0];
	s2 =	simm.s32 $0x0  }
0x3: {  	s12 =	simm.s32 $0x1300;
	s13 =	simm.s32 $0x1;
	s14 =	simm.s32 $0x7700  }
0x4: {  	s15 =	simm.s32 $0x2;
	s6 =	sand.u32 $0x1, s1;
	s1 =	rddreg [dreg:$0x1]  }
0x5: {  	s16 =	simm.s32 $0x0;
	s3 =	sshll.u32 s0, $0x1;
	[smem:$0x7FF] =	sst s2  }
0x6: {  	s4 =	sadd.s32 $0x1400, s5;
	s8 =	smul.u32 $0x12C00, s0;
	s3 =	sor.u32 s6, s3  }
0x7: {  	_ =	strace $0x80000050;
	s9 =	ssub.s32 $0x2, s6;
	s7 =	smul.u32 $0x960, s3  }
0x8: {  	s11 =	smul.u32 $0x9600, s6;
	s3 =	sadd.s32 $0x28600, s5;
	s10 =	sshrl.u32 s9, $0x1  }
0x9: {  	s8 =	sadd.s32 s8, s5;
	s9 =	ssub.s32 s9, s10;
	s7 =	sshrl.u32 s7, $0x3  }
0xa: {  	s8 =	sadd.s32 s11, s8;
	s10 =	simm.s32 $0x980;
	s7 =	sadd.s32 s7, s5  }
0xb: {  	s11 =	simm.s32 $0xC8;
	s8 =	sadd.s32 $0x2BC480, s8;
	s5 =	sadd.s32 $0x5C600, s7  }
0xc: {  	s6 =	sadd.s32 $0x5A000, s7;
	s7 =	smax.u32 s9, $0x1;
	s9 =	simm.s32 $0x3  }
.LBB2_1:
0xd: {  	[tilespmem:s2], [sflag:$0x3] =	stream.linear.gather [hbm4b:s5+s2], $0x960, $0x38;
	[tilespmem:$0xDB00] =	vst v63  }
0xe: {  	_ =	swait.ge [sflag:s9], $0x960  }
0xf: {  	[sflag:s9] =	ssyncset.done $0x0  }
0x10: {  	[sflag:s9] =	ssyncadd.s32 $0xFFFFF6A0  }
0x11: {  	[tilespmem:s10], [sflag:$0x3] =	stream.linear.gather [hbm4b:s6+s2], $0x960, $0x38;
	[tilespmem:$0xDB00] =	vst v63  }
0x12: {  	_ =	swait.ge [sflag:s9], $0x960  }
0x13: {  	[sflag:s9] =	ssyncset.done $0x0  }
0x14: {  	s17 =	simm.s32 $0x0;
	[sflag:s9] =	ssyncadd.s32 $0xFFFFF6A0  }
0x15: {  	[tilespmem:s12], [sflag:$0x1] =	stream.indirect.gather [hbm4b:s3+s11], $0x80, s17, s11, $0xb8;
	[tilespmem:$0xDB00] =	vst v63  }
0x16: {  	_ =	swait.ge [sflag:s13], $0x6400  }
0x17: {  	[sflag:s13] =	ssyncset.done $0x0  }
0x18: {  	s28 =	simm.s32 $0x980;
	[sflag:s13] =	ssyncadd.s32 $0xFFFF9C00  }
0x19: {  	[tilespmem:s12], [sflag:$0x1] =	stream.indirect.gather.add.s32 [hbm:s4], $0x80, s28, s11, $0xb8;
	[tilespmem:$0xDB00] =	vst v63  }
0x1a: {  	_ =	swait.ge [sflag:s13], $0x6400  }
0x1b: {  	[sflag:s13] =	ssyncset.done $0x0  }
0x1c: {  	s29 =	sadd.s32 $0xFFFFF380, s8;
	[sflag:s13] =	ssyncadd.s32 $0xFFFF9C00  }
0x1d: {  	[hbm4b:s29+s2] =	stream.linear.scatter [tilespmem:s12], [sflag:$0x3], $0x6400, $0x38;
	[tilespmem:$0xDB00] =	vst v63  }
0x1e: {  	_ =	swait.ge [sflag:s9], $0x6400  }
0x1f: {  	[sflag:s9] =	ssyncset.done $0x0  }
0x20: {  	s30 =	simm.s32 $0xC8;
	[sflag:s9] =	ssyncadd.s32 $0xFFFF9C00  }
0x21: {  	[tilespmem:s14], [sflag:$0x2] =	stream.indirect.gather [hbm4b:s3+s11], $0x80, s30, s11, $0xb8;
	[tilespmem:$0xDB00] =	vst v63  }
0x22: {  	_ =	swait.ge [sflag:s15], $0x6400  }
0x23: {  	[sflag:s15] =	ssyncset.done $0x0  }
0x24: {  	s31 =	simm.s32 $0xA48;
	[sflag:s15] =	ssyncadd.s32 $0xFFFF9C00  }
0x25: {  	[tilespmem:s14], [sflag:$0x2] =	stream.indirect.gather.add.s32 [hbm:s4], $0x80, s31, s11, $0xb8;
	[tilespmem:$0xDB00] =	vst v63  }
0x26: {  	_ =	swait.ge [sflag:s15], $0x6400  }
0x27: {  	[sflag:s15] =	ssyncset.done $0x0  }
0x28: {  	[sflag:s15] =	ssyncadd.s32 $0xFFFF9C00  }
0x29: {  	[hbm4b:s8+s2] =	stream.linear.scatter [tilespmem:s14], [sflag:$0x3], $0x6400, $0x38;
	[tilespmem:$0xDB00] =	vst v63  }
0x2a: {  	s18 =	simm.s32 $0x640;
	_ =	swait.ge [sflag:s9], $0x6400  }
0x2b: {  	s19 =	simm.s32 $0xC80;
	s17 =	sadd.s32 $0x1900, s8;
	[sflag:s9] =	ssyncset.done $0x0  }
.LBB2_2:
0x2c: {  	s20 =	sshra.s32 s18, $0x2  }
0x2d: {  	[sflag:s9] =	ssyncadd.s32 $0xFFFF9C00;
	s18 =	smov.u32 s19;
	s21 =	sadd.s32 $0x640, s19  }
0x2e: {  	[tilespmem:s12], [sflag:$0x1] =	stream.indirect.gather [hbm4b:s3+s11], $0x80, s20, s11, $0xb8;
	[tilespmem:$0xDB00] =	vst v63  }
0x2f: {  	p0 =	sne.s32 s19, $0x1F40;
	_ =	swait.ge [sflag:s13], $0x6400  }
0x30: {  	[sflag:s13] =	ssyncset.done $0x0  }
0x31: {  	s19 =	sadd.s32 $0x980, s20;
	[sflag:s13] =	ssyncadd.s32 $0xFFFF9C00  }
0x32: {  	[tilespmem:s12], [sflag:$0x1] =	stream.indirect.gather.add.s32 [hbm:s4], $0x80, s19, s11, $0xb8;
	[tilespmem:$0xDB00] =	vst v63  }
0x33: {  	_ =	swait.ge [sflag:s13], $0x6400  }
0x34: {  	[sflag:s13] =	ssyncset.done $0x0  }
0x35: {  	s19 =	sadd.s32 $0xFFFFF380, s17;
	[sflag:s13] =	ssyncadd.s32 $0xFFFF9C00  }
0x36: {  	[hbm4b:s19+s2] =	stream.linear.scatter [tilespmem:s12], [sflag:$0x3], $0x6400, $0x38;
	[tilespmem:$0xDB00] =	vst v63  }
0x37: {  	_ =	swait.ge [sflag:s9], $0x6400  }
0x38: {  	[sflag:s9] =	ssyncset.done $0x0  }
0x39: {  	s19 =	sadd.s32 $0xC8, s20;
	[sflag:s9] =	ssyncadd.s32 $0xFFFF9C00  }
0x3a: {  	[tilespmem:s14], [sflag:$0x2] =	stream.indirect.gather [hbm4b:s3+s11], $0x80, s19, s11, $0xb8;
	[tilespmem:$0xDB00] =	vst v63  }
0x3b: {  	_ =	swait.ge [sflag:s15], $0x6400  }
0x3c: {  	[sflag:s15] =	ssyncset.done $0x0  }
0x3d: {  	s19 =	sadd.s32 $0xA48, s20;
	[sflag:s15] =	ssyncadd.s32 $0xFFFF9C00  }
0x3e: {  	[tilespmem:s14], [sflag:$0x2] =	stream.indirect.gather.add.s32 [hbm:s4], $0x80, s19, s11, $0xb8;
	[tilespmem:$0xDB00] =	vst v63  }
0x3f: {  	_ =	swait.ge [sflag:s15], $0x6400  }
.Ltmp0:
0x40: {  	[sflag:s15] =	ssyncset.done $0x0;
	(pc) =	sbr.rel @p0 .LBB2_2-.Ltmp0, $4  }
0x41: {  	[sflag:s15] =	ssyncadd.s32 $0xFFFF9C00  }
0x42: {  	[hbm4b:s17+s2] =	stream.linear.scatter [tilespmem:s14], [sflag:$0x3], $0x6400, $0x38;
	[tilespmem:$0xDB00] =	vst v63  }
0x43: {  	_ =	swait.ge [sflag:s9], $0x6400  }
0x44: {  	s19 =	smov.u32 s21;
	s17 =	sadd.s32 $0x1900, s17;
	[sflag:s9] =	ssyncset.done $0x0  }
0x45: {  	s18 =	sshra.s32 s18, $0x2;
	[sflag:s9] =	ssyncadd.s32 $0xFFFF9C00  }
0x46: {  	[tilespmem:s12], [sflag:$0x1] =	stream.indirect.gather [hbm4b:s3+s11], $0x80, s18, s11, $0xb8;
	[tilespmem:$0xDB00] =	vst v63  }
0x47: {  	_ =	swait.ge [sflag:s13], $0x6400  }
0x48: {  	[sflag:s13] =	ssyncset.done $0x0  }
0x49: {  	s19 =	sadd.s32 $0x980, s18;
	[sflag:s13] =	ssyncadd.s32 $0xFFFF9C00  }
0x4a: {  	[tilespmem:s12], [sflag:$0x1] =	stream.indirect.gather.add.s32 [hbm:s4], $0x80, s19, s11, $0xb8;
	[tilespmem:$0xDB00] =	vst v63  }
0x4b: {  	_ =	swait.ge [sflag:s13], $0x6400  }
0x4c: {  	[sflag:s13] =	ssyncset.done $0x0  }
0x4d: {  	s30 =	sadd.s32 $0xFFFFF380, s17;
	[sflag:s13] =	ssyncadd.s32 $0xFFFF9C00  }
0x4e: {  	[hbm4b:s30+s2] =	stream.linear.scatter [tilespmem:s12], [sflag:$0x3], $0x6400, $0x38;
	[tilespmem:$0xDB00] =	vst v63  }
0x4f: {  	_ =	swait.ge [sflag:s9], $0x6400  }
0x50: {  	[sflag:s9] =	ssyncset.done $0x0  }
0x51: {  	s31 =	sadd.s32 $0xC8, s18;
	[sflag:s9] =	ssyncadd.s32 $0xFFFF9C00  }
0x52: {  	[tilespmem:s14], [sflag:$0x2] =	stream.indirect.gather [hbm4b:s3+s11], $0x80, s31, s11, $0xb8;
	[tilespmem:$0xDB00] =	vst v63  }
0x53: {  	_ =	swait.ge [sflag:s15], $0x6400  }
0x54: {  	[sflag:s15] =	ssyncset.done $0x0  }
0x55: {  	s18 =	sadd.s32 $0xA48, s18;
	[sflag:s15] =	ssyncadd.s32 $0xFFFF9C00  }
0x56: {  	[tilespmem:s14], [sflag:$0x2] =	stream.indirect.gather.add.s32 [hbm:s4], $0x80, s18, s11, $0xb8;
	[tilespmem:$0xDB00] =	vst v63  }
0x57: {  	s16 =	sadd.s32 $0x1, s16;
	_ =	swait.ge [sflag:s15], $0x6400  }
0x58: {  	p0 =	sne.s32 s16, s7;
	[sflag:s15] =	ssyncset.done $0x0  }
.Ltmp1:
0x59: {  	[sflag:s15] =	ssyncadd.s32 $0xFFFF9C00;
	(pc) =	sbr.rel @p0 .LBB2_1-.Ltmp1, $4  }
0x5a: {  	[hbm4b:s17+s2] =	stream.linear.scatter [tilespmem:s14], [sflag:$0x3], $0x6400, $0x38;
	[tilespmem:$0xDB00] =	vst v63  }
0x5b: {  	_ =	swait.ge [sflag:s9], $0x6400  }
0x5c: {  	[sflag:s9] =	ssyncset.done $0x0  }
0x5d: {  	[sflag:s9] =	ssyncadd.s32 $0xFFFF9C00  }
0x5e: {  	_ =	sfence.sel $0x180000  }
0x5f: {  	[bflag:$0x0] =	sbarrier.arrive $0xFFFF  }
0x60: {  	p0 =	sne.s32 s0, $0x0;
	_ =	strace $0x90000050  }
0x61: {  	s0 =	sadd.s32 @!p0 $0x100000, s1;
	[bflag:$0x2] =	sbarrier.arrive $0xFFFF  }
0x62: {  	[sflag:s0] =	ssyncadd.tile.s32 @!p0 $0x1;
	_ =	shalt  }
.Lfunc_end2:
_tile_overlayer_lowered:
.L_overlay_start_2:
0x63: {  	(tag) =	ssettag $0x2  }
0x64: {  	s0 =	rddreg [dreg:$0x0];
	s2 =	stileid.u32  }
0x65: {  	s1 =	rddreg [dreg:$0x1];
	p0 =	sne.s32 s2, $0x0  }
0x66: {  	s3 =	rddreg [dreg:$0x2];
	[bflag:$0x3] =	sbarrier.arrive $0xFFFF;
	s2 =	simm.s32 @!p0 $0x1C03  }
0x67: {  	[timem:s3], [sflag:s2] =	dma.local @!p0 [hbm:s0], s1  }
0x68: {  	s0 =	simm.s32 @!p0 $0x3  }
0x69: {  	_ =	swait.ge @!p0 [sflag:s0], s1  }
0x6a: {  	s1 =	ssub.s32 @!p0 $0x0, s1;
	[sflag:s0] =	ssyncset.done @!p0 $0x0  }
0x6b: {  	[sflag:s0] =	ssyncadd.s32 @!p0 s1  }
0x6c: {  	[bflag:$0x3] =	sbarrier.arrive $0xFFFF  }
0x6d: {  	_ =	shalt  }

// kernel: kernel.24.cloned.1.call-start
scs
__scs_entry_jumppad:
0x0: {  	(pc) =	sbr.rel $0x88, $3  }
0x1: {  	(tag) =	ssettag $0x0;
	lr =	simm.s32 $0x1  }
0x2: {  	[smem:$0x3F96] =	sst lr;
	_ =	strace $0xD0000000  }
0x3: {  	_ = 	snop  }
0x4: {  	_ = 	snop  }
0x5: {  	_ = 	snop  }
0x6: {  	_ = 	snop  }
0x7: {  	_ = 	snop  }
__scs_overlays_trampoline_lowered:
0x8: {  	[smem:$0x3FA5] =	sst s0  }
0x9: {  	[smem:$0x3FA6] =	sst s1  }
0xa: {  	[smem:$0x3FA7] =	sst s2  }
0xb: {  	[smem:$0x3FA8] =	sst s3  }
0xc: {  	[smem:$0x3FA9] =	sst s4  }
0xd: {  	[smem:$0x3FAA] =	sst s5  }
0xe: {  	[smem:$0x3FAB] =	sst s6  }
0xf: {  	[smem:$0x3FAC] =	sst s7  }
0x10: {  	[smem:$0x3FAD] =	sst s8  }
0x11: {  	[smem:$0x3FAE] =	sst s9;
	s0 =	simm.s32 @!p0 $0x0  }
0x12: {  	s1 =	sld [smem:$0x3F94];
	s0 =	simm.s32 @p0 $0x1  }
0x13: {  	[smem:$0x3FAF] =	sst s0;
	s0 =	simm.s32 @!p1 $0x0  }
0x14: {  	s2 =	sld [smem:$0x3F93];
	s0 =	simm.s32 @p1 $0x1  }
0x15: {  	[smem:$0x3FB0] =	sst s0;
	s0 =	simm.s32 @!p2 $0x0  }
0x16: {  	s3 =	sld [smem:$0x3FDB];
	s0 =	simm.s32 @p2 $0x1  }
0x17: {  	s4 =	simm.s32 $0x1BF5;
	[smem:$0x3FB2] =	sst s0  }
0x18: {  	s0 =	sld [smem:$0x3F95];
	_ =	swait.ge [sflag:s4], $0x0  }
0x19: {  	s7 =	sld [smem:$0x3F96]  }
0x1a: {  	s8 =	sadd.s32 $0xFFFFE003, lr  }
0x1b: {  	s9 =	sadd.s32 $0xFFFFFEF7, lr;
	s5 =	simm.s32 $0xFFFFFFFF;
	p2 =	slt.u32 s8, $0xFFFFF086  }
0x1c: {  	p1 =	slt.u32 s9, $0xF7A;
	s5 =	simm.s32 @!p2 $0x0  }
0x1d: {  	s5 =	simm.s32 @p1 $0x1;
	p0 =	seq.s32 s7, s2  }
0x1e: {  	s7 =	smul.u32 @!p0 $0xF7A, s2;
	p2 =	seq.s32 @!p0 s5, $0x0  }
0x1f: {  	s9 =	smul.u32 $0xF7A, s1;
	s8 =	simm.s32 @!p0 $0x1BF5;
	p2 =	por !p2, p0  }
0x20: {  	[sflag:s8] =	ssyncset.s32 @!p0 $0xFFFFF086;
	s6 =	sadd.s32 @!p0 s3, s7;
	s7 =	simm.s32 @!p0 $0x108  }
0x21: {  	s3 =	sadd.s32 s3, s9;
	s6 =	sadd.s32 @!p0 $0x88, s6;
	s7 =	simm.s32 @p2 $0x1082  }
0x22: {  	[simem:s7], [sflag:s8] =	dma.local @!p0 [hbm:s6], $0xF7A  }
0x23: {  	s9 =	sor.u32 $0xD0000000, s2;
	s6 =	simm.s32 $0x108;
	_ =	swait.ge @!p0 [sflag:s8], $0x0  }
0x24: {  	s3 =	sadd.s32 $0x88, s3;
	s6 =	simm.s32 @!p1 $0x1082;
	[sflag:s4] =	ssyncset.s32 $0xFFFFF086  }
0x25: {  	[simem:s6], [sflag:s4] =	dma.local [hbm:s3], $0xF7A  }
0x26: {  	[smem:$0x3F96] =	sst s1;
	(tag) =	ssettag s2;
	_ =	strace s9  }
0x27: {  	s1 =	sld [smem:$0x3FA6]  }
0x28: {  	s2 =	sld [smem:$0x3FA7]  }
0x29: {  	s4 =	sld [smem:$0x3FA9]  }
0x2a: {  	p0 =	seq.s32 s5, $0x0;
	s5 =	sld [smem:$0x3FAA]  }
0x2b: {  	s6 =	sld [smem:$0x3FAB]  }
0x2c: {  	s7 =	sld [smem:$0x3FAC]  }
0x2d: {  	s3 =	simm.s32 $0x108;
	s8 =	sld [smem:$0x3FAD]  }
0x2e: {  	s3 =	simm.s32 @!p0 $0x1082;
	s9 =	sld [smem:$0x3FAE]  }
0x2f: {  	lr =	sadd.s32 s0, s3;
	s0 =	sld [smem:$0x3FA5]  }
0x30: {  	s3 =	sld [smem:$0x3FA8]  }
0x31: {  	[smem:$0x3FB1] =	sst s10  }
0x32: {  	s10 =	sld [smem:$0x3FAF];
	_ =	sdelay $0x3  }
0x33: {  	p0 =	seq.s32 s10, $0x1;
	s10 =	sld [smem:$0x3FB1];
	_ =	sdelay $0x3  }
0x34: {  	[smem:$0x3FB1] =	sst s10  }
0x35: {  	s10 =	sld [smem:$0x3FB0];
	_ =	sdelay $0x3  }
0x36: {  	p1 =	seq.s32 s10, $0x1;
	s10 =	sld [smem:$0x3FB1];
	_ =	sdelay $0x3  }
0x37: {  	[smem:$0x3FB1] =	sst s10  }
0x38: {  	s10 =	sld [smem:$0x3FB2]  }
0x39: {  	_ = 	snop;
	(pc) =	sbr.ind lr, $3  }
0x3a: {  	_ = 	snop  }
0x3b: {  	_ = 	snop  }
0x3c: {  	p2 =	seq.s32 s10, $0x1;
	s10 =	sld [smem:$0x3FB1]  }
0x3d: {  	_ =	shalt  }
0x3e: {  	_ =	shalt  }
0x3f: {  	_ =	shalt  }
0x40: {  	_ =	shalt  }
0x41: {  	_ =	shalt  }
0x42: {  	_ =	shalt  }
0x43: {  	_ =	shalt  }
0x44: {  	_ =	shalt  }
0x45: {  	_ =	shalt  }
0x46: {  	_ =	shalt  }
0x47: {  	_ =	shalt  }
0x48: {  	_ =	shalt  }
0x49: {  	_ =	shalt  }
0x4a: {  	_ =	shalt  }
0x4b: {  	_ =	shalt  }
0x4c: {  	_ =	shalt  }
0x4d: {  	_ =	shalt  }
0x4e: {  	_ =	shalt  }
0x4f: {  	_ =	shalt  }
0x50: {  	_ =	shalt  }
0x51: {  	_ =	shalt  }
0x52: {  	_ =	shalt  }
0x53: {  	_ =	shalt  }
0x54: {  	_ =	shalt  }
0x55: {  	_ =	shalt  }
0x56: {  	_ =	shalt  }
0x57: {  	_ =	shalt  }
0x58: {  	_ =	shalt  }
0x59: {  	_ =	shalt  }
0x5a: {  	_ =	shalt  }
0x5b: {  	_ =	shalt  }
0x5c: {  	_ =	shalt  }
0x5d: {  	_ =	shalt  }
0x5e: {  	_ =	shalt  }
0x5f: {  	_ =	shalt  }
0x60: {  	_ =	shalt  }
0x61: {  	_ =	shalt  }
0x62: {  	_ =	shalt  }
0x63: {  	_ =	shalt  }
0x64: {  	_ =	shalt  }
0x65: {  	_ =	shalt  }
0x66: {  	_ =	shalt  }
0x67: {  	_ =	shalt  }
0x68: {  	_ =	shalt  }
0x69: {  	_ =	shalt  }
0x6a: {  	_ =	shalt  }
0x6b: {  	_ =	shalt  }
0x6c: {  	_ =	shalt  }
0x6d: {  	_ =	shalt  }
0x6e: {  	_ =	shalt  }
0x6f: {  	_ =	shalt  }
0x70: {  	_ =	shalt  }
0x71: {  	_ =	shalt  }
0x72: {  	_ =	shalt  }
0x73: {  	_ =	shalt  }
0x74: {  	_ =	shalt  }
0x75: {  	_ =	shalt  }
0x76: {  	_ =	shalt  }
0x77: {  	_ =	shalt  }
0x78: {  	_ =	shalt  }
0x79: {  	_ =	shalt  }
0x7a: {  	_ =	shalt  }
0x7b: {  	_ =	shalt  }
0x7c: {  	_ =	shalt  }
0x7d: {  	_ =	shalt  }
0x7e: {  	_ =	shalt  }
0x7f: {  	_ =	shalt  }
0x80: {  	_ =	shalt  }
0x81: {  	_ =	shalt  }
0x82: {  	_ =	shalt  }
0x83: {  	_ =	shalt  }
0x84: {  	_ =	shalt  }
0x85: {  	_ =	shalt  }
0x86: {  	_ =	shalt  }
0x87: {  	_ =	shalt  }
.Lfunc_end0:
.L_simem_size_0:
called_computation.4_lowered:
.L_overlay_start_0:
0x88: {  	s2 =	sld [smem:$0x3FD9]  }
0x89: {  	s3 =	sld [smem:$0x3FFE];
	_ =	sdelay $0x1  }
0x8a: {  	s1 =	srdreg.scid  }
0x8b: {  	s0 =	sand.u32 $0x1, s1  }
0x8c: {  	s17 =	sshll.u32 s0, $0xA;
	s2 =	sadd.s32 s3, s2  }
0x8d: {  	s2 =	sadd.s32 s2, s17  }
0x8e: {  	[smem:$0x3FBD] =	sst s2  }
0x8f: {  	_ = 	snop  }
0x90: {  	(tm) =	ssettm $0x1  }
0x91: {  	s18 =	sld [smem:$0x3FFB];
	_ =	sdelay $0x3  }
0x92: {  	_ =	strace s18  }
0x93: {  	s2 =	sld [smem:$0x3FFC];
	_ =	sdelay $0x3  }
0x94: {  	_ =	strace s2  }
0x95: {  	s2 =	sld [smem:$0x3FFD];
	_ =	sdelay $0x3  }
0x96: {  	_ =	strace s2  }
0x97: {  	_ =	strace $0x8FFFFFFF  }
0x98: {  	s19 =	sld [smem:$0x3FDB];
	_ =	sdelay $0x1  }
0x99: {  	s20 =	simm.s32 $_scs_section_size  }
0x9a: {  	s4 =	simm.s32 $_size__tile_overlayer_lowered;
	s5 =	simm.s32 $_tile_overlayer_lowered  }
0x9b: {  	s6 =	simm.s32 $0x1BFF;
	s21 =	sshll.u32 s5, $0x1;
	s3 =	sadd.s32 s20, s19  }
0x9c: {  	s22 =	simm.s32 $0x0;
	s4 =	sshll.u32 s4, $0x1;
	s5 =	sadd.s32 s21, s3  }
0x9d: {  	[timem:s22], [sflag:s6] =	dma.local [hbm:s5], s4  }
0x9e: {  	_ =	swait.ge [sflag:s6], s4  }
0x9f: {  	s4 =	ssub.s32 $0x0, s4;
	[sflag:s6] =	ssyncset.done $0x0  }
0xa0: {  	[sflag:s6] =	ssyncadd.s32 s4;
	_ =	sdelay $0x1  }
0xa1: {  	s23 =	simm.s32 $0x1B8B  }
0xa2: {  	_ =	swait.ge [sflag:s23], $0x1  }
0xa3: {  	[sflag:s23] =	ssyncset.done $0x0  }
0xa4: {  	[sflag:s23] =	ssyncadd.s32 $0xFFFFFFFF  }
0xa5: {  	s4 =	sld [smem:$0x0]  }
0xa6: {  	s5 =	sand.u32 $0xFFFFFFFE, s1  }
0xa7: {  	p0 =	sne.s32 s1, s5  }
0xa8: {  	s5 =	sshll.u32 @p0 s5, $0xE  }
0xa9: {  	s5 =	sadd.s32 @p0 $0x11B8D, s5;
	s6 =	sshll.u32 @p0 s4, $0x11  }
0xaa: {  	s5 =	sor.u32 @p0 s6, s5  }
0xab: {  	[sflag:s5] =	ssyncadd.remote.s32 @p0 $0x1;
	_ =	sdelay $0x1  }
0xac: {  	s5 =	simm.s32 @p0 $0x1B8D  }
0xad: {  	_ =	swait.eq @p0 [sflag:s5], $0x1  }
0xae: {  	[sflag:s5] =	ssyncadd.s32 @p0 $0xFFFFFFFF  }
0xaf: {  	s6 =	sshll.u32 @!p0 s1, $0xE  }
0xb0: {  	s6 =	sor.u32 @!p0 $0x4000, s6;
	s5 =	simm.s32 @!p0 $0x1B8D  }
0xb1: {  	s4 =	sshll.u32 @!p0 s4, $0x11;
	s6 =	sadd.s32 @!p0 $0x11B8D, s6;
	_ =	swait.eq @!p0 [sflag:s5], $0x1  }
0xb2: {  	s4 =	sor.u32 @!p0 s4, s6;
	[sflag:s5] =	ssyncadd.s32 @!p0 $0xFFFFFFFF  }
0xb3: {  	s25 =	simm.s32 $0x1B8E;
	s24 =	sld [smem:$0x3FFE];
	[sflag:s4] =	ssyncadd.remote.s32 @!p0 $0x1  }
0xb4: {  	s26 =	simm.s32 $execute0_lowered;
	[smem:$0x3FD2] =	sst s25  }
0xb5: {  	s5 =	sshll.u32 s26, $0x1;
	_ =	strace $0x80000052;
	[dreg:$0x1] =	wrdreg $0xFFFFFFFF  }
0xb6: {  	s28 =	simm.s32 $_size_execute0_lowered;
	s3 =	sadd.s32 s3, s5;
	[dreg:$0x0] =	wrdreg $0x0  }
0xb7: {  	s5 =	sshll.u32 s28, $0x1;
	[dreg:$0x2] =	wrdreg s3  }
0xb8: {  	[dreg:$0x3] =	wrdreg s5  }
0xb9: {  	[dreg:$0x4] =	wrdreg $0xC0  }
0xba: {  	_ =	task [dreg:s22], $0x5FFFF  }
0xbb: {  	[dreg:$0x1] =	wrdreg $0xFFFFFFFF  }
0xbc: {  	[dreg:$0x0] =	wrdreg $0x60  }
0xbd: {  	[dreg:$0x2] =	wrdreg s24  }
0xbe: {  	[dreg:$0x3] =	wrdreg $0xD  }
0xbf: {  	_ =	task.clear_ibuf [dreg:s22], $0x4FFFF;
	_ =	strace $0x90000052  }
0xc0: {  	s29 =	simm.s32 $0xD;
	_ =	strace $0x80000054  }
0xc1: {  	_ =	swait.ge [sflag:s29], $0x1  }
0xc2: {  	[sflag:s29] =	ssyncadd.s32 $0xFFFFFFFF  }
0xc3: {  	_ =	strace $0x90000054  }
0xc4: {  	_ =	sfence  }
0xc5: {  	s30 =	sld [smem:$0x0];
	_ =	sdelay $0x2  }
0xc6: {  	s31 =	sshll.u32 s1, $0xD;
	s1 =	sshrl.u32 s1, $0x2  }
0xc7: {  	s4 =	sand.u32 $0x4000, s31;
	s1 =	sadd.s32 s1, s30  }
0xc8: {  	s0 =	sor.u32 s4, s0;
	s1 =	sshll.u32 s1, $0x11  }
0xc9: {  	s0 =	sor.u32 s1, s0  }
0xca: {  	s0 =	sadd.s32 $0x8F2B, s0  }
0xcb: {  	[sflag:s0] =	ssyncadd.remote.s32 $0x1  }
0xcc: {  	_ =	sfence.sel $0xFFFF  }
0xcd: {  	[dreg:$0x0] =	wrdreg $0xFFFFFFFF;
	(pc) =	sbr.abs _section_cstart, $3  }
0xce: {  	[dreg:$0x1] =	wrdreg $0xFFFFFFFF  }
0xcf: {  	_ =	task.clear_ibuf [dreg:s22], $0x2FFFF;
	_ =	strace $0x9FFFFFFF  }
0xd0: {  	(tm) =	ssettm $0x7FFFFFFF  }
0xd1: {  	_ =	shalt  }
tec
execute0_lowered:
.L_overlay_start_1:
0x0: {  	(tag) =	ssettag $0x1  }
0x1: {  	s1 =	srdreg.scid  }
0x2: {  	s0 =	stileid.u32;
	s5 =	rddreg [dreg:$0x0];
	s2 =	simm.s32 $0x0  }
0x3: {  	s12 =	simm.s32 $0x1300;
	s13 =	simm.s32 $0x1;
	s14 =	simm.s32 $0x7700  }
0x4: {  	s15 =	simm.s32 $0x2;
	s6 =	sand.u32 $0x1, s1;
	s1 =	rddreg [dreg:$0x1]  }
0x5: {  	s16 =	simm.s32 $0x0;
	s3 =	sshll.u32 s0, $0x1;
	[smem:$0x7FF] =	sst s2  }
0x6: {  	s4 =	sadd.s32 $0x1400, s5;
	s8 =	smul.u32 $0x12C00, s0;
	s3 =	sor.u32 s6, s3  }
0x7: {  	_ =	strace $0x80000053;
	s9 =	ssub.s32 $0x2, s6;
	s7 =	smul.u32 $0x960, s3  }
0x8: {  	s11 =	smul.u32 $0x9600, s6;
	s3 =	sadd.s32 $0x28600, s5;
	s10 =	sshrl.u32 s9, $0x1  }
0x9: {  	s8 =	sadd.s32 s8, s5;
	s9 =	ssub.s32 s9, s10;
	s7 =	sshrl.u32 s7, $0x3  }
0xa: {  	s8 =	sadd.s32 s11, s8;
	s10 =	simm.s32 $0x980;
	s7 =	sadd.s32 s7, s5  }
0xb: {  	s11 =	simm.s32 $0xC8;
	s8 =	sadd.s32 $0x3E8480, s8;
	s5 =	sadd.s32 $0x61200, s7  }
0xc: {  	s6 =	sadd.s32 $0x5EC00, s7;
	s7 =	smax.u32 s9, $0x1;
	s9 =	simm.s32 $0x3  }
.LBB2_1:
0xd: {  	[tilespmem:s2], [sflag:$0x3] =	stream.linear.gather [hbm4b:s5+s2], $0x960, $0x38;
	[tilespmem:$0xDB00] =	vst v63  }
0xe: {  	_ =	swait.ge [sflag:s9], $0x960  }
0xf: {  	[sflag:s9] =	ssyncset.done $0x0  }
0x10: {  	[sflag:s9] =	ssyncadd.s32 $0xFFFFF6A0  }
0x11: {  	[tilespmem:s10], [sflag:$0x3] =	stream.linear.gather [hbm4b:s6+s2], $0x960, $0x38;
	[tilespmem:$0xDB00] =	vst v63  }
0x12: {  	_ =	swait.ge [sflag:s9], $0x960  }
0x13: {  	[sflag:s9] =	ssyncset.done $0x0  }
0x14: {  	s17 =	simm.s32 $0x0;
	[sflag:s9] =	ssyncadd.s32 $0xFFFFF6A0  }
0x15: {  	[tilespmem:s12], [sflag:$0x1] =	stream.indirect.gather [hbm4b:s3+s11], $0x80, s17, s11, $0xb8;
	[tilespmem:$0xDB00] =	vst v63  }
0x16: {  	_ =	swait.ge [sflag:s13], $0x6400  }
0x17: {  	[sflag:s13] =	ssyncset.done $0x0  }
0x18: {  	s28 =	simm.s32 $0x980;
	[sflag:s13] =	ssyncadd.s32 $0xFFFF9C00  }
0x19: {  	[tilespmem:s12], [sflag:$0x1] =	stream.indirect.gather.add.s32 [hbm:s4], $0x80, s28, s11, $0xb8;
	[tilespmem:$0xDB00] =	vst v63  }
0x1a: {  	_ =	swait.ge [sflag:s13], $0x6400  }
0x1b: {  	[sflag:s13] =	ssyncset.done $0x0  }
0x1c: {  	s29 =	sadd.s32 $0xFFFFF380, s8;
	[sflag:s13] =	ssyncadd.s32 $0xFFFF9C00  }
0x1d: {  	[hbm4b:s29+s2] =	stream.linear.scatter [tilespmem:s12], [sflag:$0x3], $0x6400, $0x38;
	[tilespmem:$0xDB00] =	vst v63  }
0x1e: {  	_ =	swait.ge [sflag:s9], $0x6400  }
0x1f: {  	[sflag:s9] =	ssyncset.done $0x0  }
0x20: {  	s30 =	simm.s32 $0xC8;
	[sflag:s9] =	ssyncadd.s32 $0xFFFF9C00  }
0x21: {  	[tilespmem:s14], [sflag:$0x2] =	stream.indirect.gather [hbm4b:s3+s11], $0x80, s30, s11, $0xb8;
	[tilespmem:$0xDB00] =	vst v63  }
0x22: {  	_ =	swait.ge [sflag:s15], $0x6400  }
0x23: {  	[sflag:s15] =	ssyncset.done $0x0  }
0x24: {  	s31 =	simm.s32 $0xA48;
	[sflag:s15] =	ssyncadd.s32 $0xFFFF9C00  }
0x25: {  	[tilespmem:s14], [sflag:$0x2] =	stream.indirect.gather.add.s32 [hbm:s4], $0x80, s31, s11, $0xb8;
	[tilespmem:$0xDB00] =	vst v63  }
0x26: {  	_ =	swait.ge [sflag:s15], $0x6400  }
0x27: {  	[sflag:s15] =	ssyncset.done $0x0  }
0x28: {  	[sflag:s15] =	ssyncadd.s32 $0xFFFF9C00  }
0x29: {  	[hbm4b:s8+s2] =	stream.linear.scatter [tilespmem:s14], [sflag:$0x3], $0x6400, $0x38;
	[tilespmem:$0xDB00] =	vst v63  }
0x2a: {  	s18 =	simm.s32 $0x640;
	_ =	swait.ge [sflag:s9], $0x6400  }
0x2b: {  	s19 =	simm.s32 $0xC80;
	s17 =	sadd.s32 $0x1900, s8;
	[sflag:s9] =	ssyncset.done $0x0  }
.LBB2_2:
0x2c: {  	s20 =	sshra.s32 s18, $0x2  }
0x2d: {  	[sflag:s9] =	ssyncadd.s32 $0xFFFF9C00;
	s18 =	smov.u32 s19;
	s21 =	sadd.s32 $0x640, s19  }
0x2e: {  	[tilespmem:s12], [sflag:$0x1] =	stream.indirect.gather [hbm4b:s3+s11], $0x80, s20, s11, $0xb8;
	[tilespmem:$0xDB00] =	vst v63  }
0x2f: {  	p0 =	sne.s32 s19, $0x1F40;
	_ =	swait.ge [sflag:s13], $0x6400  }
0x30: {  	[sflag:s13] =	ssyncset.done $0x0  }
0x31: {  	s19 =	sadd.s32 $0x980, s20;
	[sflag:s13] =	ssyncadd.s32 $0xFFFF9C00  }
0x32: {  	[tilespmem:s12], [sflag:$0x1] =	stream.indirect.gather.add.s32 [hbm:s4], $0x80, s19, s11, $0xb8;
	[tilespmem:$0xDB00] =	vst v63  }
0x33: {  	_ =	swait.ge [sflag:s13], $0x6400  }
0x34: {  	[sflag:s13] =	ssyncset.done $0x0  }
0x35: {  	s19 =	sadd.s32 $0xFFFFF380, s17;
	[sflag:s13] =	ssyncadd.s32 $0xFFFF9C00  }
0x36: {  	[hbm4b:s19+s2] =	stream.linear.scatter [tilespmem:s12], [sflag:$0x3], $0x6400, $0x38;
	[tilespmem:$0xDB00] =	vst v63  }
0x37: {  	_ =	swait.ge [sflag:s9], $0x6400  }
0x38: {  	[sflag:s9] =	ssyncset.done $0x0  }
0x39: {  	s19 =	sadd.s32 $0xC8, s20;
	[sflag:s9] =	ssyncadd.s32 $0xFFFF9C00  }
0x3a: {  	[tilespmem:s14], [sflag:$0x2] =	stream.indirect.gather [hbm4b:s3+s11], $0x80, s19, s11, $0xb8;
	[tilespmem:$0xDB00] =	vst v63  }
0x3b: {  	_ =	swait.ge [sflag:s15], $0x6400  }
0x3c: {  	[sflag:s15] =	ssyncset.done $0x0  }
0x3d: {  	s19 =	sadd.s32 $0xA48, s20;
	[sflag:s15] =	ssyncadd.s32 $0xFFFF9C00  }
0x3e: {  	[tilespmem:s14], [sflag:$0x2] =	stream.indirect.gather.add.s32 [hbm:s4], $0x80, s19, s11, $0xb8;
	[tilespmem:$0xDB00] =	vst v63  }
0x3f: {  	_ =	swait.ge [sflag:s15], $0x6400  }
.Ltmp0:
0x40: {  	[sflag:s15] =	ssyncset.done $0x0;
	(pc) =	sbr.rel @p0 .LBB2_2-.Ltmp0, $4  }
0x41: {  	[sflag:s15] =	ssyncadd.s32 $0xFFFF9C00  }
0x42: {  	[hbm4b:s17+s2] =	stream.linear.scatter [tilespmem:s14], [sflag:$0x3], $0x6400, $0x38;
	[tilespmem:$0xDB00] =	vst v63  }
0x43: {  	_ =	swait.ge [sflag:s9], $0x6400  }
0x44: {  	s19 =	smov.u32 s21;
	s17 =	sadd.s32 $0x1900, s17;
	[sflag:s9] =	ssyncset.done $0x0  }
0x45: {  	s18 =	sshra.s32 s18, $0x2;
	[sflag:s9] =	ssyncadd.s32 $0xFFFF9C00  }
0x46: {  	[tilespmem:s12], [sflag:$0x1] =	stream.indirect.gather [hbm4b:s3+s11], $0x80, s18, s11, $0xb8;
	[tilespmem:$0xDB00] =	vst v63  }
0x47: {  	_ =	swait.ge [sflag:s13], $0x6400  }
0x48: {  	[sflag:s13] =	ssyncset.done $0x0  }
0x49: {  	s19 =	sadd.s32 $0x980, s18;
	[sflag:s13] =	ssyncadd.s32 $0xFFFF9C00  }
0x4a: {  	[tilespmem:s12], [sflag:$0x1] =	stream.indirect.gather.add.s32 [hbm:s4], $0x80, s19, s11, $0xb8;
	[tilespmem:$0xDB00] =	vst v63  }
0x4b: {  	_ =	swait.ge [sflag:s13], $0x6400  }
0x4c: {  	[sflag:s13] =	ssyncset.done $0x0  }
0x4d: {  	s30 =	sadd.s32 $0xFFFFF380, s17;
	[sflag:s13] =	ssyncadd.s32 $0xFFFF9C00  }
0x4e: {  	[hbm4b:s30+s2] =	stream.linear.scatter [tilespmem:s12], [sflag:$0x3], $0x6400, $0x38;
	[tilespmem:$0xDB00] =	vst v63  }
0x4f: {  	_ =	swait.ge [sflag:s9], $0x6400  }
0x50: {  	[sflag:s9] =	ssyncset.done $0x0  }
0x51: {  	s31 =	sadd.s32 $0xC8, s18;
	[sflag:s9] =	ssyncadd.s32 $0xFFFF9C00  }
0x52: {  	[tilespmem:s14], [sflag:$0x2] =	stream.indirect.gather [hbm4b:s3+s11], $0x80, s31, s11, $0xb8;
	[tilespmem:$0xDB00] =	vst v63  }
0x53: {  	_ =	swait.ge [sflag:s15], $0x6400  }
0x54: {  	[sflag:s15] =	ssyncset.done $0x0  }
0x55: {  	s18 =	sadd.s32 $0xA48, s18;
	[sflag:s15] =	ssyncadd.s32 $0xFFFF9C00  }
0x56: {  	[tilespmem:s14], [sflag:$0x2] =	stream.indirect.gather.add.s32 [hbm:s4], $0x80, s18, s11, $0xb8;
	[tilespmem:$0xDB00] =	vst v63  }
0x57: {  	s16 =	sadd.s32 $0x1, s16;
	_ =	swait.ge [sflag:s15], $0x6400  }
0x58: {  	p0 =	sne.s32 s16, s7;
	[sflag:s15] =	ssyncset.done $0x0  }
.Ltmp1:
0x59: {  	[sflag:s15] =	ssyncadd.s32 $0xFFFF9C00;
	(pc) =	sbr.rel @p0 .LBB2_1-.Ltmp1, $4  }
0x5a: {  	[hbm4b:s17+s2] =	stream.linear.scatter [tilespmem:s14], [sflag:$0x3], $0x6400, $0x38;
	[tilespmem:$0xDB00] =	vst v63  }
0x5b: {  	_ =	swait.ge [sflag:s9], $0x6400  }
0x5c: {  	[sflag:s9] =	ssyncset.done $0x0  }
0x5d: {  	[sflag:s9] =	ssyncadd.s32 $0xFFFF9C00  }
0x5e: {  	_ =	sfence.sel $0x180000  }
0x5f: {  	[bflag:$0x0] =	sbarrier.arrive $0xFFFF  }
0x60: {  	p0 =	sne.s32 s0, $0x0;
	_ =	strace $0x90000053  }
0x61: {  	s0 =	sadd.s32 @!p0 $0x100000, s1;
	[bflag:$0x2] =	sbarrier.arrive $0xFFFF  }
0x62: {  	[sflag:s0] =	ssyncadd.tile.s32 @!p0 $0x1;
	_ =	shalt  }
.Lfunc_end2:
_tile_overlayer_lowered:
.L_overlay_start_2:
0x63: {  	(tag) =	ssettag $0x2  }
0x64: {  	s0 =	rddreg [dreg:$0x0];
	s2 =	stileid.u32  }
0x65: {  	s1 =	rddreg [dreg:$0x1];
	p0 =	sne.s32 s2, $0x0  }
0x66: {  	s3 =	rddreg [dreg:$0x2];
	[bflag:$0x3] =	sbarrier.arrive $0xFFFF;
	s2 =	simm.s32 @!p0 $0x1C03  }
0x67: {  	[timem:s3], [sflag:s2] =	dma.local @!p0 [hbm:s0], s1  }
0x68: {  	s0 =	simm.s32 @!p0 $0x3  }
0x69: {  	_ =	swait.ge @!p0 [sflag:s0], s1  }
0x6a: {  	s1 =	ssub.s32 @!p0 $0x0, s1;
	[sflag:s0] =	ssyncset.done @!p0 $0x0  }
0x6b: {  	[sflag:s0] =	ssyncadd.s32 @!p0 s1  }
0x6c: {  	[bflag:$0x3] =	sbarrier.arrive $0xFFFF  }
0x6d: {  	_ =	shalt  }

</sc_bundles>
